<compile_context>
chip_gen: v7x
topology: tpu7x:2x2x1
jax: 0.10.2.dev20260603
libtpu: 0.0.44.dev20260713+nightly
codegen_flags: <defaults>
</compile_context>

<pallas_src>
import functools
import jax
import jax.numpy as jnp
from jax import lax
from jax.experimental import pallas as pl
from jax.experimental.pallas import tpu as pltpu
from jax.experimental.pallas import tpu_sc as plsc

E = 8
TOPK = 2
H = 1024
I = 2048
T = 2048
B = 256
NPAD = 5888
NB = NPAD // B
NTILE = 32
RPT = NPAD // NTILE


def _routing(router_logits):
    probs = jax.nn.softmax(router_logits.astype(jnp.float32), axis=-1)
    topw, topi = jax.lax.top_k(probs, TOPK)
    topw = topw / jnp.sum(topw, axis=-1, keepdims=True)
    return topw, topi.astype(jnp.int32)


def _dispatch(topi):
    N = T * TOPK
    flat_e = topi.reshape(-1)
    perm = jnp.argsort(flat_e, stable=True)
    sorted_e = flat_e[perm]
    counts = jnp.bincount(flat_e, length=E)
    offs = jnp.concatenate([jnp.zeros((1,), jnp.int32),
                            jnp.cumsum(counts)[:-1].astype(jnp.int32)])
    padded = ((counts + B - 1) // B) * B
    bounds = jnp.cumsum(padded).astype(jnp.int32)
    poffs = jnp.concatenate([jnp.zeros((1,), jnp.int32), bounds[:-1]])
    dest = (jnp.arange(N, dtype=jnp.int32) - offs[sorted_e] + poffs[sorted_e])
    order = jnp.zeros((NPAD,), jnp.int32).at[dest].set(
        (perm // TOPK).astype(jnp.int32))
    pos = jnp.zeros((N,), jnp.int32).at[perm].set(dest).reshape(T, TOPK)
    bstart = jnp.arange(32, dtype=jnp.int32) * B
    eb = jnp.minimum((bstart[:, None] >= bounds[None, :]).sum(-1), E - 1)
    num_active = (bounds[-1] // B).astype(jnp.int32)
    block_expert = eb.astype(jnp.int32).at[31].set(num_active)
    return order, pos, block_expert


_GCHUNKS = ((0, 24), (24, 24), (48, 24), (72, 24),
            (96, 24), (120, 24), (144, 24), (168, 16))


def _gather_rows(x, order):
    mesh = plsc.VectorSubcoreMesh(core_axis_name="c", subcore_axis_name="s")

    @functools.partial(
        pl.kernel, mesh=mesh,
        out_type=jax.ShapeDtypeStruct((NPAD, H), jnp.float32),
        scratch_types=(
            [pltpu.VMEM((RPT,), jnp.int32)]
            + [pltpu.VMEM((24, H), jnp.float32) for _ in range(4)]
            + [pltpu.SemaphoreType.DMA for _ in range(4)]
        ),
    )
    def k(x_hbm, order_hbm, xs_hbm, idx_v, b0, b1, b2, b3, s0, s1, s2, s3):
        wid = lax.axis_index("s") * 2 + lax.axis_index("c")
        base = wid * RPT
        pltpu.sync_copy(order_hbm.at[pl.ds(base, RPT)], idx_v)
        bufs = (b0, b1, b2, b3)
        sems = (s0, s1, s2, s3)
        nc = len(_GCHUNKS)
        cps = [None] * nc

        def start(j):
            off, sz = _GCHUNKS[j]
            cps[j] = pltpu.async_copy(
                x_hbm.at[idx_v.at[pl.ds(off, sz)]],
                bufs[j % 4].at[pl.ds(0, sz)], sems[j % 4])

        def finish(j):
            off, sz = _GCHUNKS[j]
            cps[j].wait()
            pltpu.sync_copy(bufs[j % 4].at[pl.ds(0, sz)],
                            xs_hbm.at[pl.ds(base + off, sz)])

        for j in range(4):
            start(j)
        for j in range(4, nc):
            finish(j - 4)
            start(j)
        for j in range(nc - 4, nc):
            finish(j)

    return k(x, order)


def _ffn_body(be_ref, xs_ref, gs_ref, w13_ref, w2_ref, y_ref):
    b = pl.program_id(0)

    @pl.when(b < be_ref[31])
    def _():
        xb = xs_ref[...]
        h = jax.lax.dot_general(xb, w13_ref[0], (((1,), (1,)), ((), ())),
                                preferred_element_type=jnp.float32)
        g = h[:, :I]
        u = h[:, I:]
        act = g * jax.nn.sigmoid(g) * u
        y = jax.lax.dot_general(act, w2_ref[0], (((1,), (1,)), ((), ())),
                                preferred_element_type=jnp.float32)
        y_ref[...] = y * gs_ref[...]

    @pl.when(b >= be_ref[31])
    def _():
        y_ref[...] = jnp.zeros((B, H), jnp.float32)


def _ffn_tc(block_expert, xs, gsort, w13_weight, w2_weight, interpret=False):
    grid_spec = pltpu.PrefetchScalarGridSpec(
        num_scalar_prefetch=1,
        grid=(NB,),
        in_specs=[
            pl.BlockSpec((B, H), lambda b, be: (b, 0)),
            pl.BlockSpec((B, 1), lambda b, be: (b, 0)),
            pl.BlockSpec((1, 2 * I, H), lambda b, be: (be[b], 0, 0)),
            pl.BlockSpec((1, H, I), lambda b, be: (be[b], 0, 0)),
        ],
        out_specs=pl.BlockSpec((B, H), lambda b, be: (b, 0)),
    )
    return pl.pallas_call(
        _ffn_body,
        grid_spec=grid_spec,
        out_shape=jax.ShapeDtypeStruct((NPAD, H), jnp.float32),
        compiler_params=pltpu.CompilerParams(
            dimension_semantics=("arbitrary",),
            vmem_limit_bytes=128 * 1024 * 1024,
        ),
        interpret=interpret,
    )(block_expert, xs, gsort.reshape(NPAD, 1), w13_weight, w2_weight)


TPT = T // NTILE


def _routing_sc(router_logits):
    ltflat = router_logits.astype(jnp.float32).T.reshape(-1)
    mesh = plsc.VectorSubcoreMesh(core_axis_name="c", subcore_axis_name="s")

    @functools.partial(
        pl.kernel, mesh=mesh,
        out_type=(jax.ShapeDtypeStruct((TOPK * T,), jnp.float32),
                  jax.ShapeDtypeStruct((TOPK * T,), jnp.int32)),
        scratch_types=[
            pltpu.VMEM((E * TPT,), jnp.float32),
            pltpu.VMEM((TPT,), jnp.float32),
            pltpu.VMEM((TPT,), jnp.float32),
            pltpu.VMEM((TPT,), jnp.int32),
            pltpu.VMEM((TPT,), jnp.int32),
        ],
    )
    def k(lt_hbm, g_hbm, e_hbm, ltv, g0v, g1v, e0v, e1v):
        wid = lax.axis_index("s") * 2 + lax.axis_index("c")
        base = wid * TPT
        for e in range(E):
            pltpu.sync_copy(lt_hbm.at[pl.ds(e * T + base, TPT)],
                            ltv.at[pl.ds(e * TPT, TPT)])
        for g in range(TPT // 16):
            l0 = ltv[pl.ds(g * 16, 16)]
            m0 = l0
            i0 = jnp.zeros((16,), jnp.int32)
            m1 = jnp.full((16,), -3.0e38, jnp.float32)
            i1 = jnp.zeros((16,), jnp.int32)
            for e in range(1, E):
                le = ltv[pl.ds(e * TPT + g * 16, 16)]
                ev = jnp.full((16,), e, jnp.int32)
                gt0 = le > m0
                gt1 = le > m1
                i1 = jnp.where(gt0, i0, jnp.where(gt1, ev, i1))
                m1 = jnp.where(gt0, m0, jnp.where(gt1, le, m1))
                i0 = jnp.where(gt0, ev, i0)
                m0 = jnp.where(gt0, le, m0)
            t = jnp.exp(m1 - m0)
            d = jnp.float32(1.0) + t
            g0v[pl.ds(g * 16, 16)] = jnp.float32(1.0) / d
            g1v[pl.ds(g * 16, 16)] = t / d
            e0v[pl.ds(g * 16, 16)] = i0
            e1v[pl.ds(g * 16, 16)] = i1
        pltpu.sync_copy(g0v, g_hbm.at[pl.ds(base, TPT)])
        pltpu.sync_copy(g1v, g_hbm.at[pl.ds(T + base, TPT)])
        pltpu.sync_copy(e0v, e_hbm.at[pl.ds(base, TPT)])
        pltpu.sync_copy(e1v, e_hbm.at[pl.ds(T + base, TPT)])

    gflat, eflat = k(ltflat)
    g2 = gflat.reshape(TOPK, T)
    e2 = eflat.reshape(TOPK, T)
    return (g2[0], g2[1]), (e2[0], e2[1])


def _combine(y, pos):
    return y[pos[0]] + y[pos[1]]


def kernel(x, router_logits, w13_weight, w2_weight):
    gates2, eids2 = _routing_sc(router_logits)
    gates = jnp.stack([gates2[0], gates2[1]], axis=1)
    topi = jnp.stack([eids2[0], eids2[1]], axis=1)
    order, pos, block_expert = _dispatch(topi)
    gsort = jnp.zeros((NPAD,), jnp.float32).at[pos.reshape(-1)].set(
        gates.reshape(-1))
    xs = _gather_rows(x, order)
    y = _ffn_tc(block_expert, xs, gsort, w13_weight, w2_weight)
    return _combine(y, (pos[:, 0], pos[:, 1]))

# --- scband reference (transcript-rebuilt; emitter-appended) ---
"""Pipeline reference for scband-fused-mo-e-85890755985610 (READ-ONLY COPY).

The authoritative reference and input builder live on the scoring server;
editing this copy changes nothing except your own understanding.
"""

import jax, jax.numpy as jnp
import numpy as np

E = 8
TOPK = 2
H = 1024
I = 2048
T = 2048


def setup_inputs(seed: int = 0) -> dict:
    key = jax.random.key(seed)
    k1, k2, k3, k4 = jax.random.split(key, 4)
    x = jax.random.normal(k1, (T, H), dtype=jnp.float32)
    router_logits = jax.random.normal(k2, (T, E), dtype=jnp.float32)
    # learned parameters sized per init_kwargs: w13 fuses gate and up projections
    w13_weight = jax.random.normal(k3, (E, 2 * I, H), dtype=jnp.float32) * 0.02
    w2_weight = jax.random.normal(k4, (E, H, I), dtype=jnp.float32) * 0.02
    return {"x": x, "router_logits": router_logits, "w13_weight": w13_weight, "w2_weight": w2_weight}


def reference(x, router_logits, w13_weight, w2_weight):
    # select_experts: softmax topk routing with renormalization
    probs = jax.nn.softmax(router_logits.astype(jnp.float32), axis=-1)
    topk_weights, topk_ids = jax.lax.top_k(probs, TOPK)
    topk_weights = topk_weights / jnp.sum(topk_weights, axis=-1, keepdims=True)
    topk_weights = topk_weights.astype(x.dtype)
    # fused_experts (native reference): each token processed by its topk experts
    out = jnp.zeros_like(x)
    for e in range(E):
        mask = (topk_ids == e).astype(x.dtype)  # [T, TOPK]
        w_tok = jnp.sum(topk_weights * mask, axis=-1)  # [T]
        h = x @ w13_weight[e].T  # [T, 2I]
        gate, up = jnp.split(h, 2, axis=-1)
        act = jax.nn.silu(gate) * up  # [T, I]
        y = act @ w2_weight[e].T  # [T, H]
        out = out + w_tok[:, None] * y
    return out

if __name__ == "__main__":
    import jax
    _d = setup_inputs()
    print(jax.jit(kernel)(*tuple(_d.values())))

</pallas_src>

<mosaic_0001>
#map = affine_map<(d0, d1) -> (0)>
module attributes {stable_mosaic.version = 14 : i64} {
  func.func @k(%arg0: i32, %arg1: i32, %arg2: memref<16384xf32, #tpu.memory_space<hbm>>, %arg3: memref<4096xf32, #tpu.memory_space<hbm>>, %arg4: memref<4096xi32, #tpu.memory_space<hbm>>, %arg5: memref<512xf32, #tpu.memory_space<vmem>>, %arg6: memref<64xf32, #tpu.memory_space<vmem>>, %arg7: memref<64xf32, #tpu.memory_space<vmem>>, %arg8: memref<64xi32, #tpu.memory_space<vmem>>, %arg9: memref<64xi32, #tpu.memory_space<vmem>>) attributes {dimension_semantics = [#tpu.dimension_semantics<core_parallel>, #tpu.dimension_semantics<subcore_parallel>], iteration_bounds = array<i64: 2, 16>, scalar_prefetch = 0 : i64, scratch_operands = 5 : i64, tpu.core_type = #tpu.core_type<sc_vector_subcore>, window_params = [{transform_indices = #map}, {transform_indices = #map}, {transform_indices = #map}]} {
    %mul3A = arith.constant 2 : i32
    %mul3A_0 = arith.muli %arg1, %mul3A : i32
    %add3A = arith.addi %mul3A_0, %arg0 : i32
    %mul3A_1 = arith.constant 64 : i32
    %mul3A_2 = arith.muli %add3A, %mul3A_1 : i32
    %add3A_3 = arith.constant 0 : i32
    %add3A_4 = arith.addi %add3A_3, %mul3A_2 : i32
    "tpu.region"() ({
      %run_scoped3A = tpu.sem_alloc : memref<!tpu.dma_semaphore, #tpu.memory_space<semaphore_mem>>
      %dma_start3A = arith.constant 0 : i32
      %dma_start3A_515 = tpu.memref_slice %arg5[%dma_start3A] : memref<512xf32, #tpu.memory_space<vmem>> -> memref<64xf32, #tpu.memory_space<vmem>>
      %dma_start3A_516 = tpu.memref_slice %arg2[%add3A_4] : memref<16384xf32, #tpu.memory_space<hbm>> -> memref<64xf32, #tpu.memory_space<hbm>>
      %dma_start3A_517 = arith.constant 0 : i32
      %dma_start3A_518 = tpu.memref_slice %arg5[%dma_start3A_517] : memref<512xf32, #tpu.memory_space<vmem>> -> memref<64xf32, #tpu.memory_space<vmem>>
      %dma_start3A_519 = tpu.memref_slice %arg2[%add3A_4] : memref<16384xf32, #tpu.memory_space<hbm>> -> memref<64xf32, #tpu.memory_space<hbm>>
      tpu.enqueue_dma source(%dma_start3A_519 : memref<64xf32, #tpu.memory_space<hbm>>) target(%dma_start3A_518 : memref<64xf32, #tpu.memory_space<vmem>>) target_semaphore(%run_scoped3A : memref<!tpu.dma_semaphore, #tpu.memory_space<semaphore_mem>>)
      %dma_wait3A = arith.constant 0 : i32
      %dma_wait3A_520 = tpu.memref_slice %arg5[%dma_wait3A] : memref<512xf32, #tpu.memory_space<vmem>> -> memref<64xf32, #tpu.memory_space<vmem>>
      %dma_wait3A_521 = tpu.memref_slice %arg2[%add3A_4] : memref<16384xf32, #tpu.memory_space<hbm>> -> memref<64xf32, #tpu.memory_space<hbm>>
      %dma_wait3A_522 = arith.constant 0 : i32
      %dma_wait3A_523 = tpu.memref_slice %arg5[%dma_wait3A_522] : memref<512xf32, #tpu.memory_space<vmem>> -> memref<64xf32, #tpu.memory_space<vmem>>
      %dma_wait3A_524 = tpu.memref_slice %arg2[%add3A_4] : memref<16384xf32, #tpu.memory_space<hbm>> -> memref<64xf32, #tpu.memory_space<hbm>>
      tpu.wait_dma2 semaphore(%run_scoped3A : memref<!tpu.dma_semaphore, #tpu.memory_space<semaphore_mem>>) src(%dma_wait3A_524 : memref<64xf32, #tpu.memory_space<hbm>>) dst(%dma_wait3A_523 : memref<64xf32, #tpu.memory_space<vmem>>)
      tpu.yield
    }) : () -> ()
    %add3A_5 = arith.constant 2048 : i32
    %add3A_6 = arith.addi %add3A_5, %mul3A_2 : i32
    "tpu.region"() ({
      %run_scoped3A = tpu.sem_alloc : memref<!tpu.dma_semaphore, #tpu.memory_space<semaphore_mem>>
      %dma_start3A = arith.constant 64 : i32
      %dma_start3A_515 = tpu.memref_slice %arg5[%dma_start3A] : memref<512xf32, #tpu.memory_space<vmem>> -> memref<64xf32, #tpu.memory_space<vmem>>
      %dma_start3A_516 = tpu.memref_slice %arg2[%add3A_6] : memref<16384xf32, #tpu.memory_space<hbm>> -> memref<64xf32, #tpu.memory_space<hbm>>
      %dma_start3A_517 = arith.constant 64 : i32
      %dma_start3A_518 = tpu.memref_slice %arg5[%dma_start3A_517] : memref<512xf32, #tpu.memory_space<vmem>> -> memref<64xf32, #tpu.memory_space<vmem>>
      %dma_start3A_519 = tpu.memref_slice %arg2[%add3A_6] : memref<16384xf32, #tpu.memory_space<hbm>> -> memref<64xf32, #tpu.memory_space<hbm>>
      tpu.enqueue_dma source(%dma_start3A_519 : memref<64xf32, #tpu.memory_space<hbm>>) target(%dma_start3A_518 : memref<64xf32, #tpu.memory_space<vmem>>) target_semaphore(%run_scoped3A : memref<!tpu.dma_semaphore, #tpu.memory_space<semaphore_mem>>)
      %dma_wait3A = arith.constant 64 : i32
      %dma_wait3A_520 = tpu.memref_slice %arg5[%dma_wait3A] : memref<512xf32, #tpu.memory_space<vmem>> -> memref<64xf32, #tpu.memory_space<vmem>>
      %dma_wait3A_521 = tpu.memref_slice %arg2[%add3A_6] : memref<16384xf32, #tpu.memory_space<hbm>> -> memref<64xf32, #tpu.memory_space<hbm>>
      %dma_wait3A_522 = arith.constant 64 : i32
      %dma_wait3A_523 = tpu.memref_slice %arg5[%dma_wait3A_522] : memref<512xf32, #tpu.memory_space<vmem>> -> memref<64xf32, #tpu.memory_space<vmem>>
      %dma_wait3A_524 = tpu.memref_slice %arg2[%add3A_6] : memref<16384xf32, #tpu.memory_space<hbm>> -> memref<64xf32, #tpu.memory_space<hbm>>
      tpu.wait_dma2 semaphore(%run_scoped3A : memref<!tpu.dma_semaphore, #tpu.memory_space<semaphore_mem>>) src(%dma_wait3A_524 : memref<64xf32, #tpu.memory_space<hbm>>) dst(%dma_wait3A_523 : memref<64xf32, #tpu.memory_space<vmem>>)
      tpu.yield
    }) : () -> ()
    %add3A_7 = arith.constant 4096 : i32
    %add3A_8 = arith.addi %add3A_7, %mul3A_2 : i32
    "tpu.region"() ({
      %run_scoped3A = tpu.sem_alloc : memref<!tpu.dma_semaphore, #tpu.memory_space<semaphore_mem>>
      %dma_start3A = arith.constant 128 : i32
      %dma_start3A_515 = tpu.memref_slice %arg5[%dma_start3A] : memref<512xf32, #tpu.memory_space<vmem>> -> memref<64xf32, #tpu.memory_space<vmem>>
      %dma_start3A_516 = tpu.memref_slice %arg2[%add3A_8] : memref<16384xf32, #tpu.memory_space<hbm>> -> memref<64xf32, #tpu.memory_space<hbm>>
      %dma_start3A_517 = arith.constant 128 : i32
      %dma_start3A_518 = tpu.memref_slice %arg5[%dma_start3A_517] : memref<512xf32, #tpu.memory_space<vmem>> -> memref<64xf32, #tpu.memory_space<vmem>>
      %dma_start3A_519 = tpu.memref_slice %arg2[%add3A_8] : memref<16384xf32, #tpu.memory_space<hbm>> -> memref<64xf32, #tpu.memory_space<hbm>>
      tpu.enqueue_dma source(%dma_start3A_519 : memref<64xf32, #tpu.memory_space<hbm>>) target(%dma_start3A_518 : memref<64xf32, #tpu.memory_space<vmem>>) target_semaphore(%run_scoped3A : memref<!tpu.dma_semaphore, #tpu.memory_space<semaphore_mem>>)
      %dma_wait3A = arith.constant 128 : i32
      %dma_wait3A_520 = tpu.memref_slice %arg5[%dma_wait3A] : memref<512xf32, #tpu.memory_space<vmem>> -> memref<64xf32, #tpu.memory_space<vmem>>
      %dma_wait3A_521 = tpu.memref_slice %arg2[%add3A_8] : memref<16384xf32, #tpu.memory_space<hbm>> -> memref<64xf32, #tpu.memory_space<hbm>>
      %dma_wait3A_522 = arith.constant 128 : i32
      %dma_wait3A_523 = tpu.memref_slice %arg5[%dma_wait3A_522] : memref<512xf32, #tpu.memory_space<vmem>> -> memref<64xf32, #tpu.memory_space<vmem>>
      %dma_wait3A_524 = tpu.memref_slice %arg2[%add3A_8] : memref<16384xf32, #tpu.memory_space<hbm>> -> memref<64xf32, #tpu.memory_space<hbm>>
      tpu.wait_dma2 semaphore(%run_scoped3A : memref<!tpu.dma_semaphore, #tpu.memory_space<semaphore_mem>>) src(%dma_wait3A_524 : memref<64xf32, #tpu.memory_space<hbm>>) dst(%dma_wait3A_523 : memref<64xf32, #tpu.memory_space<vmem>>)
      tpu.yield
    }) : () -> ()
    %add3A_9 = arith.constant 6144 : i32
    %add3A_10 = arith.addi %add3A_9, %mul3A_2 : i32
    "tpu.region"() ({
      %run_scoped3A = tpu.sem_alloc : memref<!tpu.dma_semaphore, #tpu.memory_space<semaphore_mem>>
      %dma_start3A = arith.constant 192 : i32
      %dma_start3A_515 = tpu.memref_slice %arg5[%dma_start3A] : memref<512xf32, #tpu.memory_space<vmem>> -> memref<64xf32, #tpu.memory_space<vmem>>
      %dma_start3A_516 = tpu.memref_slice %arg2[%add3A_10] : memref<16384xf32, #tpu.memory_space<hbm>> -> memref<64xf32, #tpu.memory_space<hbm>>
      %dma_start3A_517 = arith.constant 192 : i32
      %dma_start3A_518 = tpu.memref_slice %arg5[%dma_start3A_517] : memref<512xf32, #tpu.memory_space<vmem>> -> memref<64xf32, #tpu.memory_space<vmem>>
      %dma_start3A_519 = tpu.memref_slice %arg2[%add3A_10] : memref<16384xf32, #tpu.memory_space<hbm>> -> memref<64xf32, #tpu.memory_space<hbm>>
      tpu.enqueue_dma source(%dma_start3A_519 : memref<64xf32, #tpu.memory_space<hbm>>) target(%dma_start3A_518 : memref<64xf32, #tpu.memory_space<vmem>>) target_semaphore(%run_scoped3A : memref<!tpu.dma_semaphore, #tpu.memory_space<semaphore_mem>>)
      %dma_wait3A = arith.constant 192 : i32
      %dma_wait3A_520 = tpu.memref_slice %arg5[%dma_wait3A] : memref<512xf32, #tpu.memory_space<vmem>> -> memref<64xf32, #tpu.memory_space<vmem>>
      %dma_wait3A_521 = tpu.memref_slice %arg2[%add3A_10] : memref<16384xf32, #tpu.memory_space<hbm>> -> memref<64xf32, #tpu.memory_space<hbm>>
      %dma_wait3A_522 = arith.constant 192 : i32
      %dma_wait3A_523 = tpu.memref_slice %arg5[%dma_wait3A_522] : memref<512xf32, #tpu.memory_space<vmem>> -> memref<64xf32, #tpu.memory_space<vmem>>
      %dma_wait3A_524 = tpu.memref_slice %arg2[%add3A_10] : memref<16384xf32, #tpu.memory_space<hbm>> -> memref<64xf32, #tpu.memory_space<hbm>>
      tpu.wait_dma2 semaphore(%run_scoped3A : memref<!tpu.dma_semaphore, #tpu.memory_space<semaphore_mem>>) src(%dma_wait3A_524 : memref<64xf32, #tpu.memory_space<hbm>>) dst(%dma_wait3A_523 : memref<64xf32, #tpu.memory_space<vmem>>)
      tpu.yield
    }) : () -> ()
    %add3A_11 = arith.constant 8192 : i32
    %add3A_12 = arith.addi %add3A_11, %mul3A_2 : i32
    "tpu.region"() ({
      %run_scoped3A = tpu.sem_alloc : memref<!tpu.dma_semaphore, #tpu.memory_space<semaphore_mem>>
      %dma_start3A = arith.constant 256 : i32
      %dma_start3A_515 = tpu.memref_slice %arg5[%dma_start3A] : memref<512xf32, #tpu.memory_space<vmem>> -> memref<64xf32, #tpu.memory_space<vmem>>
      %dma_start3A_516 = tpu.memref_slice %arg2[%add3A_12] : memref<16384xf32, #tpu.memory_space<hbm>> -> memref<64xf32, #tpu.memory_space<hbm>>
      %dma_start3A_517 = arith.constant 256 : i32
      %dma_start3A_518 = tpu.memref_slice %arg5[%dma_start3A_517] : memref<512xf32, #tpu.memory_space<vmem>> -> memref<64xf32, #tpu.memory_space<vmem>>
      %dma_start3A_519 = tpu.memref_slice %arg2[%add3A_12] : memref<16384xf32, #tpu.memory_space<hbm>> -> memref<64xf32, #tpu.memory_space<hbm>>
      tpu.enqueue_dma source(%dma_start3A_519 : memref<64xf32, #tpu.memory_space<hbm>>) target(%dma_start3A_518 : memref<64xf32, #tpu.memory_space<vmem>>) target_semaphore(%run_scoped3A : memref<!tpu.dma_semaphore, #tpu.memory_space<semaphore_mem>>)
      %dma_wait3A = arith.constant 256 : i32
      %dma_wait3A_520 = tpu.memref_slice %arg5[%dma_wait3A] : memref<512xf32, #tpu.memory_space<vmem>> -> memref<64xf32, #tpu.memory_space<vmem>>
      %dma_wait3A_521 = tpu.memref_slice %arg2[%add3A_12] : memref<16384xf32, #tpu.memory_space<hbm>> -> memref<64xf32, #tpu.memory_space<hbm>>
      %dma_wait3A_522 = arith.constant 256 : i32
      %dma_wait3A_523 = tpu.memref_slice %arg5[%dma_wait3A_522] : memref<512xf32, #tpu.memory_space<vmem>> -> memref<64xf32, #tpu.memory_space<vmem>>
      %dma_wait3A_524 = tpu.memref_slice %arg2[%add3A_12] : memref<16384xf32, #tpu.memory_space<hbm>> -> memref<64xf32, #tpu.memory_space<hbm>>
      tpu.wait_dma2 semaphore(%run_scoped3A : memref<!tpu.dma_semaphore, #tpu.memory_space<semaphore_mem>>) src(%dma_wait3A_524 : memref<64xf32, #tpu.memory_space<hbm>>) dst(%dma_wait3A_523 : memref<64xf32, #tpu.memory_space<vmem>>)
      tpu.yield
    }) : () -> ()
    %add3A_13 = arith.constant 10240 : i32
    %add3A_14 = arith.addi %add3A_13, %mul3A_2 : i32
    "tpu.region"() ({
      %run_scoped3A = tpu.sem_alloc : memref<!tpu.dma_semaphore, #tpu.memory_space<semaphore_mem>>
      %dma_start3A = arith.constant 320 : i32
      %dma_start3A_515 = tpu.memref_slice %arg5[%dma_start3A] : memref<512xf32, #tpu.memory_space<vmem>> -> memref<64xf32, #tpu.memory_space<vmem>>
      %dma_start3A_516 = tpu.memref_slice %arg2[%add3A_14] : memref<16384xf32, #tpu.memory_space<hbm>> -> memref<64xf32, #tpu.memory_space<hbm>>
      %dma_start3A_517 = arith.constant 320 : i32
      %dma_start3A_518 = tpu.memref_slice %arg5[%dma_start3A_517] : memref<512xf32, #tpu.memory_space<vmem>> -> memref<64xf32, #tpu.memory_space<vmem>>
      %dma_start3A_519 = tpu.memref_slice %arg2[%add3A_14] : memref<16384xf32, #tpu.memory_space<hbm>> -> memref<64xf32, #tpu.memory_space<hbm>>
      tpu.enqueue_dma source(%dma_start3A_519 : memref<64xf32, #tpu.memory_space<hbm>>) target(%dma_start3A_518 : memref<64xf32, #tpu.memory_space<vmem>>) target_semaphore(%run_scoped3A : memref<!tpu.dma_semaphore, #tpu.memory_space<semaphore_mem>>)
      %dma_wait3A = arith.constant 320 : i32
      %dma_wait3A_520 = tpu.memref_slice %arg5[%dma_wait3A] : memref<512xf32, #tpu.memory_space<vmem>> -> memref<64xf32, #tpu.memory_space<vmem>>
      %dma_wait3A_521 = tpu.memref_slice %arg2[%add3A_14] : memref<16384xf32, #tpu.memory_space<hbm>> -> memref<64xf32, #tpu.memory_space<hbm>>
      %dma_wait3A_522 = arith.constant 320 : i32
      %dma_wait3A_523 = tpu.memref_slice %arg5[%dma_wait3A_522] : memref<512xf32, #tpu.memory_space<vmem>> -> memref<64xf32, #tpu.memory_space<vmem>>
      %dma_wait3A_524 = tpu.memref_slice %arg2[%add3A_14] : memref<16384xf32, #tpu.memory_space<hbm>> -> memref<64xf32, #tpu.memory_space<hbm>>
      tpu.wait_dma2 semaphore(%run_scoped3A : memref<!tpu.dma_semaphore, #tpu.memory_space<semaphore_mem>>) src(%dma_wait3A_524 : memref<64xf32, #tpu.memory_space<hbm>>) dst(%dma_wait3A_523 : memref<64xf32, #tpu.memory_space<vmem>>)
      tpu.yield
    }) : () -> ()
    %add3A_15 = arith.constant 12288 : i32
    %add3A_16 = arith.addi %add3A_15, %mul3A_2 : i32
    "tpu.region"() ({
      %run_scoped3A = tpu.sem_alloc : memref<!tpu.dma_semaphore, #tpu.memory_space<semaphore_mem>>
      %dma_start3A = arith.constant 384 : i32
      %dma_start3A_515 = tpu.memref_slice %arg5[%dma_start3A] : memref<512xf32, #tpu.memory_space<vmem>> -> memref<64xf32, #tpu.memory_space<vmem>>
      %dma_start3A_516 = tpu.memref_slice %arg2[%add3A_16] : memref<16384xf32, #tpu.memory_space<hbm>> -> memref<64xf32, #tpu.memory_space<hbm>>
      %dma_start3A_517 = arith.constant 384 : i32
      %dma_start3A_518 = tpu.memref_slice %arg5[%dma_start3A_517] : memref<512xf32, #tpu.memory_space<vmem>> -> memref<64xf32, #tpu.memory_space<vmem>>
      %dma_start3A_519 = tpu.memref_slice %arg2[%add3A_16] : memref<16384xf32, #tpu.memory_space<hbm>> -> memref<64xf32, #tpu.memory_space<hbm>>
      tpu.enqueue_dma source(%dma_start3A_519 : memref<64xf32, #tpu.memory_space<hbm>>) target(%dma_start3A_518 : memref<64xf32, #tpu.memory_space<vmem>>) target_semaphore(%run_scoped3A : memref<!tpu.dma_semaphore, #tpu.memory_space<semaphore_mem>>)
      %dma_wait3A = arith.constant 384 : i32
      %dma_wait3A_520 = tpu.memref_slice %arg5[%dma_wait3A] : memref<512xf32, #tpu.memory_space<vmem>> -> memref<64xf32, #tpu.memory_space<vmem>>
      %dma_wait3A_521 = tpu.memref_slice %arg2[%add3A_16] : memref<16384xf32, #tpu.memory_space<hbm>> -> memref<64xf32, #tpu.memory_space<hbm>>
      %dma_wait3A_522 = arith.constant 384 : i32
      %dma_wait3A_523 = tpu.memref_slice %arg5[%dma_wait3A_522] : memref<512xf32, #tpu.memory_space<vmem>> -> memref<64xf32, #tpu.memory_space<vmem>>
      %dma_wait3A_524 = tpu.memref_slice %arg2[%add3A_16] : memref<16384xf32, #tpu.memory_space<hbm>> -> memref<64xf32, #tpu.memory_space<hbm>>
      tpu.wait_dma2 semaphore(%run_scoped3A : memref<!tpu.dma_semaphore, #tpu.memory_space<semaphore_mem>>) src(%dma_wait3A_524 : memref<64xf32, #tpu.memory_space<hbm>>) dst(%dma_wait3A_523 : memref<64xf32, #tpu.memory_space<vmem>>)
      tpu.yield
    }) : () -> ()
    %add3A_17 = arith.constant 14336 : i32
    %add3A_18 = arith.addi %add3A_17, %mul3A_2 : i32
    "tpu.region"() ({
      %run_scoped3A = tpu.sem_alloc : memref<!tpu.dma_semaphore, #tpu.memory_space<semaphore_mem>>
      %dma_start3A = arith.constant 448 : i32
      %dma_start3A_515 = tpu.memref_slice %arg5[%dma_start3A] : memref<512xf32, #tpu.memory_space<vmem>> -> memref<64xf32, #tpu.memory_space<vmem>>
      %dma_start3A_516 = tpu.memref_slice %arg2[%add3A_18] : memref<16384xf32, #tpu.memory_space<hbm>> -> memref<64xf32, #tpu.memory_space<hbm>>
      %dma_start3A_517 = arith.constant 448 : i32
      %dma_start3A_518 = tpu.memref_slice %arg5[%dma_start3A_517] : memref<512xf32, #tpu.memory_space<vmem>> -> memref<64xf32, #tpu.memory_space<vmem>>
      %dma_start3A_519 = tpu.memref_slice %arg2[%add3A_18] : memref<16384xf32, #tpu.memory_space<hbm>> -> memref<64xf32, #tpu.memory_space<hbm>>
      tpu.enqueue_dma source(%dma_start3A_519 : memref<64xf32, #tpu.memory_space<hbm>>) target(%dma_start3A_518 : memref<64xf32, #tpu.memory_space<vmem>>) target_semaphore(%run_scoped3A : memref<!tpu.dma_semaphore, #tpu.memory_space<semaphore_mem>>)
      %dma_wait3A = arith.constant 448 : i32
      %dma_wait3A_520 = tpu.memref_slice %arg5[%dma_wait3A] : memref<512xf32, #tpu.memory_space<vmem>> -> memref<64xf32, #tpu.memory_space<vmem>>
      %dma_wait3A_521 = tpu.memref_slice %arg2[%add3A_18] : memref<16384xf32, #tpu.memory_space<hbm>> -> memref<64xf32, #tpu.memory_space<hbm>>
      %dma_wait3A_522 = arith.constant 448 : i32
      %dma_wait3A_523 = tpu.memref_slice %arg5[%dma_wait3A_522] : memref<512xf32, #tpu.memory_space<vmem>> -> memref<64xf32, #tpu.memory_space<vmem>>
      %dma_wait3A_524 = tpu.memref_slice %arg2[%add3A_18] : memref<16384xf32, #tpu.memory_space<hbm>> -> memref<64xf32, #tpu.memory_space<hbm>>
      tpu.wait_dma2 semaphore(%run_scoped3A : memref<!tpu.dma_semaphore, #tpu.memory_space<semaphore_mem>>) src(%dma_wait3A_524 : memref<64xf32, #tpu.memory_space<hbm>>) dst(%dma_wait3A_523 : memref<64xf32, #tpu.memory_space<vmem>>)
      tpu.yield
    }) : () -> ()
    %get3A = arith.constant 0 : index
    %get3A_19 = tpu.vector_load %arg5[%get3A] {strides = array<i32>} : memref<512xf32, #tpu.memory_space<vmem>>, vector<16xf32>,
    %get3A_20 = vector.shape_cast %get3A_19 : vector<16xf32> to vector<16xf32>
    %broadcast_in_dim3A = arith.constant 0 : i32
    %broadcast_in_dim3A_21 = vector.broadcast %broadcast_in_dim3A : i32 to vector<16xi32>
    %broadcast_in_dim3A_22 = arith.constant -3.000000e+38 : f32
    %broadcast_in_dim3A_23 = vector.broadcast %broadcast_in_dim3A_22 : f32 to vector<16xf32>
    %broadcast_in_dim3A_24 = arith.constant 0 : i32
    %broadcast_in_dim3A_25 = vector.broadcast %broadcast_in_dim3A_24 : i32 to vector<16xi32>
    %get3A_26 = arith.constant 64 : index
    %get3A_27 = tpu.vector_load %arg5[%get3A_26] {strides = array<i32>} : memref<512xf32, #tpu.memory_space<vmem>>, vector<16xf32>,
    %get3A_28 = vector.shape_cast %get3A_27 : vector<16xf32> to vector<16xf32>
    %broadcast_in_dim3A_29 = arith.constant 1 : i32
    %broadcast_in_dim3A_30 = vector.broadcast %broadcast_in_dim3A_29 : i32 to vector<16xi32>
    %gt3A = arith.cmpf ogt, %get3A_28, %get3A_20 : vector<16xf32>
    %gt3A_31 = arith.cmpf ogt, %get3A_28, %broadcast_in_dim3A_23 : vector<16xf32>
    %select_n3A = arith.select %gt3A_31, %broadcast_in_dim3A_30, %broadcast_in_dim3A_25 : vector<16xi1>, vector<16xi32>
    %select_n3A_32 = arith.select %gt3A, %broadcast_in_dim3A_21, %select_n3A : vector<16xi1>, vector<16xi32>
    %select_n3A_33 = arith.select %gt3A_31, %get3A_28, %broadcast_in_dim3A_23 : vector<16xi1>, vector<16xf32>
    %select_n3A_34 = arith.select %gt3A, %get3A_20, %select_n3A_33 : vector<16xi1>, vector<16xf32>
    %select_n3A_35 = arith.select %gt3A, %broadcast_in_dim3A_30, %broadcast_in_dim3A_21 : vector<16xi1>, vector<16xi32>
    %select_n3A_36 = arith.select %gt3A, %get3A_28, %get3A_20 : vector<16xi1>, vector<16xf32>
    %get3A_37 = arith.constant 128 : index
    %get3A_38 = tpu.vector_load %arg5[%get3A_37] {strides = array<i32>} : memref<512xf32, #tpu.memory_space<vmem>>, vector<16xf32>,
    %get3A_39 = vector.shape_cast %get3A_38 : vector<16xf32> to vector<16xf32>
    %broadcast_in_dim3A_40 = arith.constant 2 : i32
    %broadcast_in_dim3A_41 = vector.broadcast %broadcast_in_dim3A_40 : i32 to vector<16xi32>
    %gt3A_42 = arith.cmpf ogt, %get3A_39, %select_n3A_36 : vector<16xf32>
    %gt3A_43 = arith.cmpf ogt, %get3A_39, %select_n3A_34 : vector<16xf32>
    %select_n3A_44 = arith.select %gt3A_43, %broadcast_in_dim3A_41, %select_n3A_32 : vector<16xi1>, vector<16xi32>
    %select_n3A_45 = arith.select %gt3A_42, %select_n3A_35, %select_n3A_44 : vector<16xi1>, vector<16xi32>
    %select_n3A_46 = arith.select %gt3A_43, %get3A_39, %select_n3A_34 : vector<16xi1>, vector<16xf32>
    %select_n3A_47 = arith.select %gt3A_42, %select_n3A_36, %select_n3A_46 : vector<16xi1>, vector<16xf32>
    %select_n3A_48 = arith.select %gt3A_42, %broadcast_in_dim3A_41, %select_n3A_35 : vector<16xi1>, vector<16xi32>
    %select_n3A_49 = arith.select %gt3A_42, %get3A_39, %select_n3A_36 : vector<16xi1>, vector<16xf32>
    %get3A_50 = arith.constant 192 : index
    %get3A_51 = tpu.vector_load %arg5[%get3A_50] {strides = array<i32>} : memref<512xf32, #tpu.memory_space<vmem>>, vector<16xf32>,
    %get3A_52 = vector.shape_cast %get3A_51 : vector<16xf32> to vector<16xf32>
    %broadcast_in_dim3A_53 = arith.constant 3 : i32
    %broadcast_in_dim3A_54 = vector.broadcast %broadcast_in_dim3A_53 : i32 to vector<16xi32>
    %gt3A_55 = arith.cmpf ogt, %get3A_52, %select_n3A_49 : vector<16xf32>
    %gt3A_56 = arith.cmpf ogt, %get3A_52, %select_n3A_47 : vector<16xf32>
    %select_n3A_57 = arith.select %gt3A_56, %broadcast_in_dim3A_54, %select_n3A_45 : vector<16xi1>, vector<16xi32>
    %select_n3A_58 = arith.select %gt3A_55, %select_n3A_48, %select_n3A_57 : vector<16xi1>, vector<16xi32>
    %select_n3A_59 = arith.select %gt3A_56, %get3A_52, %select_n3A_47 : vector<16xi1>, vector<16xf32>
    %select_n3A_60 = arith.select %gt3A_55, %select_n3A_49, %select_n3A_59 : vector<16xi1>, vector<16xf32>
    %select_n3A_61 = arith.select %gt3A_55, %broadcast_in_dim3A_54, %select_n3A_48 : vector<16xi1>, vector<16xi32>
    %select_n3A_62 = arith.select %gt3A_55, %get3A_52, %select_n3A_49 : vector<16xi1>, vector<16xf32>
    %get3A_63 = arith.constant 256 : index
    %get3A_64 = tpu.vector_load %arg5[%get3A_63] {strides = array<i32>} : memref<512xf32, #tpu.memory_space<vmem>>, vector<16xf32>,
    %get3A_65 = vector.shape_cast %get3A_64 : vector<16xf32> to vector<16xf32>
    %broadcast_in_dim3A_66 = arith.constant 4 : i32
    %broadcast_in_dim3A_67 = vector.broadcast %broadcast_in_dim3A_66 : i32 to vector<16xi32>
    %gt3A_68 = arith.cmpf ogt, %get3A_65, %select_n3A_62 : vector<16xf32>
    %gt3A_69 = arith.cmpf ogt, %get3A_65, %select_n3A_60 : vector<16xf32>
    %select_n3A_70 = arith.select %gt3A_69, %broadcast_in_dim3A_67, %select_n3A_58 : vector<16xi1>, vector<16xi32>
    %select_n3A_71 = arith.select %gt3A_68, %select_n3A_61, %select_n3A_70 : vector<16xi1>, vector<16xi32>
    %select_n3A_72 = arith.select %gt3A_69, %get3A_65, %select_n3A_60 : vector<16xi1>, vector<16xf32>
    %select_n3A_73 = arith.select %gt3A_68, %select_n3A_62, %select_n3A_72 : vector<16xi1>, vector<16xf32>
    %select_n3A_74 = arith.select %gt3A_68, %broadcast_in_dim3A_67, %select_n3A_61 : vector<16xi1>, vector<16xi32>
    %select_n3A_75 = arith.select %gt3A_68, %get3A_65, %select_n3A_62 : vector<16xi1>, vector<16xf32>
    %get3A_76 = arith.constant 320 : index
    %get3A_77 = tpu.vector_load %arg5[%get3A_76] {strides = array<i32>} : memref<512xf32, #tpu.memory_space<vmem>>, vector<16xf32>,
    %get3A_78 = vector.shape_cast %get3A_77 : vector<16xf32> to vector<16xf32>
    %broadcast_in_dim3A_79 = arith.constant 5 : i32
    %broadcast_in_dim3A_80 = vector.broadcast %broadcast_in_dim3A_79 : i32 to vector<16xi32>
    %gt3A_81 = arith.cmpf ogt, %get3A_78, %select_n3A_75 : vector<16xf32>
    %gt3A_82 = arith.cmpf ogt, %get3A_78, %select_n3A_73 : vector<16xf32>
    %select_n3A_83 = arith.select %gt3A_82, %broadcast_in_dim3A_80, %select_n3A_71 : vector<16xi1>, vector<16xi32>
    %select_n3A_84 = arith.select %gt3A_81, %select_n3A_74, %select_n3A_83 : vector<16xi1>, vector<16xi32>
    %select_n3A_85 = arith.select %gt3A_82, %get3A_78, %select_n3A_73 : vector<16xi1>, vector<16xf32>
    %select_n3A_86 = arith.select %gt3A_81, %select_n3A_75, %select_n3A_85 : vector<16xi1>, vector<16xf32>
    %select_n3A_87 = arith.select %gt3A_81, %broadcast_in_dim3A_80, %select_n3A_74 : vector<16xi1>, vector<16xi32>
    %select_n3A_88 = arith.select %gt3A_81, %get3A_78, %select_n3A_75 : vector<16xi1>, vector<16xf32>
    %get3A_89 = arith.constant 384 : index
    %get3A_90 = tpu.vector_load %arg5[%get3A_89] {strides = array<i32>} : memref<512xf32, #tpu.memory_space<vmem>>, vector<16xf32>,
    %get3A_91 = vector.shape_cast %get3A_90 : vector<16xf32> to vector<16xf32>
    %broadcast_in_dim3A_92 = arith.constant 6 : i32
    %broadcast_in_dim3A_93 = vector.broadcast %broadcast_in_dim3A_92 : i32 to vector<16xi32>
    %gt3A_94 = arith.cmpf ogt, %get3A_91, %select_n3A_88 : vector<16xf32>
    %gt3A_95 = arith.cmpf ogt, %get3A_91, %select_n3A_86 : vector<16xf32>
    %select_n3A_96 = arith.select %gt3A_95, %broadcast_in_dim3A_93, %select_n3A_84 : vector<16xi1>, vector<16xi32>
    %select_n3A_97 = arith.select %gt3A_94, %select_n3A_87, %select_n3A_96 : vector<16xi1>, vector<16xi32>
    %select_n3A_98 = arith.select %gt3A_95, %get3A_91, %select_n3A_86 : vector<16xi1>, vector<16xf32>
    %select_n3A_99 = arith.select %gt3A_94, %select_n3A_88, %select_n3A_98 : vector<16xi1>, vector<16xf32>
    %select_n3A_100 = arith.select %gt3A_94, %broadcast_in_dim3A_93, %select_n3A_87 : vector<16xi1>, vector<16xi32>
    %select_n3A_101 = arith.select %gt3A_94, %get3A_91, %select_n3A_88 : vector<16xi1>, vector<16xf32>
    %get3A_102 = arith.constant 448 : index
    %get3A_103 = tpu.vector_load %arg5[%get3A_102] {strides = array<i32>} : memref<512xf32, #tpu.memory_space<vmem>>, vector<16xf32>,
    %get3A_104 = vector.shape_cast %get3A_103 : vector<16xf32> to vector<16xf32>
    %broadcast_in_dim3A_105 = arith.constant 7 : i32
    %broadcast_in_dim3A_106 = vector.broadcast %broadcast_in_dim3A_105 : i32 to vector<16xi32>
    %gt3A_107 = arith.cmpf ogt, %get3A_104, %select_n3A_101 : vector<16xf32>
    %gt3A_108 = arith.cmpf ogt, %get3A_104, %select_n3A_99 : vector<16xf32>
    %select_n3A_109 = arith.select %gt3A_108, %broadcast_in_dim3A_106, %select_n3A_97 : vector<16xi1>, vector<16xi32>
    %select_n3A_110 = arith.select %gt3A_107, %select_n3A_100, %select_n3A_109 : vector<16xi1>, vector<16xi32>
    %select_n3A_111 = arith.select %gt3A_108, %get3A_104, %select_n3A_99 : vector<16xi1>, vector<16xf32>
    %select_n3A_112 = arith.select %gt3A_107, %select_n3A_101, %select_n3A_111 : vector<16xi1>, vector<16xf32>
    %select_n3A_113 = arith.select %gt3A_107, %broadcast_in_dim3A_106, %select_n3A_100 : vector<16xi1>, vector<16xi32>
    %select_n3A_114 = arith.select %gt3A_107, %get3A_104, %select_n3A_101 : vector<16xi1>, vector<16xf32>
    %sub3A = arith.subf %select_n3A_112, %select_n3A_114 : vector<16xf32>
    %exp3A = math.exp %sub3A : vector<16xf32>
    %add3A_115 = arith.constant 1.000000e+00 : f32
    %add3A_116 = vector.broadcast %add3A_115 : f32 to vector<16xf32>
    %add3A_117 = arith.addf %add3A_116, %exp3A : vector<16xf32>
    %div3A = arith.constant 1.000000e+00 : f32
    %div3A_118 = vector.broadcast %div3A : f32 to vector<16xf32>
    %div3A_119 = arith.divf %div3A_118, %add3A_117 : vector<16xf32>
    %swap3A = arith.constant 0 : index
    %swap3A_120 = tpu.vector_load %arg6[%swap3A] {strides = array<i32>} : memref<64xf32, #tpu.memory_space<vmem>>, vector<16xf32>,
    %swap3A_121 = vector.shape_cast %swap3A_120 : vector<16xf32> to vector<16xf32>
    %swap3A_122 = vector.shape_cast %div3A_119 : vector<16xf32> to vector<16xf32>
    tpu.vector_store %arg6[%swap3A], %swap3A_122 {strides = array<i32>} : memref<64xf32, #tpu.memory_space<vmem>>, vector<16xf32>,
    %div3A_123 = arith.divf %exp3A, %add3A_117 : vector<16xf32>
    %swap3A_124 = arith.constant 0 : index
    %swap3A_125 = tpu.vector_load %arg7[%swap3A_124] {strides = array<i32>} : memref<64xf32, #tpu.memory_space<vmem>>, vector<16xf32>,
    %swap3A_126 = vector.shape_cast %swap3A_125 : vector<16xf32> to vector<16xf32>
    %swap3A_127 = vector.shape_cast %div3A_123 : vector<16xf32> to vector<16xf32>
    tpu.vector_store %arg7[%swap3A_124], %swap3A_127 {strides = array<i32>} : memref<64xf32, #tpu.memory_space<vmem>>, vector<16xf32>,
    %swap3A_128 = arith.constant 0 : index
    %swap3A_129 = tpu.vector_load %arg8[%swap3A_128] {strides = array<i32>} : memref<64xi32, #tpu.memory_space<vmem>>, vector<16xi32>,
    %swap3A_130 = vector.shape_cast %swap3A_129 : vector<16xi32> to vector<16xi32>
    %swap3A_131 = vector.shape_cast %select_n3A_113 : vector<16xi32> to vector<16xi32>
    tpu.vector_store %arg8[%swap3A_128], %swap3A_131 {strides = array<i32>} : memref<64xi32, #tpu.memory_space<vmem>>, vector<16xi32>,
    %swap3A_132 = arith.constant 0 : index
    %swap3A_133 = tpu.vector_load %arg9[%swap3A_132] {strides = array<i32>} : memref<64xi32, #tpu.memory_space<vmem>>, vector<16xi32>,
    %swap3A_134 = vector.shape_cast %swap3A_133 : vector<16xi32> to vector<16xi32>
    %swap3A_135 = vector.shape_cast %select_n3A_110 : vector<16xi32> to vector<16xi32>
    tpu.vector_store %arg9[%swap3A_132], %swap3A_135 {strides = array<i32>} : memref<64xi32, #tpu.memory_space<vmem>>, vector<16xi32>,
    %get3A_136 = arith.constant 16 : index
    %get3A_137 = tpu.vector_load %arg5[%get3A_136] {strides = array<i32>} : memref<512xf32, #tpu.memory_space<vmem>>, vector<16xf32>,
    %get3A_138 = vector.shape_cast %get3A_137 : vector<16xf32> to vector<16xf32>
    %broadcast_in_dim3A_139 = arith.constant 0 : i32
    %broadcast_in_dim3A_140 = vector.broadcast %broadcast_in_dim3A_139 : i32 to vector<16xi32>
    %broadcast_in_dim3A_141 = arith.constant -3.000000e+38 : f32
    %broadcast_in_dim3A_142 = vector.broadcast %broadcast_in_dim3A_141 : f32 to vector<16xf32>
    %broadcast_in_dim3A_143 = arith.constant 0 : i32
    %broadcast_in_dim3A_144 = vector.broadcast %broadcast_in_dim3A_143 : i32 to vector<16xi32>
    %get3A_145 = arith.constant 80 : index
    %get3A_146 = tpu.vector_load %arg5[%get3A_145] {strides = array<i32>} : memref<512xf32, #tpu.memory_space<vmem>>, vector<16xf32>,
    %get3A_147 = vector.shape_cast %get3A_146 : vector<16xf32> to vector<16xf32>
    %broadcast_in_dim3A_148 = arith.constant 1 : i32
    %broadcast_in_dim3A_149 = vector.broadcast %broadcast_in_dim3A_148 : i32 to vector<16xi32>
    %gt3A_150 = arith.cmpf ogt, %get3A_147, %get3A_138 : vector<16xf32>
    %gt3A_151 = arith.cmpf ogt, %get3A_147, %broadcast_in_dim3A_142 : vector<16xf32>
    %select_n3A_152 = arith.select %gt3A_151, %broadcast_in_dim3A_149, %broadcast_in_dim3A_144 : vector<16xi1>, vector<16xi32>
    %select_n3A_153 = arith.select %gt3A_150, %broadcast_in_dim3A_140, %select_n3A_152 : vector<16xi1>, vector<16xi32>
    %select_n3A_154 = arith.select %gt3A_151, %get3A_147, %broadcast_in_dim3A_142 : vector<16xi1>, vector<16xf32>
    %select_n3A_155 = arith.select %gt3A_150, %get3A_138, %select_n3A_154 : vector<16xi1>, vector<16xf32>
    %select_n3A_156 = arith.select %gt3A_150, %broadcast_in_dim3A_149, %broadcast_in_dim3A_140 : vector<16xi1>, vector<16xi32>
    %select_n3A_157 = arith.select %gt3A_150, %get3A_147, %get3A_138 : vector<16xi1>, vector<16xf32>
    %get3A_158 = arith.constant 144 : index
    %get3A_159 = tpu.vector_load %arg5[%get3A_158] {strides = array<i32>} : memref<512xf32, #tpu.memory_space<vmem>>, vector<16xf32>,
    %get3A_160 = vector.shape_cast %get3A_159 : vector<16xf32> to vector<16xf32>
    %broadcast_in_dim3A_161 = arith.constant 2 : i32
    %broadcast_in_dim3A_162 = vector.broadcast %broadcast_in_dim3A_161 : i32 to vector<16xi32>
    %gt3A_163 = arith.cmpf ogt, %get3A_160, %select_n3A_157 : vector<16xf32>
    %gt3A_164 = arith.cmpf ogt, %get3A_160, %select_n3A_155 : vector<16xf32>
    %select_n3A_165 = arith.select %gt3A_164, %broadcast_in_dim3A_162, %select_n3A_153 : vector<16xi1>, vector<16xi32>
    %select_n3A_166 = arith.select %gt3A_163, %select_n3A_156, %select_n3A_165 : vector<16xi1>, vector<16xi32>
    %select_n3A_167 = arith.select %gt3A_164, %get3A_160, %select_n3A_155 : vector<16xi1>, vector<16xf32>
    %select_n3A_168 = arith.select %gt3A_163, %select_n3A_157, %select_n3A_167 : vector<16xi1>, vector<16xf32>
    %select_n3A_169 = arith.select %gt3A_163, %broadcast_in_dim3A_162, %select_n3A_156 : vector<16xi1>, vector<16xi32>
    %select_n3A_170 = arith.select %gt3A_163, %get3A_160, %select_n3A_157 : vector<16xi1>, vector<16xf32>
    %get3A_171 = arith.constant 208 : index
    %get3A_172 = tpu.vector_load %arg5[%get3A_171] {strides = array<i32>} : memref<512xf32, #tpu.memory_space<vmem>>, vector<16xf32>,
    %get3A_173 = vector.shape_cast %get3A_172 : vector<16xf32> to vector<16xf32>
    %broadcast_in_dim3A_174 = arith.constant 3 : i32
    %broadcast_in_dim3A_175 = vector.broadcast %broadcast_in_dim3A_174 : i32 to vector<16xi32>
    %gt3A_176 = arith.cmpf ogt, %get3A_173, %select_n3A_170 : vector<16xf32>
    %gt3A_177 = arith.cmpf ogt, %get3A_173, %select_n3A_168 : vector<16xf32>
    %select_n3A_178 = arith.select %gt3A_177, %broadcast_in_dim3A_175, %select_n3A_166 : vector<16xi1>, vector<16xi32>
    %select_n3A_179 = arith.select %gt3A_176, %select_n3A_169, %select_n3A_178 : vector<16xi1>, vector<16xi32>
    %select_n3A_180 = arith.select %gt3A_177, %get3A_173, %select_n3A_168 : vector<16xi1>, vector<16xf32>
    %select_n3A_181 = arith.select %gt3A_176, %select_n3A_170, %select_n3A_180 : vector<16xi1>, vector<16xf32>
    %select_n3A_182 = arith.select %gt3A_176, %broadcast_in_dim3A_175, %select_n3A_169 : vector<16xi1>, vector<16xi32>
    %select_n3A_183 = arith.select %gt3A_176, %get3A_173, %select_n3A_170 : vector<16xi1>, vector<16xf32>
    %get3A_184 = arith.constant 272 : index
    %get3A_185 = tpu.vector_load %arg5[%get3A_184] {strides = array<i32>} : memref<512xf32, #tpu.memory_space<vmem>>, vector<16xf32>,
    %get3A_186 = vector.shape_cast %get3A_185 : vector<16xf32> to vector<16xf32>
    %broadcast_in_dim3A_187 = arith.constant 4 : i32
    %broadcast_in_dim3A_188 = vector.broadcast %broadcast_in_dim3A_187 : i32 to vector<16xi32>
    %gt3A_189 = arith.cmpf ogt, %get3A_186, %select_n3A_183 : vector<16xf32>
    %gt3A_190 = arith.cmpf ogt, %get3A_186, %select_n3A_181 : vector<16xf32>
    %select_n3A_191 = arith.select %gt3A_190, %broadcast_in_dim3A_188, %select_n3A_179 : vector<16xi1>, vector<16xi32>
    %select_n3A_192 = arith.select %gt3A_189, %select_n3A_182, %select_n3A_191 : vector<16xi1>, vector<16xi32>
    %select_n3A_193 = arith.select %gt3A_190, %get3A_186, %select_n3A_181 : vector<16xi1>, vector<16xf32>
    %select_n3A_194 = arith.select %gt3A_189, %select_n3A_183, %select_n3A_193 : vector<16xi1>, vector<16xf32>
    %select_n3A_195 = arith.select %gt3A_189, %broadcast_in_dim3A_188, %select_n3A_182 : vector<16xi1>, vector<16xi32>
    %select_n3A_196 = arith.select %gt3A_189, %get3A_186, %select_n3A_183 : vector<16xi1>, vector<16xf32>
    %get3A_197 = arith.constant 336 : index
    %get3A_198 = tpu.vector_load %arg5[%get3A_197] {strides = array<i32>} : memref<512xf32, #tpu.memory_space<vmem>>, vector<16xf32>,
    %get3A_199 = vector.shape_cast %get3A_198 : vector<16xf32> to vector<16xf32>
    %broadcast_in_dim3A_200 = arith.constant 5 : i32
    %broadcast_in_dim3A_201 = vector.broadcast %broadcast_in_dim3A_200 : i32 to vector<16xi32>
    %gt3A_202 = arith.cmpf ogt, %get3A_199, %select_n3A_196 : vector<16xf32>
    %gt3A_203 = arith.cmpf ogt, %get3A_199, %select_n3A_194 : vector<16xf32>
    %select_n3A_204 = arith.select %gt3A_203, %broadcast_in_dim3A_201, %select_n3A_192 : vector<16xi1>, vector<16xi32>
    %select_n3A_205 = arith.select %gt3A_202, %select_n3A_195, %select_n3A_204 : vector<16xi1>, vector<16xi32>
    %select_n3A_206 = arith.select %gt3A_203, %get3A_199, %select_n3A_194 : vector<16xi1>, vector<16xf32>
    %select_n3A_207 = arith.select %gt3A_202, %select_n3A_196, %select_n3A_206 : vector<16xi1>, vector<16xf32>
    %select_n3A_208 = arith.select %gt3A_202, %broadcast_in_dim3A_201, %select_n3A_195 : vector<16xi1>, vector<16xi32>
    %select_n3A_209 = arith.select %gt3A_202, %get3A_199, %select_n3A_196 : vector<16xi1>, vector<16xf32>
    %get3A_210 = arith.constant 400 : index
    %get3A_211 = tpu.vector_load %arg5[%get3A_210] {strides = array<i32>} : memref<512xf32, #tpu.memory_space<vmem>>, vector<16xf32>,
    %get3A_212 = vector.shape_cast %get3A_211 : vector<16xf32> to vector<16xf32>
    %broadcast_in_dim3A_213 = arith.constant 6 : i32
    %broadcast_in_dim3A_214 = vector.broadcast %broadcast_in_dim3A_213 : i32 to vector<16xi32>
    %gt3A_215 = arith.cmpf ogt, %get3A_212, %select_n3A_209 : vector<16xf32>
    %gt3A_216 = arith.cmpf ogt, %get3A_212, %select_n3A_207 : vector<16xf32>
    %select_n3A_217 = arith.select %gt3A_216, %broadcast_in_dim3A_214, %select_n3A_205 : vector<16xi1>, vector<16xi32>
    %select_n3A_218 = arith.select %gt3A_215, %select_n3A_208, %select_n3A_217 : vector<16xi1>, vector<16xi32>
    %select_n3A_219 = arith.select %gt3A_216, %get3A_212, %select_n3A_207 : vector<16xi1>, vector<16xf32>
    %select_n3A_220 = arith.select %gt3A_215, %select_n3A_209, %select_n3A_219 : vector<16xi1>, vector<16xf32>
    %select_n3A_221 = arith.select %gt3A_215, %broadcast_in_dim3A_214, %select_n3A_208 : vector<16xi1>, vector<16xi32>
    %select_n3A_222 = arith.select %gt3A_215, %get3A_212, %select_n3A_209 : vector<16xi1>, vector<16xf32>
    %get3A_223 = arith.constant 464 : index
    %get3A_224 = tpu.vector_load %arg5[%get3A_223] {strides = array<i32>} : memref<512xf32, #tpu.memory_space<vmem>>, vector<16xf32>,
    %get3A_225 = vector.shape_cast %get3A_224 : vector<16xf32> to vector<16xf32>
    %broadcast_in_dim3A_226 = arith.constant 7 : i32
    %broadcast_in_dim3A_227 = vector.broadcast %broadcast_in_dim3A_226 : i32 to vector<16xi32>
    %gt3A_228 = arith.cmpf ogt, %get3A_225, %select_n3A_222 : vector<16xf32>
    %gt3A_229 = arith.cmpf ogt, %get3A_225, %select_n3A_220 : vector<16xf32>
    %select_n3A_230 = arith.select %gt3A_229, %broadcast_in_dim3A_227, %select_n3A_218 : vector<16xi1>, vector<16xi32>
    %select_n3A_231 = arith.select %gt3A_228, %select_n3A_221, %select_n3A_230 : vector<16xi1>, vector<16xi32>
    %select_n3A_232 = arith.select %gt3A_229, %get3A_225, %select_n3A_220 : vector<16xi1>, vector<16xf32>
    %select_n3A_233 = arith.select %gt3A_228, %select_n3A_222, %select_n3A_232 : vector<16xi1>, vector<16xf32>
    %select_n3A_234 = arith.select %gt3A_228, %broadcast_in_dim3A_227, %select_n3A_221 : vector<16xi1>, vector<16xi32>
    %select_n3A_235 = arith.select %gt3A_228, %get3A_225, %select_n3A_222 : vector<16xi1>, vector<16xf32>
    %sub3A_236 = arith.subf %select_n3A_233, %select_n3A_235 : vector<16xf32>
    %exp3A_237 = math.exp %sub3A_236 : vector<16xf32>
    %add3A_238 = arith.constant 1.000000e+00 : f32
    %add3A_239 = vector.broadcast %add3A_238 : f32 to vector<16xf32>
    %add3A_240 = arith.addf %add3A_239, %exp3A_237 : vector<16xf32>
    %div3A_241 = arith.constant 1.000000e+00 : f32
    %div3A_242 = vector.broadcast %div3A_241 : f32 to vector<16xf32>
    %div3A_243 = arith.divf %div3A_242, %add3A_240 : vector<16xf32>
    %swap3A_244 = arith.constant 16 : index
    %swap3A_245 = tpu.vector_load %arg6[%swap3A_244] {strides = array<i32>} : memref<64xf32, #tpu.memory_space<vmem>>, vector<16xf32>,
    %swap3A_246 = vector.shape_cast %swap3A_245 : vector<16xf32> to vector<16xf32>
    %swap3A_247 = vector.shape_cast %div3A_243 : vector<16xf32> to vector<16xf32>
    tpu.vector_store %arg6[%swap3A_244], %swap3A_247 {strides = array<i32>} : memref<64xf32, #tpu.memory_space<vmem>>, vector<16xf32>,
    %div3A_248 = arith.divf %exp3A_237, %add3A_240 : vector<16xf32>
    %swap3A_249 = arith.constant 16 : index
    %swap3A_250 = tpu.vector_load %arg7[%swap3A_249] {strides = array<i32>} : memref<64xf32, #tpu.memory_space<vmem>>, vector<16xf32>,
    %swap3A_251 = vector.shape_cast %swap3A_250 : vector<16xf32> to vector<16xf32>
    %swap3A_252 = vector.shape_cast %div3A_248 : vector<16xf32> to vector<16xf32>
    tpu.vector_store %arg7[%swap3A_249], %swap3A_252 {strides = array<i32>} : memref<64xf32, #tpu.memory_space<vmem>>, vector<16xf32>,
    %swap3A_253 = arith.constant 16 : index
    %swap3A_254 = tpu.vector_load %arg8[%swap3A_253] {strides = array<i32>} : memref<64xi32, #tpu.memory_space<vmem>>, vector<16xi32>,
    %swap3A_255 = vector.shape_cast %swap3A_254 : vector<16xi32> to vector<16xi32>
    %swap3A_256 = vector.shape_cast %select_n3A_234 : vector<16xi32> to vector<16xi32>
    tpu.vector_store %arg8[%swap3A_253], %swap3A_256 {strides = array<i32>} : memref<64xi32, #tpu.memory_space<vmem>>, vector<16xi32>,
    %swap3A_257 = arith.constant 16 : index
    %swap3A_258 = tpu.vector_load %arg9[%swap3A_257] {strides = array<i32>} : memref<64xi32, #tpu.memory_space<vmem>>, vector<16xi32>,
    %swap3A_259 = vector.shape_cast %swap3A_258 : vector<16xi32> to vector<16xi32>
    %swap3A_260 = vector.shape_cast %select_n3A_231 : vector<16xi32> to vector<16xi32>
    tpu.vector_store %arg9[%swap3A_257], %swap3A_260 {strides = array<i32>} : memref<64xi32, #tpu.memory_space<vmem>>, vector<16xi32>,
    %get3A_261 = arith.constant 32 : index
    %get3A_262 = tpu.vector_load %arg5[%get3A_261] {strides = array<i32>} : memref<512xf32, #tpu.memory_space<vmem>>, vector<16xf32>,
    %get3A_263 = vector.shape_cast %get3A_262 : vector<16xf32> to vector<16xf32>
    %broadcast_in_dim3A_264 = arith.constant 0 : i32
    %broadcast_in_dim3A_265 = vector.broadcast %broadcast_in_dim3A_264 : i32 to vector<16xi32>
    %broadcast_in_dim3A_266 = arith.constant -3.000000e+38 : f32
    %broadcast_in_dim3A_267 = vector.broadcast %broadcast_in_dim3A_266 : f32 to vector<16xf32>
    %broadcast_in_dim3A_268 = arith.constant 0 : i32
    %broadcast_in_dim3A_269 = vector.broadcast %broadcast_in_dim3A_268 : i32 to vector<16xi32>
    %get3A_270 = arith.constant 96 : index
    %get3A_271 = tpu.vector_load %arg5[%get3A_270] {strides = array<i32>} : memref<512xf32, #tpu.memory_space<vmem>>, vector<16xf32>,
    %get3A_272 = vector.shape_cast %get3A_271 : vector<16xf32> to vector<16xf32>
    %broadcast_in_dim3A_273 = arith.constant 1 : i32
    %broadcast_in_dim3A_274 = vector.broadcast %broadcast_in_dim3A_273 : i32 to vector<16xi32>
    %gt3A_275 = arith.cmpf ogt, %get3A_272, %get3A_263 : vector<16xf32>
    %gt3A_276 = arith.cmpf ogt, %get3A_272, %broadcast_in_dim3A_267 : vector<16xf32>
    %select_n3A_277 = arith.select %gt3A_276, %broadcast_in_dim3A_274, %broadcast_in_dim3A_269 : vector<16xi1>, vector<16xi32>
    %select_n3A_278 = arith.select %gt3A_275, %broadcast_in_dim3A_265, %select_n3A_277 : vector<16xi1>, vector<16xi32>
    %select_n3A_279 = arith.select %gt3A_276, %get3A_272, %broadcast_in_dim3A_267 : vector<16xi1>, vector<16xf32>
    %select_n3A_280 = arith.select %gt3A_275, %get3A_263, %select_n3A_279 : vector<16xi1>, vector<16xf32>
    %select_n3A_281 = arith.select %gt3A_275, %broadcast_in_dim3A_274, %broadcast_in_dim3A_265 : vector<16xi1>, vector<16xi32>
    %select_n3A_282 = arith.select %gt3A_275, %get3A_272, %get3A_263 : vector<16xi1>, vector<16xf32>
    %get3A_283 = arith.constant 160 : index
    %get3A_284 = tpu.vector_load %arg5[%get3A_283] {strides = array<i32>} : memref<512xf32, #tpu.memory_space<vmem>>, vector<16xf32>,
    %get3A_285 = vector.shape_cast %get3A_284 : vector<16xf32> to vector<16xf32>
    %broadcast_in_dim3A_286 = arith.constant 2 : i32
    %broadcast_in_dim3A_287 = vector.broadcast %broadcast_in_dim3A_286 : i32 to vector<16xi32>
    %gt3A_288 = arith.cmpf ogt, %get3A_285, %select_n3A_282 : vector<16xf32>
    %gt3A_289 = arith.cmpf ogt, %get3A_285, %select_n3A_280 : vector<16xf32>
    %select_n3A_290 = arith.select %gt3A_289, %broadcast_in_dim3A_287, %select_n3A_278 : vector<16xi1>, vector<16xi32>
    %select_n3A_291 = arith.select %gt3A_288, %select_n3A_281, %select_n3A_290 : vector<16xi1>, vector<16xi32>
    %select_n3A_292 = arith.select %gt3A_289, %get3A_285, %select_n3A_280 : vector<16xi1>, vector<16xf32>
    %select_n3A_293 = arith.select %gt3A_288, %select_n3A_282, %select_n3A_292 : vector<16xi1>, vector<16xf32>
    %select_n3A_294 = arith.select %gt3A_288, %broadcast_in_dim3A_287, %select_n3A_281 : vector<16xi1>, vector<16xi32>
    %select_n3A_295 = arith.select %gt3A_288, %get3A_285, %select_n3A_282 : vector<16xi1>, vector<16xf32>
    %get3A_296 = arith.constant 224 : index
    %get3A_297 = tpu.vector_load %arg5[%get3A_296] {strides = array<i32>} : memref<512xf32, #tpu.memory_space<vmem>>, vector<16xf32>,
    %get3A_298 = vector.shape_cast %get3A_297 : vector<16xf32> to vector<16xf32>
    %broadcast_in_dim3A_299 = arith.constant 3 : i32
    %broadcast_in_dim3A_300 = vector.broadcast %broadcast_in_dim3A_299 : i32 to vector<16xi32>
    %gt3A_301 = arith.cmpf ogt, %get3A_298, %select_n3A_295 : vector<16xf32>
    %gt3A_302 = arith.cmpf ogt, %get3A_298, %select_n3A_293 : vector<16xf32>
    %select_n3A_303 = arith.select %gt3A_302, %broadcast_in_dim3A_300, %select_n3A_291 : vector<16xi1>, vector<16xi32>
    %select_n3A_304 = arith.select %gt3A_301, %select_n3A_294, %select_n3A_303 : vector<16xi1>, vector<16xi32>
    %select_n3A_305 = arith.select %gt3A_302, %get3A_298, %select_n3A_293 : vector<16xi1>, vector<16xf32>
    %select_n3A_306 = arith.select %gt3A_301, %select_n3A_295, %select_n3A_305 : vector<16xi1>, vector<16xf32>
    %select_n3A_307 = arith.select %gt3A_301, %broadcast_in_dim3A_300, %select_n3A_294 : vector<16xi1>, vector<16xi32>
    %select_n3A_308 = arith.select %gt3A_301, %get3A_298, %select_n3A_295 : vector<16xi1>, vector<16xf32>
    %get3A_309 = arith.constant 288 : index
    %get3A_310 = tpu.vector_load %arg5[%get3A_309] {strides = array<i32>} : memref<512xf32, #tpu.memory_space<vmem>>, vector<16xf32>,
    %get3A_311 = vector.shape_cast %get3A_310 : vector<16xf32> to vector<16xf32>
    %broadcast_in_dim3A_312 = arith.constant 4 : i32
    %broadcast_in_dim3A_313 = vector.broadcast %broadcast_in_dim3A_312 : i32 to vector<16xi32>
    %gt3A_314 = arith.cmpf ogt, %get3A_311, %select_n3A_308 : vector<16xf32>
    %gt3A_315 = arith.cmpf ogt, %get3A_311, %select_n3A_306 : vector<16xf32>
    %select_n3A_316 = arith.select %gt3A_315, %broadcast_in_dim3A_313, %select_n3A_304 : vector<16xi1>, vector<16xi32>
    %select_n3A_317 = arith.select %gt3A_314, %select_n3A_307, %select_n3A_316 : vector<16xi1>, vector<16xi32>
    %select_n3A_318 = arith.select %gt3A_315, %get3A_311, %select_n3A_306 : vector<16xi1>, vector<16xf32>
    %select_n3A_319 = arith.select %gt3A_314, %select_n3A_308, %select_n3A_318 : vector<16xi1>, vector<16xf32>
    %select_n3A_320 = arith.select %gt3A_314, %broadcast_in_dim3A_313, %select_n3A_307 : vector<16xi1>, vector<16xi32>
    %select_n3A_321 = arith.select %gt3A_314, %get3A_311, %select_n3A_308 : vector<16xi1>, vector<16xf32>
    %get3A_322 = arith.constant 352 : index
    %get3A_323 = tpu.vector_load %arg5[%get3A_322] {strides = array<i32>} : memref<512xf32, #tpu.memory_space<vmem>>, vector<16xf32>,
    %get3A_324 = vector.shape_cast %get3A_323 : vector<16xf32> to vector<16xf32>
    %broadcast_in_dim3A_325 = arith.constant 5 : i32
    %broadcast_in_dim3A_326 = vector.broadcast %broadcast_in_dim3A_325 : i32 to vector<16xi32>
    %gt3A_327 = arith.cmpf ogt, %get3A_324, %select_n3A_321 : vector<16xf32>
    %gt3A_328 = arith.cmpf ogt, %get3A_324, %select_n3A_319 : vector<16xf32>
    %select_n3A_329 = arith.select %gt3A_328, %broadcast_in_dim3A_326, %select_n3A_317 : vector<16xi1>, vector<16xi32>
    %select_n3A_330 = arith.select %gt3A_327, %select_n3A_320, %select_n3A_329 : vector<16xi1>, vector<16xi32>
    %select_n3A_331 = arith.select %gt3A_328, %get3A_324, %select_n3A_319 : vector<16xi1>, vector<16xf32>
    %select_n3A_332 = arith.select %gt3A_327, %select_n3A_321, %select_n3A_331 : vector<16xi1>, vector<16xf32>
    %select_n3A_333 = arith.select %gt3A_327, %broadcast_in_dim3A_326, %select_n3A_320 : vector<16xi1>, vector<16xi32>
    %select_n3A_334 = arith.select %gt3A_327, %get3A_324, %select_n3A_321 : vector<16xi1>, vector<16xf32>
    %get3A_335 = arith.constant 416 : index
    %get3A_336 = tpu.vector_load %arg5[%get3A_335] {strides = array<i32>} : memref<512xf32, #tpu.memory_space<vmem>>, vector<16xf32>,
    %get3A_337 = vector.shape_cast %get3A_336 : vector<16xf32> to vector<16xf32>
    %broadcast_in_dim3A_338 = arith.constant 6 : i32
    %broadcast_in_dim3A_339 = vector.broadcast %broadcast_in_dim3A_338 : i32 to vector<16xi32>
    %gt3A_340 = arith.cmpf ogt, %get3A_337, %select_n3A_334 : vector<16xf32>
    %gt3A_341 = arith.cmpf ogt, %get3A_337, %select_n3A_332 : vector<16xf32>
    %select_n3A_342 = arith.select %gt3A_341, %broadcast_in_dim3A_339, %select_n3A_330 : vector<16xi1>, vector<16xi32>
    %select_n3A_343 = arith.select %gt3A_340, %select_n3A_333, %select_n3A_342 : vector<16xi1>, vector<16xi32>
    %select_n3A_344 = arith.select %gt3A_341, %get3A_337, %select_n3A_332 : vector<16xi1>, vector<16xf32>
    %select_n3A_345 = arith.select %gt3A_340, %select_n3A_334, %select_n3A_344 : vector<16xi1>, vector<16xf32>
    %select_n3A_346 = arith.select %gt3A_340, %broadcast_in_dim3A_339, %select_n3A_333 : vector<16xi1>, vector<16xi32>
    %select_n3A_347 = arith.select %gt3A_340, %get3A_337, %select_n3A_334 : vector<16xi1>, vector<16xf32>
    %get3A_348 = arith.constant 480 : index
    %get3A_349 = tpu.vector_load %arg5[%get3A_348] {strides = array<i32>} : memref<512xf32, #tpu.memory_space<vmem>>, vector<16xf32>,
    %get3A_350 = vector.shape_cast %get3A_349 : vector<16xf32> to vector<16xf32>
    %broadcast_in_dim3A_351 = arith.constant 7 : i32
    %broadcast_in_dim3A_352 = vector.broadcast %broadcast_in_dim3A_351 : i32 to vector<16xi32>
    %gt3A_353 = arith.cmpf ogt, %get3A_350, %select_n3A_347 : vector<16xf32>
    %gt3A_354 = arith.cmpf ogt, %get3A_350, %select_n3A_345 : vector<16xf32>
    %select_n3A_355 = arith.select %gt3A_354, %broadcast_in_dim3A_352, %select_n3A_343 : vector<16xi1>, vector<16xi32>
    %select_n3A_356 = arith.select %gt3A_353, %select_n3A_346, %select_n3A_355 : vector<16xi1>, vector<16xi32>
    %select_n3A_357 = arith.select %gt3A_354, %get3A_350, %select_n3A_345 : vector<16xi1>, vector<16xf32>
    %select_n3A_358 = arith.select %gt3A_353, %select_n3A_347, %select_n3A_357 : vector<16xi1>, vector<16xf32>
    %select_n3A_359 = arith.select %gt3A_353, %broadcast_in_dim3A_352, %select_n3A_346 : vector<16xi1>, vector<16xi32>
    %select_n3A_360 = arith.select %gt3A_353, %get3A_350, %select_n3A_347 : vector<16xi1>, vector<16xf32>
    %sub3A_361 = arith.subf %select_n3A_358, %select_n3A_360 : vector<16xf32>
    %exp3A_362 = math.exp %sub3A_361 : vector<16xf32>
    %add3A_363 = arith.constant 1.000000e+00 : f32
    %add3A_364 = vector.broadcast %add3A_363 : f32 to vector<16xf32>
    %add3A_365 = arith.addf %add3A_364, %exp3A_362 : vector<16xf32>
    %div3A_366 = arith.constant 1.000000e+00 : f32
    %div3A_367 = vector.broadcast %div3A_366 : f32 to vector<16xf32>
    %div3A_368 = arith.divf %div3A_367, %add3A_365 : vector<16xf32>
    %swap3A_369 = arith.constant 32 : index
    %swap3A_370 = tpu.vector_load %arg6[%swap3A_369] {strides = array<i32>} : memref<64xf32, #tpu.memory_space<vmem>>, vector<16xf32>,
    %swap3A_371 = vector.shape_cast %swap3A_370 : vector<16xf32> to vector<16xf32>
    %swap3A_372 = vector.shape_cast %div3A_368 : vector<16xf32> to vector<16xf32>
    tpu.vector_store %arg6[%swap3A_369], %swap3A_372 {strides = array<i32>} : memref<64xf32, #tpu.memory_space<vmem>>, vector<16xf32>,
    %div3A_373 = arith.divf %exp3A_362, %add3A_365 : vector<16xf32>
    %swap3A_374 = arith.constant 32 : index
    %swap3A_375 = tpu.vector_load %arg7[%swap3A_374] {strides = array<i32>} : memref<64xf32, #tpu.memory_space<vmem>>, vector<16xf32>,
    %swap3A_376 = vector.shape_cast %swap3A_375 : vector<16xf32> to vector<16xf32>
    %swap3A_377 = vector.shape_cast %div3A_373 : vector<16xf32> to vector<16xf32>
    tpu.vector_store %arg7[%swap3A_374], %swap3A_377 {strides = array<i32>} : memref<64xf32, #tpu.memory_space<vmem>>, vector<16xf32>,
    %swap3A_378 = arith.constant 32 : index
    %swap3A_379 = tpu.vector_load %arg8[%swap3A_378] {strides = array<i32>} : memref<64xi32, #tpu.memory_space<vmem>>, vector<16xi32>,
    %swap3A_380 = vector.shape_cast %swap3A_379 : vector<16xi32> to vector<16xi32>
    %swap3A_381 = vector.shape_cast %select_n3A_359 : vector<16xi32> to vector<16xi32>
    tpu.vector_store %arg8[%swap3A_378], %swap3A_381 {strides = array<i32>} : memref<64xi32, #tpu.memory_space<vmem>>, vector<16xi32>,
    %swap3A_382 = arith.constant 32 : index
    %swap3A_383 = tpu.vector_load %arg9[%swap3A_382] {strides = array<i32>} : memref<64xi32, #tpu.memory_space<vmem>>, vector<16xi32>,
    %swap3A_384 = vector.shape_cast %swap3A_383 : vector<16xi32> to vector<16xi32>
    %swap3A_385 = vector.shape_cast %select_n3A_356 : vector<16xi32> to vector<16xi32>
    tpu.vector_store %arg9[%swap3A_382], %swap3A_385 {strides = array<i32>} : memref<64xi32, #tpu.memory_space<vmem>>, vector<16xi32>,
    %get3A_386 = arith.constant 48 : index
    %get3A_387 = tpu.vector_load %arg5[%get3A_386] {strides = array<i32>} : memref<512xf32, #tpu.memory_space<vmem>>, vector<16xf32>,
    %get3A_388 = vector.shape_cast %get3A_387 : vector<16xf32> to vector<16xf32>
    %broadcast_in_dim3A_389 = arith.constant 0 : i32
    %broadcast_in_dim3A_390 = vector.broadcast %broadcast_in_dim3A_389 : i32 to vector<16xi32>
    %broadcast_in_dim3A_391 = arith.constant -3.000000e+38 : f32
    %broadcast_in_dim3A_392 = vector.broadcast %broadcast_in_dim3A_391 : f32 to vector<16xf32>
    %broadcast_in_dim3A_393 = arith.constant 0 : i32
    %broadcast_in_dim3A_394 = vector.broadcast %broadcast_in_dim3A_393 : i32 to vector<16xi32>
    %get3A_395 = arith.constant 112 : index
    %get3A_396 = tpu.vector_load %arg5[%get3A_395] {strides = array<i32>} : memref<512xf32, #tpu.memory_space<vmem>>, vector<16xf32>,
    %get3A_397 = vector.shape_cast %get3A_396 : vector<16xf32> to vector<16xf32>
    %broadcast_in_dim3A_398 = arith.constant 1 : i32
    %broadcast_in_dim3A_399 = vector.broadcast %broadcast_in_dim3A_398 : i32 to vector<16xi32>
    %gt3A_400 = arith.cmpf ogt, %get3A_397, %get3A_388 : vector<16xf32>
    %gt3A_401 = arith.cmpf ogt, %get3A_397, %broadcast_in_dim3A_392 : vector<16xf32>
    %select_n3A_402 = arith.select %gt3A_401, %broadcast_in_dim3A_399, %broadcast_in_dim3A_394 : vector<16xi1>, vector<16xi32>
    %select_n3A_403 = arith.select %gt3A_400, %broadcast_in_dim3A_390, %select_n3A_402 : vector<16xi1>, vector<16xi32>
    %select_n3A_404 = arith.select %gt3A_401, %get3A_397, %broadcast_in_dim3A_392 : vector<16xi1>, vector<16xf32>
    %select_n3A_405 = arith.select %gt3A_400, %get3A_388, %select_n3A_404 : vector<16xi1>, vector<16xf32>
    %select_n3A_406 = arith.select %gt3A_400, %broadcast_in_dim3A_399, %broadcast_in_dim3A_390 : vector<16xi1>, vector<16xi32>
    %select_n3A_407 = arith.select %gt3A_400, %get3A_397, %get3A_388 : vector<16xi1>, vector<16xf32>
    %get3A_408 = arith.constant 176 : index
    %get3A_409 = tpu.vector_load %arg5[%get3A_408] {strides = array<i32>} : memref<512xf32, #tpu.memory_space<vmem>>, vector<16xf32>,
    %get3A_410 = vector.shape_cast %get3A_409 : vector<16xf32> to vector<16xf32>
    %broadcast_in_dim3A_411 = arith.constant 2 : i32
    %broadcast_in_dim3A_412 = vector.broadcast %broadcast_in_dim3A_411 : i32 to vector<16xi32>
    %gt3A_413 = arith.cmpf ogt, %get3A_410, %select_n3A_407 : vector<16xf32>
    %gt3A_414 = arith.cmpf ogt, %get3A_410, %select_n3A_405 : vector<16xf32>
    %select_n3A_415 = arith.select %gt3A_414, %broadcast_in_dim3A_412, %select_n3A_403 : vector<16xi1>, vector<16xi32>
    %select_n3A_416 = arith.select %gt3A_413, %select_n3A_406, %select_n3A_415 : vector<16xi1>, vector<16xi32>
    %select_n3A_417 = arith.select %gt3A_414, %get3A_410, %select_n3A_405 : vector<16xi1>, vector<16xf32>
    %select_n3A_418 = arith.select %gt3A_413, %select_n3A_407, %select_n3A_417 : vector<16xi1>, vector<16xf32>
    %select_n3A_419 = arith.select %gt3A_413, %broadcast_in_dim3A_412, %select_n3A_406 : vector<16xi1>, vector<16xi32>
    %select_n3A_420 = arith.select %gt3A_413, %get3A_410, %select_n3A_407 : vector<16xi1>, vector<16xf32>
    %get3A_421 = arith.constant 240 : index
    %get3A_422 = tpu.vector_load %arg5[%get3A_421] {strides = array<i32>} : memref<512xf32, #tpu.memory_space<vmem>>, vector<16xf32>,
    %get3A_423 = vector.shape_cast %get3A_422 : vector<16xf32> to vector<16xf32>
    %broadcast_in_dim3A_424 = arith.constant 3 : i32
    %broadcast_in_dim3A_425 = vector.broadcast %broadcast_in_dim3A_424 : i32 to vector<16xi32>
    %gt3A_426 = arith.cmpf ogt, %get3A_423, %select_n3A_420 : vector<16xf32>
    %gt3A_427 = arith.cmpf ogt, %get3A_423, %select_n3A_418 : vector<16xf32>
    %select_n3A_428 = arith.select %gt3A_427, %broadcast_in_dim3A_425, %select_n3A_416 : vector<16xi1>, vector<16xi32>
    %select_n3A_429 = arith.select %gt3A_426, %select_n3A_419, %select_n3A_428 : vector<16xi1>, vector<16xi32>
    %select_n3A_430 = arith.select %gt3A_427, %get3A_423, %select_n3A_418 : vector<16xi1>, vector<16xf32>
    %select_n3A_431 = arith.select %gt3A_426, %select_n3A_420, %select_n3A_430 : vector<16xi1>, vector<16xf32>
    %select_n3A_432 = arith.select %gt3A_426, %broadcast_in_dim3A_425, %select_n3A_419 : vector<16xi1>, vector<16xi32>
    %select_n3A_433 = arith.select %gt3A_426, %get3A_423, %select_n3A_420 : vector<16xi1>, vector<16xf32>
    %get3A_434 = arith.constant 304 : index
    %get3A_435 = tpu.vector_load %arg5[%get3A_434] {strides = array<i32>} : memref<512xf32, #tpu.memory_space<vmem>>, vector<16xf32>,
    %get3A_436 = vector.shape_cast %get3A_435 : vector<16xf32> to vector<16xf32>
    %broadcast_in_dim3A_437 = arith.constant 4 : i32
    %broadcast_in_dim3A_438 = vector.broadcast %broadcast_in_dim3A_437 : i32 to vector<16xi32>
    %gt3A_439 = arith.cmpf ogt, %get3A_436, %select_n3A_433 : vector<16xf32>
    %gt3A_440 = arith.cmpf ogt, %get3A_436, %select_n3A_431 : vector<16xf32>
    %select_n3A_441 = arith.select %gt3A_440, %broadcast_in_dim3A_438, %select_n3A_429 : vector<16xi1>, vector<16xi32>
    %select_n3A_442 = arith.select %gt3A_439, %select_n3A_432, %select_n3A_441 : vector<16xi1>, vector<16xi32>
    %select_n3A_443 = arith.select %gt3A_440, %get3A_436, %select_n3A_431 : vector<16xi1>, vector<16xf32>
    %select_n3A_444 = arith.select %gt3A_439, %select_n3A_433, %select_n3A_443 : vector<16xi1>, vector<16xf32>
    %select_n3A_445 = arith.select %gt3A_439, %broadcast_in_dim3A_438, %select_n3A_432 : vector<16xi1>, vector<16xi32>
    %select_n3A_446 = arith.select %gt3A_439, %get3A_436, %select_n3A_433 : vector<16xi1>, vector<16xf32>
    %get3A_447 = arith.constant 368 : index
    %get3A_448 = tpu.vector_load %arg5[%get3A_447] {strides = array<i32>} : memref<512xf32, #tpu.memory_space<vmem>>, vector<16xf32>,
    %get3A_449 = vector.shape_cast %get3A_448 : vector<16xf32> to vector<16xf32>
    %broadcast_in_dim3A_450 = arith.constant 5 : i32
    %broadcast_in_dim3A_451 = vector.broadcast %broadcast_in_dim3A_450 : i32 to vector<16xi32>
    %gt3A_452 = arith.cmpf ogt, %get3A_449, %select_n3A_446 : vector<16xf32>
    %gt3A_453 = arith.cmpf ogt, %get3A_449, %select_n3A_444 : vector<16xf32>
    %select_n3A_454 = arith.select %gt3A_453, %broadcast_in_dim3A_451, %select_n3A_442 : vector<16xi1>, vector<16xi32>
    %select_n3A_455 = arith.select %gt3A_452, %select_n3A_445, %select_n3A_454 : vector<16xi1>, vector<16xi32>
    %select_n3A_456 = arith.select %gt3A_453, %get3A_449, %select_n3A_444 : vector<16xi1>, vector<16xf32>
    %select_n3A_457 = arith.select %gt3A_452, %select_n3A_446, %select_n3A_456 : vector<16xi1>, vector<16xf32>
    %select_n3A_458 = arith.select %gt3A_452, %broadcast_in_dim3A_451, %select_n3A_445 : vector<16xi1>, vector<16xi32>
    %select_n3A_459 = arith.select %gt3A_452, %get3A_449, %select_n3A_446 : vector<16xi1>, vector<16xf32>
    %get3A_460 = arith.constant 432 : index
    %get3A_461 = tpu.vector_load %arg5[%get3A_460] {strides = array<i32>} : memref<512xf32, #tpu.memory_space<vmem>>, vector<16xf32>,
    %get3A_462 = vector.shape_cast %get3A_461 : vector<16xf32> to vector<16xf32>
    %broadcast_in_dim3A_463 = arith.constant 6 : i32
    %broadcast_in_dim3A_464 = vector.broadcast %broadcast_in_dim3A_463 : i32 to vector<16xi32>
    %gt3A_465 = arith.cmpf ogt, %get3A_462, %select_n3A_459 : vector<16xf32>
    %gt3A_466 = arith.cmpf ogt, %get3A_462, %select_n3A_457 : vector<16xf32>
    %select_n3A_467 = arith.select %gt3A_466, %broadcast_in_dim3A_464, %select_n3A_455 : vector<16xi1>, vector<16xi32>
    %select_n3A_468 = arith.select %gt3A_465, %select_n3A_458, %select_n3A_467 : vector<16xi1>, vector<16xi32>
    %select_n3A_469 = arith.select %gt3A_466, %get3A_462, %select_n3A_457 : vector<16xi1>, vector<16xf32>
    %select_n3A_470 = arith.select %gt3A_465, %select_n3A_459, %select_n3A_469 : vector<16xi1>, vector<16xf32>
    %select_n3A_471 = arith.select %gt3A_465, %broadcast_in_dim3A_464, %select_n3A_458 : vector<16xi1>, vector<16xi32>
    %select_n3A_472 = arith.select %gt3A_465, %get3A_462, %select_n3A_459 : vector<16xi1>, vector<16xf32>
    %get3A_473 = arith.constant 496 : index
    %get3A_474 = tpu.vector_load %arg5[%get3A_473] {strides = array<i32>} : memref<512xf32, #tpu.memory_space<vmem>>, vector<16xf32>,
    %get3A_475 = vector.shape_cast %get3A_474 : vector<16xf32> to vector<16xf32>
    %broadcast_in_dim3A_476 = arith.constant 7 : i32
    %broadcast_in_dim3A_477 = vector.broadcast %broadcast_in_dim3A_476 : i32 to vector<16xi32>
    %gt3A_478 = arith.cmpf ogt, %get3A_475, %select_n3A_472 : vector<16xf32>
    %gt3A_479 = arith.cmpf ogt, %get3A_475, %select_n3A_470 : vector<16xf32>
    %select_n3A_480 = arith.select %gt3A_479, %broadcast_in_dim3A_477, %select_n3A_468 : vector<16xi1>, vector<16xi32>
    %select_n3A_481 = arith.select %gt3A_478, %select_n3A_471, %select_n3A_480 : vector<16xi1>, vector<16xi32>
    %select_n3A_482 = arith.select %gt3A_479, %get3A_475, %select_n3A_470 : vector<16xi1>, vector<16xf32>
    %select_n3A_483 = arith.select %gt3A_478, %select_n3A_472, %select_n3A_482 : vector<16xi1>, vector<16xf32>
    %select_n3A_484 = arith.select %gt3A_478, %broadcast_in_dim3A_477, %select_n3A_471 : vector<16xi1>, vector<16xi32>
    %select_n3A_485 = arith.select %gt3A_478, %get3A_475, %select_n3A_472 : vector<16xi1>, vector<16xf32>
    %sub3A_486 = arith.subf %select_n3A_483, %select_n3A_485 : vector<16xf32>
    %exp3A_487 = math.exp %sub3A_486 : vector<16xf32>
    %add3A_488 = arith.constant 1.000000e+00 : f32
    %add3A_489 = vector.broadcast %add3A_488 : f32 to vector<16xf32>
    %add3A_490 = arith.addf %add3A_489, %exp3A_487 : vector<16xf32>
    %div3A_491 = arith.constant 1.000000e+00 : f32
    %div3A_492 = vector.broadcast %div3A_491 : f32 to vector<16xf32>
    %div3A_493 = arith.divf %div3A_492, %add3A_490 : vector<16xf32>
    %swap3A_494 = arith.constant 48 : index
    %swap3A_495 = tpu.vector_load %arg6[%swap3A_494] {strides = array<i32>} : memref<64xf32, #tpu.memory_space<vmem>>, vector<16xf32>,
    %swap3A_496 = vector.shape_cast %swap3A_495 : vector<16xf32> to vector<16xf32>
    %swap3A_497 = vector.shape_cast %div3A_493 : vector<16xf32> to vector<16xf32>
    tpu.vector_store %arg6[%swap3A_494], %swap3A_497 {strides = array<i32>} : memref<64xf32, #tpu.memory_space<vmem>>, vector<16xf32>,
    %div3A_498 = arith.divf %exp3A_487, %add3A_490 : vector<16xf32>
    %swap3A_499 = arith.constant 48 : index
    %swap3A_500 = tpu.vector_load %arg7[%swap3A_499] {strides = array<i32>} : memref<64xf32, #tpu.memory_space<vmem>>, vector<16xf32>,
    %swap3A_501 = vector.shape_cast %swap3A_500 : vector<16xf32> to vector<16xf32>
    %swap3A_502 = vector.shape_cast %div3A_498 : vector<16xf32> to vector<16xf32>
    tpu.vector_store %arg7[%swap3A_499], %swap3A_502 {strides = array<i32>} : memref<64xf32, #tpu.memory_space<vmem>>, vector<16xf32>,
    %swap3A_503 = arith.constant 48 : index
    %swap3A_504 = tpu.vector_load %arg8[%swap3A_503] {strides = array<i32>} : memref<64xi32, #tpu.memory_space<vmem>>, vector<16xi32>,
    %swap3A_505 = vector.shape_cast %swap3A_504 : vector<16xi32> to vector<16xi32>
    %swap3A_506 = vector.shape_cast %select_n3A_484 : vector<16xi32> to vector<16xi32>
    tpu.vector_store %arg8[%swap3A_503], %swap3A_506 {strides = array<i32>} : memref<64xi32, #tpu.memory_space<vmem>>, vector<16xi32>,
    %swap3A_507 = arith.constant 48 : index
    %swap3A_508 = tpu.vector_load %arg9[%swap3A_507] {strides = array<i32>} : memref<64xi32, #tpu.memory_space<vmem>>, vector<16xi32>,
    %swap3A_509 = vector.shape_cast %swap3A_508 : vector<16xi32> to vector<16xi32>
    %swap3A_510 = vector.shape_cast %select_n3A_481 : vector<16xi32> to vector<16xi32>
    tpu.vector_store %arg9[%swap3A_507], %swap3A_510 {strides = array<i32>} : memref<64xi32, #tpu.memory_space<vmem>>, vector<16xi32>,
    "tpu.region"() ({
      %run_scoped3A = tpu.sem_alloc : memref<!tpu.dma_semaphore, #tpu.memory_space<semaphore_mem>>
      %dma_start3A = tpu.memref_slice %arg3[%mul3A_2] : memref<4096xf32, #tpu.memory_space<hbm>> -> memref<64xf32, #tpu.memory_space<hbm>>
      %dma_start3A_515 = tpu.memref_slice %arg3[%mul3A_2] : memref<4096xf32, #tpu.memory_space<hbm>> -> memref<64xf32, #tpu.memory_space<hbm>>
      tpu.enqueue_dma source(%arg6 : memref<64xf32, #tpu.memory_space<vmem>>) target(%dma_start3A_515 : memref<64xf32, #tpu.memory_space<hbm>>) target_semaphore(%run_scoped3A : memref<!tpu.dma_semaphore, #tpu.memory_space<semaphore_mem>>)
      %dma_wait3A = tpu.memref_slice %arg3[%mul3A_2] : memref<4096xf32, #tpu.memory_space<hbm>> -> memref<64xf32, #tpu.memory_space<hbm>>
      %dma_wait3A_516 = tpu.memref_slice %arg3[%mul3A_2] : memref<4096xf32, #tpu.memory_space<hbm>> -> memref<64xf32, #tpu.memory_space<hbm>>
      tpu.wait_dma2 semaphore(%run_scoped3A : memref<!tpu.dma_semaphore, #tpu.memory_space<semaphore_mem>>) src(%arg6 : memref<64xf32, #tpu.memory_space<vmem>>) dst(%dma_wait3A_516 : memref<64xf32, #tpu.memory_space<hbm>>)
      tpu.yield
    }) : () -> ()
    %add3A_511 = arith.constant 2048 : i32
    %add3A_512 = arith.addi %add3A_511, %mul3A_2 : i32
    "tpu.region"() ({
      %run_scoped3A = tpu.sem_alloc : memref<!tpu.dma_semaphore, #tpu.memory_space<semaphore_mem>>
      %dma_start3A = tpu.memref_slice %arg3[%add3A_512] : memref<4096xf32, #tpu.memory_space<hbm>> -> memref<64xf32, #tpu.memory_space<hbm>>
      %dma_start3A_515 = tpu.memref_slice %arg3[%add3A_512] : memref<4096xf32, #tpu.memory_space<hbm>> -> memref<64xf32, #tpu.memory_space<hbm>>
      tpu.enqueue_dma source(%arg7 : memref<64xf32, #tpu.memory_space<vmem>>) target(%dma_start3A_515 : memref<64xf32, #tpu.memory_space<hbm>>) target_semaphore(%run_scoped3A : memref<!tpu.dma_semaphore, #tpu.memory_space<semaphore_mem>>)
      %dma_wait3A = tpu.memref_slice %arg3[%add3A_512] : memref<4096xf32, #tpu.memory_space<hbm>> -> memref<64xf32, #tpu.memory_space<hbm>>
      %dma_wait3A_516 = tpu.memref_slice %arg3[%add3A_512] : memref<4096xf32, #tpu.memory_space<hbm>> -> memref<64xf32, #tpu.memory_space<hbm>>
      tpu.wait_dma2 semaphore(%run_scoped3A : memref<!tpu.dma_semaphore, #tpu.memory_space<semaphore_mem>>) src(%arg7 : memref<64xf32, #tpu.memory_space<vmem>>) dst(%dma_wait3A_516 : memref<64xf32, #tpu.memory_space<hbm>>)
      tpu.yield
    }) : () -> ()
    "tpu.region"() ({
      %run_scoped3A = tpu.sem_alloc : memref<!tpu.dma_semaphore, #tpu.memory_space<semaphore_mem>>
      %dma_start3A = tpu.memref_slice %arg4[%mul3A_2] : memref<4096xi32, #tpu.memory_space<hbm>> -> memref<64xi32, #tpu.memory_space<hbm>>
      %dma_start3A_515 = tpu.memref_slice %arg4[%mul3A_2] : memref<4096xi32, #tpu.memory_space<hbm>> -> memref<64xi32, #tpu.memory_space<hbm>>
      tpu.enqueue_dma source(%arg8 : memref<64xi32, #tpu.memory_space<vmem>>) target(%dma_start3A_515 : memref<64xi32, #tpu.memory_space<hbm>>) target_semaphore(%run_scoped3A : memref<!tpu.dma_semaphore, #tpu.memory_space<semaphore_mem>>)
      %dma_wait3A = tpu.memref_slice %arg4[%mul3A_2] : memref<4096xi32, #tpu.memory_space<hbm>> -> memref<64xi32, #tpu.memory_space<hbm>>
      %dma_wait3A_516 = tpu.memref_slice %arg4[%mul3A_2] : memref<4096xi32, #tpu.memory_space<hbm>> -> memref<64xi32, #tpu.memory_space<hbm>>
      tpu.wait_dma2 semaphore(%run_scoped3A : memref<!tpu.dma_semaphore, #tpu.memory_space<semaphore_mem>>) src(%arg8 : memref<64xi32, #tpu.memory_space<vmem>>) dst(%dma_wait3A_516 : memref<64xi32, #tpu.memory_space<hbm>>)
      tpu.yield
    }) : () -> ()
    %add3A_513 = arith.constant 2048 : i32
    %add3A_514 = arith.addi %add3A_513, %mul3A_2 : i32
    "tpu.region"() ({
      %run_scoped3A = tpu.sem_alloc : memref<!tpu.dma_semaphore, #tpu.memory_space<semaphore_mem>>
      %dma_start3A = tpu.memref_slice %arg4[%add3A_514] : memref<4096xi32, #tpu.memory_space<hbm>> -> memref<64xi32, #tpu.memory_space<hbm>>
      %dma_start3A_515 = tpu.memref_slice %arg4[%add3A_514] : memref<4096xi32, #tpu.memory_space<hbm>> -> memref<64xi32, #tpu.memory_space<hbm>>
      tpu.enqueue_dma source(%arg9 : memref<64xi32, #tpu.memory_space<vmem>>) target(%dma_start3A_515 : memref<64xi32, #tpu.memory_space<hbm>>) target_semaphore(%run_scoped3A : memref<!tpu.dma_semaphore, #tpu.memory_space<semaphore_mem>>)
      %dma_wait3A = tpu.memref_slice %arg4[%add3A_514] : memref<4096xi32, #tpu.memory_space<hbm>> -> memref<64xi32, #tpu.memory_space<hbm>>
      %dma_wait3A_516 = tpu.memref_slice %arg4[%add3A_514] : memref<4096xi32, #tpu.memory_space<hbm>> -> memref<64xi32, #tpu.memory_space<hbm>>
      tpu.wait_dma2 semaphore(%run_scoped3A : memref<!tpu.dma_semaphore, #tpu.memory_space<semaphore_mem>>) src(%arg9 : memref<64xi32, #tpu.memory_space<vmem>>) dst(%dma_wait3A_516 : memref<64xi32, #tpu.memory_space<hbm>>)
      tpu.yield
    }) : () -> ()
    return
  }
}

#map = affine_map<(d0, d1) -> (0, 0)>
#map1 = affine_map<(d0, d1) -> (0)>
module attributes {stable_mosaic.version = 14 : i64} {
  func.func @k(%arg0: i32, %arg1: i32, %arg2: memref<2048x1024xf32, #tpu.memory_space<hbm>>, %arg3: memref<5888xi32, #tpu.memory_space<hbm>>, %arg4: memref<5888x1024xf32, #tpu.memory_space<hbm>>, %arg5: memref<184xi32, #tpu.memory_space<vmem>>, %arg6: memref<24x1024xf32, #tpu.memory_space<vmem>>, %arg7: memref<24x1024xf32, #tpu.memory_space<vmem>>, %arg8: memref<24x1024xf32, #tpu.memory_space<vmem>>, %arg9: memref<24x1024xf32, #tpu.memory_space<vmem>>, %arg10: memref<!tpu.dma_semaphore, #tpu.memory_space<semaphore_mem>>, %arg11: memref<!tpu.dma_semaphore, #tpu.memory_space<semaphore_mem>>, %arg12: memref<!tpu.dma_semaphore, #tpu.memory_space<semaphore_mem>>, %arg13: memref<!tpu.dma_semaphore, #tpu.memory_space<semaphore_mem>>) attributes {dimension_semantics = [#tpu.dimension_semantics<core_parallel>, #tpu.dimension_semantics<subcore_parallel>], iteration_bounds = array<i64: 2, 16>, scalar_prefetch = 0 : i64, scratch_operands = 9 : i64, tpu.core_type = #tpu.core_type<sc_vector_subcore>, window_params = [{transform_indices = #map}, {transform_indices = #map1}, {transform_indices = #map}]} {
    %mul3A = arith.constant 2 : i32
    %mul3A_0 = arith.muli %arg1, %mul3A : i32
    %add3A = arith.addi %mul3A_0, %arg0 : i32
    %mul3A_1 = arith.constant 184 : i32
    %mul3A_2 = arith.muli %add3A, %mul3A_1 : i32
    "tpu.region"() ({
      %run_scoped3A = tpu.sem_alloc : memref<!tpu.dma_semaphore, #tpu.memory_space<semaphore_mem>>
      %dma_start3A_145 = tpu.memref_slice %arg3[%mul3A_2] : memref<5888xi32, #tpu.memory_space<hbm>> -> memref<184xi32, #tpu.memory_space<hbm>>
      %dma_start3A_146 = tpu.memref_slice %arg3[%mul3A_2] : memref<5888xi32, #tpu.memory_space<hbm>> -> memref<184xi32, #tpu.memory_space<hbm>>
      tpu.enqueue_dma source(%dma_start3A_146 : memref<184xi32, #tpu.memory_space<hbm>>) target(%arg5 : memref<184xi32, #tpu.memory_space<vmem>>) target_semaphore(%run_scoped3A : memref<!tpu.dma_semaphore, #tpu.memory_space<semaphore_mem>>)
      %dma_wait3A_147 = tpu.memref_slice %arg3[%mul3A_2] : memref<5888xi32, #tpu.memory_space<hbm>> -> memref<184xi32, #tpu.memory_space<hbm>>
      %dma_wait3A_148 = tpu.memref_slice %arg3[%mul3A_2] : memref<5888xi32, #tpu.memory_space<hbm>> -> memref<184xi32, #tpu.memory_space<hbm>>
      tpu.wait_dma2 semaphore(%run_scoped3A : memref<!tpu.dma_semaphore, #tpu.memory_space<semaphore_mem>>) src(%dma_wait3A_148 : memref<184xi32, #tpu.memory_space<hbm>>) dst(%arg5 : memref<184xi32, #tpu.memory_space<vmem>>)
      tpu.yield
    }) : () -> ()
    %dma_start3A = arith.constant 0 : i32
    %dma_start3A_3 = arith.constant 0 : i32
    %dma_start3A_4 = tpu.memref_slice %arg6[%dma_start3A, %dma_start3A_3] : memref<24x1024xf32, #tpu.memory_space<vmem>> -> memref<24x1024xf32, #tpu.memory_space<vmem>>
    %dma_start3A_5 = arith.constant 0 : i32
    %dma_start3A_6 = tpu.memref_slice %arg5[%dma_start3A_5] : memref<184xi32, #tpu.memory_space<vmem>> -> memref<24xi32, #tpu.memory_space<vmem>>
    %dma_start3A_7 = arith.constant 0 : i32
    %dma_start3A_8 = arith.constant 0 : i32
    %dma_start3A_9 = tpu.memref_slice %arg2[%dma_start3A_7, %dma_start3A_8] : memref<2048x1024xf32, #tpu.memory_space<hbm>> -> memref<2048x1024xf32, #tpu.memory_space<hbm>>
    tpu.enqueue_indirect_dma source(%dma_start3A_9 : memref<2048x1024xf32, #tpu.memory_space<hbm>>) target(%dma_start3A_4 : memref<24x1024xf32, #tpu.memory_space<vmem>>) offsets(%dma_start3A_6 : memref<24xi32, #tpu.memory_space<vmem>>) semaphore(%arg10 : memref<!tpu.dma_semaphore, #tpu.memory_space<semaphore_mem>>)
    %dma_start3A_10 = arith.constant 0 : i32
    %dma_start3A_11 = arith.constant 0 : i32
    %dma_start3A_12 = tpu.memref_slice %arg7[%dma_start3A_10, %dma_start3A_11] : memref<24x1024xf32, #tpu.memory_space<vmem>> -> memref<24x1024xf32, #tpu.memory_space<vmem>>
    %dma_start3A_13 = arith.constant 24 : i32
    %dma_start3A_14 = tpu.memref_slice %arg5[%dma_start3A_13] : memref<184xi32, #tpu.memory_space<vmem>> -> memref<24xi32, #tpu.memory_space<vmem>>
    %dma_start3A_15 = arith.constant 0 : i32
    %dma_start3A_16 = arith.constant 0 : i32
    %dma_start3A_17 = tpu.memref_slice %arg2[%dma_start3A_15, %dma_start3A_16] : memref<2048x1024xf32, #tpu.memory_space<hbm>> -> memref<2048x1024xf32, #tpu.memory_space<hbm>>
    tpu.enqueue_indirect_dma source(%dma_start3A_17 : memref<2048x1024xf32, #tpu.memory_space<hbm>>) target(%dma_start3A_12 : memref<24x1024xf32, #tpu.memory_space<vmem>>) offsets(%dma_start3A_14 : memref<24xi32, #tpu.memory_space<vmem>>) semaphore(%arg11 : memref<!tpu.dma_semaphore, #tpu.memory_space<semaphore_mem>>)
    %dma_start3A_18 = arith.constant 0 : i32
    %dma_start3A_19 = arith.constant 0 : i32
    %dma_start3A_20 = tpu.memref_slice %arg8[%dma_start3A_18, %dma_start3A_19] : memref<24x1024xf32, #tpu.memory_space<vmem>> -> memref<24x1024xf32, #tpu.memory_space<vmem>>
    %dma_start3A_21 = arith.constant 48 : i32
    %dma_start3A_22 = tpu.memref_slice %arg5[%dma_start3A_21] : memref<184xi32, #tpu.memory_space<vmem>> -> memref<24xi32, #tpu.memory_space<vmem>>
    %dma_start3A_23 = arith.constant 0 : i32
    %dma_start3A_24 = arith.constant 0 : i32
    %dma_start3A_25 = tpu.memref_slice %arg2[%dma_start3A_23, %dma_start3A_24] : memref<2048x1024xf32, #tpu.memory_space<hbm>> -> memref<2048x1024xf32, #tpu.memory_space<hbm>>
    tpu.enqueue_indirect_dma source(%dma_start3A_25 : memref<2048x1024xf32, #tpu.memory_space<hbm>>) target(%dma_start3A_20 : memref<24x1024xf32, #tpu.memory_space<vmem>>) offsets(%dma_start3A_22 : memref<24xi32, #tpu.memory_space<vmem>>) semaphore(%arg12 : memref<!tpu.dma_semaphore, #tpu.memory_space<semaphore_mem>>)
    %dma_start3A_26 = arith.constant 0 : i32
    %dma_start3A_27 = arith.constant 0 : i32
    %dma_start3A_28 = tpu.memref_slice %arg9[%dma_start3A_26, %dma_start3A_27] : memref<24x1024xf32, #tpu.memory_space<vmem>> -> memref<24x1024xf32, #tpu.memory_space<vmem>>
    %dma_start3A_29 = arith.constant 72 : i32
    %dma_start3A_30 = tpu.memref_slice %arg5[%dma_start3A_29] : memref<184xi32, #tpu.memory_space<vmem>> -> memref<24xi32, #tpu.memory_space<vmem>>
    %dma_start3A_31 = arith.constant 0 : i32
    %dma_start3A_32 = arith.constant 0 : i32
    %dma_start3A_33 = tpu.memref_slice %arg2[%dma_start3A_31, %dma_start3A_32] : memref<2048x1024xf32, #tpu.memory_space<hbm>> -> memref<2048x1024xf32, #tpu.memory_space<hbm>>
    tpu.enqueue_indirect_dma source(%dma_start3A_33 : memref<2048x1024xf32, #tpu.memory_space<hbm>>) target(%dma_start3A_28 : memref<24x1024xf32, #tpu.memory_space<vmem>>) offsets(%dma_start3A_30 : memref<24xi32, #tpu.memory_space<vmem>>) semaphore(%arg13 : memref<!tpu.dma_semaphore, #tpu.memory_space<semaphore_mem>>)
    %dma_wait3A = arith.constant 0 : i32
    %dma_wait3A_34 = arith.constant 0 : i32
    %dma_wait3A_35 = tpu.memref_slice %arg6[%dma_wait3A, %dma_wait3A_34] : memref<24x1024xf32, #tpu.memory_space<vmem>> -> memref<24x1024xf32, #tpu.memory_space<vmem>>
    %dma_wait3A_36 = arith.constant 0 : i32
    %dma_wait3A_37 = tpu.memref_slice %arg5[%dma_wait3A_36] : memref<184xi32, #tpu.memory_space<vmem>> -> memref<24xi32, #tpu.memory_space<vmem>>
    %dma_wait3A_38 = arith.constant 0 : i32
    %dma_wait3A_39 = arith.constant 0 : i32
    %dma_wait3A_40 = tpu.memref_slice %arg2[%dma_wait3A_38, %dma_wait3A_39] : memref<2048x1024xf32, #tpu.memory_space<hbm>> -> memref<2048x1024xf32, #tpu.memory_space<hbm>>
    tpu.wait_indirect_dma semaphore(%arg10 : memref<!tpu.dma_semaphore, #tpu.memory_space<semaphore_mem>>) src(%dma_wait3A_40 : memref<2048x1024xf32, #tpu.memory_space<hbm>>) dst(%dma_wait3A_35 : memref<24x1024xf32, #tpu.memory_space<vmem>>)
    %add3A_41 = arith.constant 0 : i32
    %add3A_42 = arith.addi %mul3A_2, %add3A_41 : i32
    "tpu.region"() ({
      %run_scoped3A = tpu.sem_alloc : memref<!tpu.dma_semaphore, #tpu.memory_space<semaphore_mem>>
      %dma_start3A_145 = arith.constant 0 : i32
      %dma_start3A_146 = arith.constant 0 : i32
      %dma_start3A_147 = tpu.memref_slice %arg6[%dma_start3A_145, %dma_start3A_146] : memref<24x1024xf32, #tpu.memory_space<vmem>> -> memref<24x1024xf32, #tpu.memory_space<vmem>>
      %dma_start3A_148 = arith.constant 0 : i32
      %dma_start3A_149 = tpu.memref_slice %arg4[%add3A_42, %dma_start3A_148] : memref<5888x1024xf32, #tpu.memory_space<hbm>> -> memref<24x1024xf32, #tpu.memory_space<hbm>>
      %dma_start3A_150 = arith.constant 0 : i32
      %dma_start3A_151 = tpu.memref_slice %arg4[%add3A_42, %dma_start3A_150] : memref<5888x1024xf32, #tpu.memory_space<hbm>> -> memref<24x1024xf32, #tpu.memory_space<hbm>>
      %dma_start3A_152 = arith.constant 0 : i32
      %dma_start3A_153 = arith.constant 0 : i32
      %dma_start3A_154 = tpu.memref_slice %arg6[%dma_start3A_152, %dma_start3A_153] : memref<24x1024xf32, #tpu.memory_space<vmem>> -> memref<24x1024xf32, #tpu.memory_space<vmem>>
      tpu.enqueue_dma source(%dma_start3A_154 : memref<24x1024xf32, #tpu.memory_space<vmem>>) target(%dma_start3A_151 : memref<24x1024xf32, #tpu.memory_space<hbm>>) target_semaphore(%run_scoped3A : memref<!tpu.dma_semaphore, #tpu.memory_space<semaphore_mem>>)
      %dma_wait3A_155 = arith.constant 0 : i32
      %dma_wait3A_156 = arith.constant 0 : i32
      %dma_wait3A_157 = tpu.memref_slice %arg6[%dma_wait3A_155, %dma_wait3A_156] : memref<24x1024xf32, #tpu.memory_space<vmem>> -> memref<24x1024xf32, #tpu.memory_space<vmem>>
      %dma_wait3A_158 = arith.constant 0 : i32
      %dma_wait3A_159 = tpu.memref_slice %arg4[%add3A_42, %dma_wait3A_158] : memref<5888x1024xf32, #tpu.memory_space<hbm>> -> memref<24x1024xf32, #tpu.memory_space<hbm>>
      %dma_wait3A_160 = arith.constant 0 : i32
      %dma_wait3A_161 = tpu.memref_slice %arg4[%add3A_42, %dma_wait3A_160] : memref<5888x1024xf32, #tpu.memory_space<hbm>> -> memref<24x1024xf32, #tpu.memory_space<hbm>>
      %dma_wait3A_162 = arith.constant 0 : i32
      %dma_wait3A_163 = arith.constant 0 : i32
      %dma_wait3A_164 = tpu.memref_slice %arg6[%dma_wait3A_162, %dma_wait3A_163] : memref<24x1024xf32, #tpu.memory_space<vmem>> -> memref<24x1024xf32, #tpu.memory_space<vmem>>
      tpu.wait_dma2 semaphore(%run_scoped3A : memref<!tpu.dma_semaphore, #tpu.memory_space<semaphore_mem>>) src(%dma_wait3A_164 : memref<24x1024xf32, #tpu.memory_space<vmem>>) dst(%dma_wait3A_161 : memref<24x1024xf32, #tpu.memory_space<hbm>>)
      tpu.yield
    }) : () -> ()
    %dma_start3A_43 = arith.constant 0 : i32
    %dma_start3A_44 = arith.constant 0 : i32
    %dma_start3A_45 = tpu.memref_slice %arg6[%dma_start3A_43, %dma_start3A_44] : memref<24x1024xf32, #tpu.memory_space<vmem>> -> memref<24x1024xf32, #tpu.memory_space<vmem>>
    %dma_start3A_46 = arith.constant 96 : i32
    %dma_start3A_47 = tpu.memref_slice %arg5[%dma_start3A_46] : memref<184xi32, #tpu.memory_space<vmem>> -> memref<24xi32, #tpu.memory_space<vmem>>
    %dma_start3A_48 = arith.constant 0 : i32
    %dma_start3A_49 = arith.constant 0 : i32
    %dma_start3A_50 = tpu.memref_slice %arg2[%dma_start3A_48, %dma_start3A_49] : memref<2048x1024xf32, #tpu.memory_space<hbm>> -> memref<2048x1024xf32, #tpu.memory_space<hbm>>
    tpu.enqueue_indirect_dma source(%dma_start3A_50 : memref<2048x1024xf32, #tpu.memory_space<hbm>>) target(%dma_start3A_45 : memref<24x1024xf32, #tpu.memory_space<vmem>>) offsets(%dma_start3A_47 : memref<24xi32, #tpu.memory_space<vmem>>) semaphore(%arg10 : memref<!tpu.dma_semaphore, #tpu.memory_space<semaphore_mem>>)
    %dma_wait3A_51 = arith.constant 0 : i32
    %dma_wait3A_52 = arith.constant 0 : i32
    %dma_wait3A_53 = tpu.memref_slice %arg7[%dma_wait3A_51, %dma_wait3A_52] : memref<24x1024xf32, #tpu.memory_space<vmem>> -> memref<24x1024xf32, #tpu.memory_space<vmem>>
    %dma_wait3A_54 = arith.constant 24 : i32
    %dma_wait3A_55 = tpu.memref_slice %arg5[%dma_wait3A_54] : memref<184xi32, #tpu.memory_space<vmem>> -> memref<24xi32, #tpu.memory_space<vmem>>
    %dma_wait3A_56 = arith.constant 0 : i32
    %dma_wait3A_57 = arith.constant 0 : i32
    %dma_wait3A_58 = tpu.memref_slice %arg2[%dma_wait3A_56, %dma_wait3A_57] : memref<2048x1024xf32, #tpu.memory_space<hbm>> -> memref<2048x1024xf32, #tpu.memory_space<hbm>>
    tpu.wait_indirect_dma semaphore(%arg11 : memref<!tpu.dma_semaphore, #tpu.memory_space<semaphore_mem>>) src(%dma_wait3A_58 : memref<2048x1024xf32, #tpu.memory_space<hbm>>) dst(%dma_wait3A_53 : memref<24x1024xf32, #tpu.memory_space<vmem>>)
    %add3A_59 = arith.constant 24 : i32
    %add3A_60 = arith.addi %mul3A_2, %add3A_59 : i32
    "tpu.region"() ({
      %run_scoped3A = tpu.sem_alloc : memref<!tpu.dma_semaphore, #tpu.memory_space<semaphore_mem>>
      %dma_start3A_145 = arith.constant 0 : i32
      %dma_start3A_146 = arith.constant 0 : i32
      %dma_start3A_147 = tpu.memref_slice %arg7[%dma_start3A_145, %dma_start3A_146] : memref<24x1024xf32, #tpu.memory_space<vmem>> -> memref<24x1024xf32, #tpu.memory_space<vmem>>
      %dma_start3A_148 = arith.constant 0 : i32
      %dma_start3A_149 = tpu.memref_slice %arg4[%add3A_60, %dma_start3A_148] : memref<5888x1024xf32, #tpu.memory_space<hbm>> -> memref<24x1024xf32, #tpu.memory_space<hbm>>
      %dma_start3A_150 = arith.constant 0 : i32
      %dma_start3A_151 = tpu.memref_slice %arg4[%add3A_60, %dma_start3A_150] : memref<5888x1024xf32, #tpu.memory_space<hbm>> -> memref<24x1024xf32, #tpu.memory_space<hbm>>
      %dma_start3A_152 = arith.constant 0 : i32
      %dma_start3A_153 = arith.constant 0 : i32
      %dma_start3A_154 = tpu.memref_slice %arg7[%dma_start3A_152, %dma_start3A_153] : memref<24x1024xf32, #tpu.memory_space<vmem>> -> memref<24x1024xf32, #tpu.memory_space<vmem>>
      tpu.enqueue_dma source(%dma_start3A_154 : memref<24x1024xf32, #tpu.memory_space<vmem>>) target(%dma_start3A_151 : memref<24x1024xf32, #tpu.memory_space<hbm>>) target_semaphore(%run_scoped3A : memref<!tpu.dma_semaphore, #tpu.memory_space<semaphore_mem>>)
      %dma_wait3A_155 = arith.constant 0 : i32
      %dma_wait3A_156 = arith.constant 0 : i32
      %dma_wait3A_157 = tpu.memref_slice %arg7[%dma_wait3A_155, %dma_wait3A_156] : memref<24x1024xf32, #tpu.memory_space<vmem>> -> memref<24x1024xf32, #tpu.memory_space<vmem>>
      %dma_wait3A_158 = arith.constant 0 : i32
      %dma_wait3A_159 = tpu.memref_slice %arg4[%add3A_60, %dma_wait3A_158] : memref<5888x1024xf32, #tpu.memory_space<hbm>> -> memref<24x1024xf32, #tpu.memory_space<hbm>>
      %dma_wait3A_160 = arith.constant 0 : i32
      %dma_wait3A_161 = tpu.memref_slice %arg4[%add3A_60, %dma_wait3A_160] : memref<5888x1024xf32, #tpu.memory_space<hbm>> -> memref<24x1024xf32, #tpu.memory_space<hbm>>
      %dma_wait3A_162 = arith.constant 0 : i32
      %dma_wait3A_163 = arith.constant 0 : i32
      %dma_wait3A_164 = tpu.memref_slice %arg7[%dma_wait3A_162, %dma_wait3A_163] : memref<24x1024xf32, #tpu.memory_space<vmem>> -> memref<24x1024xf32, #tpu.memory_space<vmem>>
      tpu.wait_dma2 semaphore(%run_scoped3A : memref<!tpu.dma_semaphore, #tpu.memory_space<semaphore_mem>>) src(%dma_wait3A_164 : memref<24x1024xf32, #tpu.memory_space<vmem>>) dst(%dma_wait3A_161 : memref<24x1024xf32, #tpu.memory_space<hbm>>)
      tpu.yield
    }) : () -> ()
    %dma_start3A_61 = arith.constant 0 : i32
    %dma_start3A_62 = arith.constant 0 : i32
    %dma_start3A_63 = tpu.memref_slice %arg7[%dma_start3A_61, %dma_start3A_62] : memref<24x1024xf32, #tpu.memory_space<vmem>> -> memref<24x1024xf32, #tpu.memory_space<vmem>>
    %dma_start3A_64 = arith.constant 120 : i32
    %dma_start3A_65 = tpu.memref_slice %arg5[%dma_start3A_64] : memref<184xi32, #tpu.memory_space<vmem>> -> memref<24xi32, #tpu.memory_space<vmem>>
    %dma_start3A_66 = arith.constant 0 : i32
    %dma_start3A_67 = arith.constant 0 : i32
    %dma_start3A_68 = tpu.memref_slice %arg2[%dma_start3A_66, %dma_start3A_67] : memref<2048x1024xf32, #tpu.memory_space<hbm>> -> memref<2048x1024xf32, #tpu.memory_space<hbm>>
    tpu.enqueue_indirect_dma source(%dma_start3A_68 : memref<2048x1024xf32, #tpu.memory_space<hbm>>) target(%dma_start3A_63 : memref<24x1024xf32, #tpu.memory_space<vmem>>) offsets(%dma_start3A_65 : memref<24xi32, #tpu.memory_space<vmem>>) semaphore(%arg11 : memref<!tpu.dma_semaphore, #tpu.memory_space<semaphore_mem>>)
    %dma_wait3A_69 = arith.constant 0 : i32
    %dma_wait3A_70 = arith.constant 0 : i32
    %dma_wait3A_71 = tpu.memref_slice %arg8[%dma_wait3A_69, %dma_wait3A_70] : memref<24x1024xf32, #tpu.memory_space<vmem>> -> memref<24x1024xf32, #tpu.memory_space<vmem>>
    %dma_wait3A_72 = arith.constant 48 : i32
    %dma_wait3A_73 = tpu.memref_slice %arg5[%dma_wait3A_72] : memref<184xi32, #tpu.memory_space<vmem>> -> memref<24xi32, #tpu.memory_space<vmem>>
    %dma_wait3A_74 = arith.constant 0 : i32
    %dma_wait3A_75 = arith.constant 0 : i32
    %dma_wait3A_76 = tpu.memref_slice %arg2[%dma_wait3A_74, %dma_wait3A_75] : memref<2048x1024xf32, #tpu.memory_space<hbm>> -> memref<2048x1024xf32, #tpu.memory_space<hbm>>
    tpu.wait_indirect_dma semaphore(%arg12 : memref<!tpu.dma_semaphore, #tpu.memory_space<semaphore_mem>>) src(%dma_wait3A_76 : memref<2048x1024xf32, #tpu.memory_space<hbm>>) dst(%dma_wait3A_71 : memref<24x1024xf32, #tpu.memory_space<vmem>>)
    %add3A_77 = arith.constant 48 : i32
    %add3A_78 = arith.addi %mul3A_2, %add3A_77 : i32
    "tpu.region"() ({
      %run_scoped3A = tpu.sem_alloc : memref<!tpu.dma_semaphore, #tpu.memory_space<semaphore_mem>>
      %dma_start3A_145 = arith.constant 0 : i32
      %dma_start3A_146 = arith.constant 0 : i32
      %dma_start3A_147 = tpu.memref_slice %arg8[%dma_start3A_145, %dma_start3A_146] : memref<24x1024xf32, #tpu.memory_space<vmem>> -> memref<24x1024xf32, #tpu.memory_space<vmem>>
      %dma_start3A_148 = arith.constant 0 : i32
      %dma_start3A_149 = tpu.memref_slice %arg4[%add3A_78, %dma_start3A_148] : memref<5888x1024xf32, #tpu.memory_space<hbm>> -> memref<24x1024xf32, #tpu.memory_space<hbm>>
      %dma_start3A_150 = arith.constant 0 : i32
      %dma_start3A_151 = tpu.memref_slice %arg4[%add3A_78, %dma_start3A_150] : memref<5888x1024xf32, #tpu.memory_space<hbm>> -> memref<24x1024xf32, #tpu.memory_space<hbm>>
      %dma_start3A_152 = arith.constant 0 : i32
      %dma_start3A_153 = arith.constant 0 : i32
      %dma_start3A_154 = tpu.memref_slice %arg8[%dma_start3A_152, %dma_start3A_153] : memref<24x1024xf32, #tpu.memory_space<vmem>> -> memref<24x1024xf32, #tpu.memory_space<vmem>>
      tpu.enqueue_dma source(%dma_start3A_154 : memref<24x1024xf32, #tpu.memory_space<vmem>>) target(%dma_start3A_151 : memref<24x1024xf32, #tpu.memory_space<hbm>>) target_semaphore(%run_scoped3A : memref<!tpu.dma_semaphore, #tpu.memory_space<semaphore_mem>>)
      %dma_wait3A_155 = arith.constant 0 : i32
      %dma_wait3A_156 = arith.constant 0 : i32
      %dma_wait3A_157 = tpu.memref_slice %arg8[%dma_wait3A_155, %dma_wait3A_156] : memref<24x1024xf32, #tpu.memory_space<vmem>> -> memref<24x1024xf32, #tpu.memory_space<vmem>>
      %dma_wait3A_158 = arith.constant 0 : i32
      %dma_wait3A_159 = tpu.memref_slice %arg4[%add3A_78, %dma_wait3A_158] : memref<5888x1024xf32, #tpu.memory_space<hbm>> -> memref<24x1024xf32, #tpu.memory_space<hbm>>
      %dma_wait3A_160 = arith.constant 0 : i32
      %dma_wait3A_161 = tpu.memref_slice %arg4[%add3A_78, %dma_wait3A_160] : memref<5888x1024xf32, #tpu.memory_space<hbm>> -> memref<24x1024xf32, #tpu.memory_space<hbm>>
      %dma_wait3A_162 = arith.constant 0 : i32
      %dma_wait3A_163 = arith.constant 0 : i32
      %dma_wait3A_164 = tpu.memref_slice %arg8[%dma_wait3A_162, %dma_wait3A_163] : memref<24x1024xf32, #tpu.memory_space<vmem>> -> memref<24x1024xf32, #tpu.memory_space<vmem>>
      tpu.wait_dma2 semaphore(%run_scoped3A : memref<!tpu.dma_semaphore, #tpu.memory_space<semaphore_mem>>) src(%dma_wait3A_164 : memref<24x1024xf32, #tpu.memory_space<vmem>>) dst(%dma_wait3A_161 : memref<24x1024xf32, #tpu.memory_space<hbm>>)
      tpu.yield
    }) : () -> ()
    %dma_start3A_79 = arith.constant 0 : i32
    %dma_start3A_80 = arith.constant 0 : i32
    %dma_start3A_81 = tpu.memref_slice %arg8[%dma_start3A_79, %dma_start3A_80] : memref<24x1024xf32, #tpu.memory_space<vmem>> -> memref<24x1024xf32, #tpu.memory_space<vmem>>
    %dma_start3A_82 = arith.constant 144 : i32
    %dma_start3A_83 = tpu.memref_slice %arg5[%dma_start3A_82] : memref<184xi32, #tpu.memory_space<vmem>> -> memref<24xi32, #tpu.memory_space<vmem>>
    %dma_start3A_84 = arith.constant 0 : i32
    %dma_start3A_85 = arith.constant 0 : i32
    %dma_start3A_86 = tpu.memref_slice %arg2[%dma_start3A_84, %dma_start3A_85] : memref<2048x1024xf32, #tpu.memory_space<hbm>> -> memref<2048x1024xf32, #tpu.memory_space<hbm>>
    tpu.enqueue_indirect_dma source(%dma_start3A_86 : memref<2048x1024xf32, #tpu.memory_space<hbm>>) target(%dma_start3A_81 : memref<24x1024xf32, #tpu.memory_space<vmem>>) offsets(%dma_start3A_83 : memref<24xi32, #tpu.memory_space<vmem>>) semaphore(%arg12 : memref<!tpu.dma_semaphore, #tpu.memory_space<semaphore_mem>>)
    %dma_wait3A_87 = arith.constant 0 : i32
    %dma_wait3A_88 = arith.constant 0 : i32
    %dma_wait3A_89 = tpu.memref_slice %arg9[%dma_wait3A_87, %dma_wait3A_88] : memref<24x1024xf32, #tpu.memory_space<vmem>> -> memref<24x1024xf32, #tpu.memory_space<vmem>>
    %dma_wait3A_90 = arith.constant 72 : i32
    %dma_wait3A_91 = tpu.memref_slice %arg5[%dma_wait3A_90] : memref<184xi32, #tpu.memory_space<vmem>> -> memref<24xi32, #tpu.memory_space<vmem>>
    %dma_wait3A_92 = arith.constant 0 : i32
    %dma_wait3A_93 = arith.constant 0 : i32
    %dma_wait3A_94 = tpu.memref_slice %arg2[%dma_wait3A_92, %dma_wait3A_93] : memref<2048x1024xf32, #tpu.memory_space<hbm>> -> memref<2048x1024xf32, #tpu.memory_space<hbm>>
    tpu.wait_indirect_dma semaphore(%arg13 : memref<!tpu.dma_semaphore, #tpu.memory_space<semaphore_mem>>) src(%dma_wait3A_94 : memref<2048x1024xf32, #tpu.memory_space<hbm>>) dst(%dma_wait3A_89 : memref<24x1024xf32, #tpu.memory_space<vmem>>)
    %add3A_95 = arith.constant 72 : i32
    %add3A_96 = arith.addi %mul3A_2, %add3A_95 : i32
    "tpu.region"() ({
      %run_scoped3A = tpu.sem_alloc : memref<!tpu.dma_semaphore, #tpu.memory_space<semaphore_mem>>
      %dma_start3A_145 = arith.constant 0 : i32
      %dma_start3A_146 = arith.constant 0 : i32
      %dma_start3A_147 = tpu.memref_slice %arg9[%dma_start3A_145, %dma_start3A_146] : memref<24x1024xf32, #tpu.memory_space<vmem>> -> memref<24x1024xf32, #tpu.memory_space<vmem>>
      %dma_start3A_148 = arith.constant 0 : i32
      %dma_start3A_149 = tpu.memref_slice %arg4[%add3A_96, %dma_start3A_148] : memref<5888x1024xf32, #tpu.memory_space<hbm>> -> memref<24x1024xf32, #tpu.memory_space<hbm>>
      %dma_start3A_150 = arith.constant 0 : i32
      %dma_start3A_151 = tpu.memref_slice %arg4[%add3A_96, %dma_start3A_150] : memref<5888x1024xf32, #tpu.memory_space<hbm>> -> memref<24x1024xf32, #tpu.memory_space<hbm>>
      %dma_start3A_152 = arith.constant 0 : i32
      %dma_start3A_153 = arith.constant 0 : i32
      %dma_start3A_154 = tpu.memref_slice %arg9[%dma_start3A_152, %dma_start3A_153] : memref<24x1024xf32, #tpu.memory_space<vmem>> -> memref<24x1024xf32, #tpu.memory_space<vmem>>
      tpu.enqueue_dma source(%dma_start3A_154 : memref<24x1024xf32, #tpu.memory_space<vmem>>) target(%dma_start3A_151 : memref<24x1024xf32, #tpu.memory_space<hbm>>) target_semaphore(%run_scoped3A : memref<!tpu.dma_semaphore, #tpu.memory_space<semaphore_mem>>)
      %dma_wait3A_155 = arith.constant 0 : i32
      %dma_wait3A_156 = arith.constant 0 : i32
      %dma_wait3A_157 = tpu.memref_slice %arg9[%dma_wait3A_155, %dma_wait3A_156] : memref<24x1024xf32, #tpu.memory_space<vmem>> -> memref<24x1024xf32, #tpu.memory_space<vmem>>
      %dma_wait3A_158 = arith.constant 0 : i32
      %dma_wait3A_159 = tpu.memref_slice %arg4[%add3A_96, %dma_wait3A_158] : memref<5888x1024xf32, #tpu.memory_space<hbm>> -> memref<24x1024xf32, #tpu.memory_space<hbm>>
      %dma_wait3A_160 = arith.constant 0 : i32
      %dma_wait3A_161 = tpu.memref_slice %arg4[%add3A_96, %dma_wait3A_160] : memref<5888x1024xf32, #tpu.memory_space<hbm>> -> memref<24x1024xf32, #tpu.memory_space<hbm>>
      %dma_wait3A_162 = arith.constant 0 : i32
      %dma_wait3A_163 = arith.constant 0 : i32
      %dma_wait3A_164 = tpu.memref_slice %arg9[%dma_wait3A_162, %dma_wait3A_163] : memref<24x1024xf32, #tpu.memory_space<vmem>> -> memref<24x1024xf32, #tpu.memory_space<vmem>>
      tpu.wait_dma2 semaphore(%run_scoped3A : memref<!tpu.dma_semaphore, #tpu.memory_space<semaphore_mem>>) src(%dma_wait3A_164 : memref<24x1024xf32, #tpu.memory_space<vmem>>) dst(%dma_wait3A_161 : memref<24x1024xf32, #tpu.memory_space<hbm>>)
      tpu.yield
    }) : () -> ()
    %dma_start3A_97 = arith.constant 0 : i32
    %dma_start3A_98 = arith.constant 0 : i32
    %dma_start3A_99 = tpu.memref_slice %arg9[%dma_start3A_97, %dma_start3A_98] : memref<24x1024xf32, #tpu.memory_space<vmem>> -> memref<16x1024xf32, #tpu.memory_space<vmem>>
    %dma_start3A_100 = arith.constant 168 : i32
    %dma_start3A_101 = tpu.memref_slice %arg5[%dma_start3A_100] : memref<184xi32, #tpu.memory_space<vmem>> -> memref<16xi32, #tpu.memory_space<vmem>>
    %dma_start3A_102 = arith.constant 0 : i32
    %dma_start3A_103 = arith.constant 0 : i32
    %dma_start3A_104 = tpu.memref_slice %arg2[%dma_start3A_102, %dma_start3A_103] : memref<2048x1024xf32, #tpu.memory_space<hbm>> -> memref<2048x1024xf32, #tpu.memory_space<hbm>>
    tpu.enqueue_indirect_dma source(%dma_start3A_104 : memref<2048x1024xf32, #tpu.memory_space<hbm>>) target(%dma_start3A_99 : memref<16x1024xf32, #tpu.memory_space<vmem>>) offsets(%dma_start3A_101 : memref<16xi32, #tpu.memory_space<vmem>>) semaphore(%arg13 : memref<!tpu.dma_semaphore, #tpu.memory_space<semaphore_mem>>)
    %dma_wait3A_105 = arith.constant 0 : i32
    %dma_wait3A_106 = arith.constant 0 : i32
    %dma_wait3A_107 = tpu.memref_slice %arg6[%dma_wait3A_105, %dma_wait3A_106] : memref<24x1024xf32, #tpu.memory_space<vmem>> -> memref<24x1024xf32, #tpu.memory_space<vmem>>
    %dma_wait3A_108 = arith.constant 96 : i32
    %dma_wait3A_109 = tpu.memref_slice %arg5[%dma_wait3A_108] : memref<184xi32, #tpu.memory_space<vmem>> -> memref<24xi32, #tpu.memory_space<vmem>>
    %dma_wait3A_110 = arith.constant 0 : i32
    %dma_wait3A_111 = arith.constant 0 : i32
    %dma_wait3A_112 = tpu.memref_slice %arg2[%dma_wait3A_110, %dma_wait3A_111] : memref<2048x1024xf32, #tpu.memory_space<hbm>> -> memref<2048x1024xf32, #tpu.memory_space<hbm>>
    tpu.wait_indirect_dma semaphore(%arg10 : memref<!tpu.dma_semaphore, #tpu.memory_space<semaphore_mem>>) src(%dma_wait3A_112 : memref<2048x1024xf32, #tpu.memory_space<hbm>>) dst(%dma_wait3A_107 : memref<24x1024xf32, #tpu.memory_space<vmem>>)
    %add3A_113 = arith.constant 96 : i32
    %add3A_114 = arith.addi %mul3A_2, %add3A_113 : i32
    "tpu.region"() ({
      %run_scoped3A = tpu.sem_alloc : memref<!tpu.dma_semaphore, #tpu.memory_space<semaphore_mem>>
      %dma_start3A_145 = arith.constant 0 : i32
      %dma_start3A_146 = arith.constant 0 : i32
      %dma_start3A_147 = tpu.memref_slice %arg6[%dma_start3A_145, %dma_start3A_146] : memref<24x1024xf32, #tpu.memory_space<vmem>> -> memref<24x1024xf32, #tpu.memory_space<vmem>>
      %dma_start3A_148 = arith.constant 0 : i32
      %dma_start3A_149 = tpu.memref_slice %arg4[%add3A_114, %dma_start3A_148] : memref<5888x1024xf32, #tpu.memory_space<hbm>> -> memref<24x1024xf32, #tpu.memory_space<hbm>>
      %dma_start3A_150 = arith.constant 0 : i32
      %dma_start3A_151 = tpu.memref_slice %arg4[%add3A_114, %dma_start3A_150] : memref<5888x1024xf32, #tpu.memory_space<hbm>> -> memref<24x1024xf32, #tpu.memory_space<hbm>>
      %dma_start3A_152 = arith.constant 0 : i32
      %dma_start3A_153 = arith.constant 0 : i32
      %dma_start3A_154 = tpu.memref_slice %arg6[%dma_start3A_152, %dma_start3A_153] : memref<24x1024xf32, #tpu.memory_space<vmem>> -> memref<24x1024xf32, #tpu.memory_space<vmem>>
      tpu.enqueue_dma source(%dma_start3A_154 : memref<24x1024xf32, #tpu.memory_space<vmem>>) target(%dma_start3A_151 : memref<24x1024xf32, #tpu.memory_space<hbm>>) target_semaphore(%run_scoped3A : memref<!tpu.dma_semaphore, #tpu.memory_space<semaphore_mem>>)
      %dma_wait3A_155 = arith.constant 0 : i32
      %dma_wait3A_156 = arith.constant 0 : i32
      %dma_wait3A_157 = tpu.memref_slice %arg6[%dma_wait3A_155, %dma_wait3A_156] : memref<24x1024xf32, #tpu.memory_space<vmem>> -> memref<24x1024xf32, #tpu.memory_space<vmem>>
      %dma_wait3A_158 = arith.constant 0 : i32
      %dma_wait3A_159 = tpu.memref_slice %arg4[%add3A_114, %dma_wait3A_158] : memref<5888x1024xf32, #tpu.memory_space<hbm>> -> memref<24x1024xf32, #tpu.memory_space<hbm>>
      %dma_wait3A_160 = arith.constant 0 : i32
      %dma_wait3A_161 = tpu.memref_slice %arg4[%add3A_114, %dma_wait3A_160] : memref<5888x1024xf32, #tpu.memory_space<hbm>> -> memref<24x1024xf32, #tpu.memory_space<hbm>>
      %dma_wait3A_162 = arith.constant 0 : i32
      %dma_wait3A_163 = arith.constant 0 : i32
      %dma_wait3A_164 = tpu.memref_slice %arg6[%dma_wait3A_162, %dma_wait3A_163] : memref<24x1024xf32, #tpu.memory_space<vmem>> -> memref<24x1024xf32, #tpu.memory_space<vmem>>
      tpu.wait_dma2 semaphore(%run_scoped3A : memref<!tpu.dma_semaphore, #tpu.memory_space<semaphore_mem>>) src(%dma_wait3A_164 : memref<24x1024xf32, #tpu.memory_space<vmem>>) dst(%dma_wait3A_161 : memref<24x1024xf32, #tpu.memory_space<hbm>>)
      tpu.yield
    }) : () -> ()
    %dma_wait3A_115 = arith.constant 0 : i32
    %dma_wait3A_116 = arith.constant 0 : i32
    %dma_wait3A_117 = tpu.memref_slice %arg7[%dma_wait3A_115, %dma_wait3A_116] : memref<24x1024xf32, #tpu.memory_space<vmem>> -> memref<24x1024xf32, #tpu.memory_space<vmem>>
    %dma_wait3A_118 = arith.constant 120 : i32
    %dma_wait3A_119 = tpu.memref_slice %arg5[%dma_wait3A_118] : memref<184xi32, #tpu.memory_space<vmem>> -> memref<24xi32, #tpu.memory_space<vmem>>
    %dma_wait3A_120 = arith.constant 0 : i32
    %dma_wait3A_121 = arith.constant 0 : i32
    %dma_wait3A_122 = tpu.memref_slice %arg2[%dma_wait3A_120, %dma_wait3A_121] : memref<2048x1024xf32, #tpu.memory_space<hbm>> -> memref<2048x1024xf32, #tpu.memory_space<hbm>>
    tpu.wait_indirect_dma semaphore(%arg11 : memref<!tpu.dma_semaphore, #tpu.memory_space<semaphore_mem>>) src(%dma_wait3A_122 : memref<2048x1024xf32, #tpu.memory_space<hbm>>) dst(%dma_wait3A_117 : memref<24x1024xf32, #tpu.memory_space<vmem>>)
    %add3A_123 = arith.constant 120 : i32
    %add3A_124 = arith.addi %mul3A_2, %add3A_123 : i32
    "tpu.region"() ({
      %run_scoped3A = tpu.sem_alloc : memref<!tpu.dma_semaphore, #tpu.memory_space<semaphore_mem>>
      %dma_start3A_145 = arith.constant 0 : i32
      %dma_start3A_146 = arith.constant 0 : i32
      %dma_start3A_147 = tpu.memref_slice %arg7[%dma_start3A_145, %dma_start3A_146] : memref<24x1024xf32, #tpu.memory_space<vmem>> -> memref<24x1024xf32, #tpu.memory_space<vmem>>
      %dma_start3A_148 = arith.constant 0 : i32
      %dma_start3A_149 = tpu.memref_slice %arg4[%add3A_124, %dma_start3A_148] : memref<5888x1024xf32, #tpu.memory_space<hbm>> -> memref<24x1024xf32, #tpu.memory_space<hbm>>
      %dma_start3A_150 = arith.constant 0 : i32
      %dma_start3A_151 = tpu.memref_slice %arg4[%add3A_124, %dma_start3A_150] : memref<5888x1024xf32, #tpu.memory_space<hbm>> -> memref<24x1024xf32, #tpu.memory_space<hbm>>
      %dma_start3A_152 = arith.constant 0 : i32
      %dma_start3A_153 = arith.constant 0 : i32
      %dma_start3A_154 = tpu.memref_slice %arg7[%dma_start3A_152, %dma_start3A_153] : memref<24x1024xf32, #tpu.memory_space<vmem>> -> memref<24x1024xf32, #tpu.memory_space<vmem>>
      tpu.enqueue_dma source(%dma_start3A_154 : memref<24x1024xf32, #tpu.memory_space<vmem>>) target(%dma_start3A_151 : memref<24x1024xf32, #tpu.memory_space<hbm>>) target_semaphore(%run_scoped3A : memref<!tpu.dma_semaphore, #tpu.memory_space<semaphore_mem>>)
      %dma_wait3A_155 = arith.constant 0 : i32
      %dma_wait3A_156 = arith.constant 0 : i32
      %dma_wait3A_157 = tpu.memref_slice %arg7[%dma_wait3A_155, %dma_wait3A_156] : memref<24x1024xf32, #tpu.memory_space<vmem>> -> memref<24x1024xf32, #tpu.memory_space<vmem>>
      %dma_wait3A_158 = arith.constant 0 : i32
      %dma_wait3A_159 = tpu.memref_slice %arg4[%add3A_124, %dma_wait3A_158] : memref<5888x1024xf32, #tpu.memory_space<hbm>> -> memref<24x1024xf32, #tpu.memory_space<hbm>>
      %dma_wait3A_160 = arith.constant 0 : i32
      %dma_wait3A_161 = tpu.memref_slice %arg4[%add3A_124, %dma_wait3A_160] : memref<5888x1024xf32, #tpu.memory_space<hbm>> -> memref<24x1024xf32, #tpu.memory_space<hbm>>
      %dma_wait3A_162 = arith.constant 0 : i32
      %dma_wait3A_163 = arith.constant 0 : i32
      %dma_wait3A_164 = tpu.memref_slice %arg7[%dma_wait3A_162, %dma_wait3A_163] : memref<24x1024xf32, #tpu.memory_space<vmem>> -> memref<24x1024xf32, #tpu.memory_space<vmem>>
      tpu.wait_dma2 semaphore(%run_scoped3A : memref<!tpu.dma_semaphore, #tpu.memory_space<semaphore_mem>>) src(%dma_wait3A_164 : memref<24x1024xf32, #tpu.memory_space<vmem>>) dst(%dma_wait3A_161 : memref<24x1024xf32, #tpu.memory_space<hbm>>)
      tpu.yield
    }) : () -> ()
    %dma_wait3A_125 = arith.constant 0 : i32
    %dma_wait3A_126 = arith.constant 0 : i32
    %dma_wait3A_127 = tpu.memref_slice %arg8[%dma_wait3A_125, %dma_wait3A_126] : memref<24x1024xf32, #tpu.memory_space<vmem>> -> memref<24x1024xf32, #tpu.memory_space<vmem>>
    %dma_wait3A_128 = arith.constant 144 : i32
    %dma_wait3A_129 = tpu.memref_slice %arg5[%dma_wait3A_128] : memref<184xi32, #tpu.memory_space<vmem>> -> memref<24xi32, #tpu.memory_space<vmem>>
    %dma_wait3A_130 = arith.constant 0 : i32
    %dma_wait3A_131 = arith.constant 0 : i32
    %dma_wait3A_132 = tpu.memref_slice %arg2[%dma_wait3A_130, %dma_wait3A_131] : memref<2048x1024xf32, #tpu.memory_space<hbm>> -> memref<2048x1024xf32, #tpu.memory_space<hbm>>
    tpu.wait_indirect_dma semaphore(%arg12 : memref<!tpu.dma_semaphore, #tpu.memory_space<semaphore_mem>>) src(%dma_wait3A_132 : memref<2048x1024xf32, #tpu.memory_space<hbm>>) dst(%dma_wait3A_127 : memref<24x1024xf32, #tpu.memory_space<vmem>>)
    %add3A_133 = arith.constant 144 : i32
    %add3A_134 = arith.addi %mul3A_2, %add3A_133 : i32
    "tpu.region"() ({
      %run_scoped3A = tpu.sem_alloc : memref<!tpu.dma_semaphore, #tpu.memory_space<semaphore_mem>>
      %dma_start3A_145 = arith.constant 0 : i32
      %dma_start3A_146 = arith.constant 0 : i32
      %dma_start3A_147 = tpu.memref_slice %arg8[%dma_start3A_145, %dma_start3A_146] : memref<24x1024xf32, #tpu.memory_space<vmem>> -> memref<24x1024xf32, #tpu.memory_space<vmem>>
      %dma_start3A_148 = arith.constant 0 : i32
      %dma_start3A_149 = tpu.memref_slice %arg4[%add3A_134, %dma_start3A_148] : memref<5888x1024xf32, #tpu.memory_space<hbm>> -> memref<24x1024xf32, #tpu.memory_space<hbm>>
      %dma_start3A_150 = arith.constant 0 : i32
      %dma_start3A_151 = tpu.memref_slice %arg4[%add3A_134, %dma_start3A_150] : memref<5888x1024xf32, #tpu.memory_space<hbm>> -> memref<24x1024xf32, #tpu.memory_space<hbm>>
      %dma_start3A_152 = arith.constant 0 : i32
      %dma_start3A_153 = arith.constant 0 : i32
      %dma_start3A_154 = tpu.memref_slice %arg8[%dma_start3A_152, %dma_start3A_153] : memref<24x1024xf32, #tpu.memory_space<vmem>> -> memref<24x1024xf32, #tpu.memory_space<vmem>>
      tpu.enqueue_dma source(%dma_start3A_154 : memref<24x1024xf32, #tpu.memory_space<vmem>>) target(%dma_start3A_151 : memref<24x1024xf32, #tpu.memory_space<hbm>>) target_semaphore(%run_scoped3A : memref<!tpu.dma_semaphore, #tpu.memory_space<semaphore_mem>>)
      %dma_wait3A_155 = arith.constant 0 : i32
      %dma_wait3A_156 = arith.constant 0 : i32
      %dma_wait3A_157 = tpu.memref_slice %arg8[%dma_wait3A_155, %dma_wait3A_156] : memref<24x1024xf32, #tpu.memory_space<vmem>> -> memref<24x1024xf32, #tpu.memory_space<vmem>>
      %dma_wait3A_158 = arith.constant 0 : i32
      %dma_wait3A_159 = tpu.memref_slice %arg4[%add3A_134, %dma_wait3A_158] : memref<5888x1024xf32, #tpu.memory_space<hbm>> -> memref<24x1024xf32, #tpu.memory_space<hbm>>
      %dma_wait3A_160 = arith.constant 0 : i32
      %dma_wait3A_161 = tpu.memref_slice %arg4[%add3A_134, %dma_wait3A_160] : memref<5888x1024xf32, #tpu.memory_space<hbm>> -> memref<24x1024xf32, #tpu.memory_space<hbm>>
      %dma_wait3A_162 = arith.constant 0 : i32
      %dma_wait3A_163 = arith.constant 0 : i32
      %dma_wait3A_164 = tpu.memref_slice %arg8[%dma_wait3A_162, %dma_wait3A_163] : memref<24x1024xf32, #tpu.memory_space<vmem>> -> memref<24x1024xf32, #tpu.memory_space<vmem>>
      tpu.wait_dma2 semaphore(%run_scoped3A : memref<!tpu.dma_semaphore, #tpu.memory_space<semaphore_mem>>) src(%dma_wait3A_164 : memref<24x1024xf32, #tpu.memory_space<vmem>>) dst(%dma_wait3A_161 : memref<24x1024xf32, #tpu.memory_space<hbm>>)
      tpu.yield
    }) : () -> ()
    %dma_wait3A_135 = arith.constant 0 : i32
    %dma_wait3A_136 = arith.constant 0 : i32
    %dma_wait3A_137 = tpu.memref_slice %arg9[%dma_wait3A_135, %dma_wait3A_136] : memref<24x1024xf32, #tpu.memory_space<vmem>> -> memref<16x1024xf32, #tpu.memory_space<vmem>>
    %dma_wait3A_138 = arith.constant 168 : i32
    %dma_wait3A_139 = tpu.memref_slice %arg5[%dma_wait3A_138] : memref<184xi32, #tpu.memory_space<vmem>> -> memref<16xi32, #tpu.memory_space<vmem>>
    %dma_wait3A_140 = arith.constant 0 : i32
    %dma_wait3A_141 = arith.constant 0 : i32
    %dma_wait3A_142 = tpu.memref_slice %arg2[%dma_wait3A_140, %dma_wait3A_141] : memref<2048x1024xf32, #tpu.memory_space<hbm>> -> memref<2048x1024xf32, #tpu.memory_space<hbm>>
    tpu.wait_indirect_dma semaphore(%arg13 : memref<!tpu.dma_semaphore, #tpu.memory_space<semaphore_mem>>) src(%dma_wait3A_142 : memref<2048x1024xf32, #tpu.memory_space<hbm>>) dst(%dma_wait3A_137 : memref<16x1024xf32, #tpu.memory_space<vmem>>)
    %add3A_143 = arith.constant 168 : i32
    %add3A_144 = arith.addi %mul3A_2, %add3A_143 : i32
    "tpu.region"() ({
      %run_scoped3A = tpu.sem_alloc : memref<!tpu.dma_semaphore, #tpu.memory_space<semaphore_mem>>
      %dma_start3A_145 = arith.constant 0 : i32
      %dma_start3A_146 = arith.constant 0 : i32
      %dma_start3A_147 = tpu.memref_slice %arg9[%dma_start3A_145, %dma_start3A_146] : memref<24x1024xf32, #tpu.memory_space<vmem>> -> memref<16x1024xf32, #tpu.memory_space<vmem>>
      %dma_start3A_148 = arith.constant 0 : i32
      %dma_start3A_149 = tpu.memref_slice %arg4[%add3A_144, %dma_start3A_148] : memref<5888x1024xf32, #tpu.memory_space<hbm>> -> memref<16x1024xf32, #tpu.memory_space<hbm>>
      %dma_start3A_150 = arith.constant 0 : i32
      %dma_start3A_151 = tpu.memref_slice %arg4[%add3A_144, %dma_start3A_150] : memref<5888x1024xf32, #tpu.memory_space<hbm>> -> memref<16x1024xf32, #tpu.memory_space<hbm>>
      %dma_start3A_152 = arith.constant 0 : i32
      %dma_start3A_153 = arith.constant 0 : i32
      %dma_start3A_154 = tpu.memref_slice %arg9[%dma_start3A_152, %dma_start3A_153] : memref<24x1024xf32, #tpu.memory_space<vmem>> -> memref<16x1024xf32, #tpu.memory_space<vmem>>
      tpu.enqueue_dma source(%dma_start3A_154 : memref<16x1024xf32, #tpu.memory_space<vmem>>) target(%dma_start3A_151 : memref<16x1024xf32, #tpu.memory_space<hbm>>) target_semaphore(%run_scoped3A : memref<!tpu.dma_semaphore, #tpu.memory_space<semaphore_mem>>)
      %dma_wait3A_155 = arith.constant 0 : i32
      %dma_wait3A_156 = arith.constant 0 : i32
      %dma_wait3A_157 = tpu.memref_slice %arg9[%dma_wait3A_155, %dma_wait3A_156] : memref<24x1024xf32, #tpu.memory_space<vmem>> -> memref<16x1024xf32, #tpu.memory_space<vmem>>
      %dma_wait3A_158 = arith.constant 0 : i32
      %dma_wait3A_159 = tpu.memref_slice %arg4[%add3A_144, %dma_wait3A_158] : memref<5888x1024xf32, #tpu.memory_space<hbm>> -> memref<16x1024xf32, #tpu.memory_space<hbm>>
      %dma_wait3A_160 = arith.constant 0 : i32
      %dma_wait3A_161 = tpu.memref_slice %arg4[%add3A_144, %dma_wait3A_160] : memref<5888x1024xf32, #tpu.memory_space<hbm>> -> memref<16x1024xf32, #tpu.memory_space<hbm>>
      %dma_wait3A_162 = arith.constant 0 : i32
      %dma_wait3A_163 = arith.constant 0 : i32
      %dma_wait3A_164 = tpu.memref_slice %arg9[%dma_wait3A_162, %dma_wait3A_163] : memref<24x1024xf32, #tpu.memory_space<vmem>> -> memref<16x1024xf32, #tpu.memory_space<vmem>>
      tpu.wait_dma2 semaphore(%run_scoped3A : memref<!tpu.dma_semaphore, #tpu.memory_space<semaphore_mem>>) src(%dma_wait3A_164 : memref<16x1024xf32, #tpu.memory_space<vmem>>) dst(%dma_wait3A_161 : memref<16x1024xf32, #tpu.memory_space<hbm>>)
      tpu.yield
    }) : () -> ()
    return
  }
}

module attributes {stable_mosaic.version = 14 : i64} {
  func.func @_ffn_body(%arg0: i32, %arg1: memref<32xi32, #tpu.memory_space<smem>>, %arg2: memref<256x1024xf32, #tpu.memory_space<vmem>>, %arg3: memref<256x1xf32, #tpu.memory_space<vmem>>, %arg4: memref<1x4096x1024xf32, #tpu.memory_space<vmem>>, %arg5: memref<1x1024x2048xf32, #tpu.memory_space<vmem>>, %arg6: memref<256x1024xf32, #tpu.memory_space<vmem>>) attributes {dimension_semantics = [#tpu.dimension_semantics<arbitrary>], iteration_bounds = array<i64: 23>, scalar_prefetch = 1 : i64, scratch_operands = 0 : i64, tpu.core_type = #tpu.core_type<tc>, window_params = [{transform_indices = @transform_0, window_bounds = array<i64: 256, 1024>}, {transform_indices = @transform_1, window_bounds = array<i64: 256, 1>}, {transform_indices = @transform_2, window_bounds = array<i64: 1, 4096, 1024>}, {transform_indices = @transform_3, window_bounds = array<i64: 1, 1024, 2048>}, {transform_indices = @transform_4, window_bounds = array<i64: 256, 1024>}]} {
    %get3A = arith.constant 31 : index
    %get3A_0 = memref.load %arg1[%get3A] : memref<32xi32, #tpu.memory_space<smem>>
    %lt3A = arith.cmpi slt, %arg0, %get3A_0 : i32
    %convert_element_type3A = arith.extui %lt3A : i1 to i32
    %cond3A = arith.constant 0 : i32
    %cond3A_1 = arith.cmpi ne, %convert_element_type3A, %cond3A : i32
    scf.if %cond3A_1 {
      %get3A_7 = arith.constant 0 : index
      %get3A_8 = arith.constant 0 : index
      %get3A_9 = vector.load %arg2[%get3A_7, %get3A_8] : memref<256x1024xf32, #tpu.memory_space<vmem>>, vector<256x1024xf32>
      %get3A_10 = arith.constant 0 : index
      %get3A_11 = arith.constant 0 : index
      %get3A_12 = arith.constant 0 : index
      %get3A_13 = vector.load %arg4[%get3A_10, %get3A_11, %get3A_12] : memref<1x4096x1024xf32, #tpu.memory_space<vmem>>, vector<1x4096x1024xf32>
      %get3A_14 = vector.shape_cast %get3A_13 : vector<1x4096x1024xf32> to vector<4096x1024xf32>
      %dot_general3A = arith.constant dense<0.000000e+00> : vector<256x4096xf32>
      %dot_general3A_15 = tpu.matmul %get3A_9, %get3A_14, %dot_general3A {dimension_numbers = #tpu.dot_dimension_numbers<[1], [1], [0], [0], [0, 0, 1, 0], [], []>, transpose_lhs_hint = false} : vector<256x1024xf32>, vector<4096x1024xf32>, vector<256x4096xf32> -> vector<256x4096xf32>
      %slice3A = vector.extract_strided_slice %dot_general3A_15 {offsets = [0, 0], sizes = [256, 2048], strides = [1, 1]} : vector<256x4096xf32> to vector<256x2048xf32>
      %slice3A_16 = vector.extract_strided_slice %dot_general3A_15 {offsets = [0, 2048], sizes = [256, 2048], strides = [1, 1]} : vector<256x4096xf32> to vector<256x2048xf32>
      %logistic3A = arith.negf %slice3A : vector<256x2048xf32>
      %logistic3A_17 = math.exp %logistic3A : vector<256x2048xf32>
      %logistic3A_18 = arith.constant 1.000000e+00 : f32
      %logistic3A_19 = vector.broadcast %logistic3A_18 : f32 to vector<256x2048xf32>
      %logistic3A_20 = arith.addf %logistic3A_19, %logistic3A_17 : vector<256x2048xf32>
      %logistic3A_21 = arith.divf %logistic3A_19, %logistic3A_20 : vector<256x2048xf32>
      %mul3A = arith.mulf %slice3A, %logistic3A_21 : vector<256x2048xf32>
      %mul3A_22 = arith.mulf %mul3A, %slice3A_16 : vector<256x2048xf32>
      %get3A_23 = arith.constant 0 : index
      %get3A_24 = arith.constant 0 : index
      %get3A_25 = arith.constant 0 : index
      %get3A_26 = vector.load %arg5[%get3A_23, %get3A_24, %get3A_25] : memref<1x1024x2048xf32, #tpu.memory_space<vmem>>, vector<1x1024x2048xf32>
      %get3A_27 = vector.shape_cast %get3A_26 : vector<1x1024x2048xf32> to vector<1024x2048xf32>
      %dot_general3A_28 = arith.constant dense<0.000000e+00> : vector<256x1024xf32>
      %dot_general3A_29 = tpu.matmul %mul3A_22, %get3A_27, %dot_general3A_28 {dimension_numbers = #tpu.dot_dimension_numbers<[1], [1], [0], [0], [0, 0, 1, 0], [], []>, transpose_lhs_hint = false} : vector<256x2048xf32>, vector<1024x2048xf32>, vector<256x1024xf32> -> vector<256x1024xf32>
      %get3A_30 = arith.constant 0 : index
      %get3A_31 = arith.constant 0 : index
      %get3A_32 = vector.load %arg3[%get3A_30, %get3A_31] : memref<256x1xf32, #tpu.memory_space<vmem>>, vector<256x1xf32>
      %mul3A_33 = vector.broadcast %get3A_32 : vector<256x1xf32> to vector<256x1024xf32>
      %mul3A_34 = arith.mulf %dot_general3A_29, %mul3A_33 : vector<256x1024xf32>
      %swap3A = arith.constant 0 : index
      %swap3A_35 = arith.constant 0 : index
      %swap3A_36 = vector.load %arg6[%swap3A, %swap3A_35] : memref<256x1024xf32, #tpu.memory_space<vmem>>, vector<256x1024xf32>
      tpu.vector_store %arg6[%swap3A, %swap3A_35], %mul3A_34 {strides = array<i32>} : memref<256x1024xf32, #tpu.memory_space<vmem>>, vector<256x1024xf32>,
    } else {
    }
    %get3A_2 = arith.constant 31 : index
    %get3A_3 = memref.load %arg1[%get3A_2] : memref<32xi32, #tpu.memory_space<smem>>
    %ge3A = arith.cmpi sge, %arg0, %get3A_3 : i32
    %convert_element_type3A_4 = arith.extui %ge3A : i1 to i32
    %cond3A_5 = arith.constant 0 : i32
    %cond3A_6 = arith.cmpi ne, %convert_element_type3A_4, %cond3A_5 : i32
    scf.if %cond3A_6 {
      %broadcast_in_dim3A = arith.constant 0.000000e+00 : f32
      %broadcast_in_dim3A_7 = vector.broadcast %broadcast_in_dim3A : f32 to vector<256x1024xf32>
      %swap3A = arith.constant 0 : index
      %swap3A_8 = arith.constant 0 : index
      %swap3A_9 = vector.load %arg6[%swap3A, %swap3A_8] : memref<256x1024xf32, #tpu.memory_space<vmem>>, vector<256x1024xf32>
      tpu.vector_store %arg6[%swap3A, %swap3A_8], %broadcast_in_dim3A_7 {strides = array<i32>} : memref<256x1024xf32, #tpu.memory_space<vmem>>, vector<256x1024xf32>,
    } else {
    }
    return
  }
  func.func @transform_0(%arg0: i32, %arg1: memref<32xi32, #tpu.memory_space<smem>>) -> (i32, i32) {
    %c0_i32 = arith.constant 0 : i32
    %c0_i32_0 = arith.constant 0 : i32
    return %arg0, %c0_i32 : i32, i32
  }
  func.func @transform_1(%arg0: i32, %arg1: memref<32xi32, #tpu.memory_space<smem>>) -> (i32, i32) {
    %c0_i32 = arith.constant 0 : i32
    %c0_i32_0 = arith.constant 0 : i32
    return %arg0, %c0_i32 : i32, i32
  }
  func.func @transform_2(%arg0: i32, %arg1: memref<32xi32, #tpu.memory_space<smem>>) -> (i32, i32, i32) {
    %get3A = arith.index_cast %arg0 : i32 to index
    %get3A_0 = memref.load %arg1[%get3A] : memref<32xi32, #tpu.memory_space<smem>>
    %c0_i32 = arith.constant 0 : i32
    %c0_i32_1 = arith.constant 0 : i32
    %c0_i32_2 = arith.constant 0 : i32
    return %get3A_0, %c0_i32, %c0_i32_1 : i32, i32, i32
  }
  func.func @transform_3(%arg0: i32, %arg1: memref<32xi32, #tpu.memory_space<smem>>) -> (i32, i32, i32) {
    %get3A = arith.index_cast %arg0 : i32 to index
    %get3A_0 = memref.load %arg1[%get3A] : memref<32xi32, #tpu.memory_space<smem>>
    %c0_i32 = arith.constant 0 : i32
    %c0_i32_1 = arith.constant 0 : i32
    %c0_i32_2 = arith.constant 0 : i32
    return %get3A_0, %c0_i32, %c0_i32_1 : i32, i32, i32
  }
  func.func @transform_4(%arg0: i32, %arg1: memref<32xi32, #tpu.memory_space<smem>>) -> (i32, i32) {
    %c0_i32 = arith.constant 0 : i32
    %c0_i32_0 = arith.constant 0 : i32
    return %arg0, %c0_i32 : i32, i32
  }
}

</mosaic_0001>

<sc_bundles>
// kernel: gather_offload_async_start.1
scs
__scs_entry_jumppad:
0x0: {  	(pc) =	sbr.rel $0x88, $3  }
0x1: {  	(tag) =	ssettag $0x0;
	lr =	simm.s32 $0x1  }
0x2: {  	[smem:$0x3F9D] =	sst lr;
	_ =	strace $0xD0000000  }
0x3: {  	_ = 	snop  }
0x4: {  	_ = 	snop  }
0x5: {  	_ = 	snop  }
0x6: {  	_ = 	snop  }
0x7: {  	_ = 	snop  }
__scs_overlays_trampoline_lowered:
0x8: {  	[smem:$0x3FAC] =	sst s0  }
0x9: {  	[smem:$0x3FAD] =	sst s1  }
0xa: {  	[smem:$0x3FAE] =	sst s2  }
0xb: {  	[smem:$0x3FAF] =	sst s3  }
0xc: {  	[smem:$0x3FB0] =	sst s4  }
0xd: {  	[smem:$0x3FB1] =	sst s5  }
0xe: {  	[smem:$0x3FB2] =	sst s6  }
0xf: {  	[smem:$0x3FB3] =	sst s7  }
0x10: {  	[smem:$0x3FB4] =	sst s8  }
0x11: {  	[smem:$0x3FB5] =	sst s9;
	s0 =	simm.s32 @!p0 $0x0  }
0x12: {  	s1 =	sld [smem:$0x3F9B];
	s0 =	simm.s32 @p0 $0x1  }
0x13: {  	[smem:$0x3FB6] =	sst s0;
	s0 =	simm.s32 @!p1 $0x0  }
0x14: {  	s2 =	sld [smem:$0x3F9A];
	s0 =	simm.s32 @p1 $0x1  }
0x15: {  	[smem:$0x3FB7] =	sst s0;
	s0 =	simm.s32 @!p2 $0x0  }
0x16: {  	s3 =	sld [smem:$0x3FDB];
	s0 =	simm.s32 @p2 $0x1  }
0x17: {  	s4 =	simm.s32 $0x1BF5;
	[smem:$0x3FB9] =	sst s0  }
0x18: {  	s0 =	sld [smem:$0x3F9C];
	_ =	swait.ge [sflag:s4], $0x0  }
0x19: {  	s7 =	sld [smem:$0x3F9D]  }
0x1a: {  	s8 =	sadd.s32 $0xFFFFE003, lr  }
0x1b: {  	s9 =	sadd.s32 $0xFFFFFEF7, lr;
	s5 =	simm.s32 $0xFFFFFFFF;
	p2 =	slt.u32 s8, $0xFFFFF086  }
0x1c: {  	p1 =	slt.u32 s9, $0xF7A;
	s5 =	simm.s32 @!p2 $0x0  }
0x1d: {  	s5 =	simm.s32 @p1 $0x1;
	p0 =	seq.s32 s7, s2  }
0x1e: {  	s7 =	smul.u32 @!p0 $0xF7A, s2;
	p2 =	seq.s32 @!p0 s5, $0x0  }
0x1f: {  	s9 =	smul.u32 $0xF7A, s1;
	s8 =	simm.s32 @!p0 $0x1BF5;
	p2 =	por !p2, p0  }
0x20: {  	[sflag:s8] =	ssyncset.s32 @!p0 $0xFFFFF086;
	s6 =	sadd.s32 @!p0 s3, s7;
	s7 =	simm.s32 @!p0 $0x108  }
0x21: {  	s3 =	sadd.s32 s3, s9;
	s6 =	sadd.s32 @!p0 $0x88, s6;
	s7 =	simm.s32 @p2 $0x1082  }
0x22: {  	[simem:s7], [sflag:s8] =	dma.local @!p0 [hbm:s6], $0xF7A  }
0x23: {  	s9 =	sor.u32 $0xD0000000, s2;
	s6 =	simm.s32 $0x108;
	_ =	swait.ge @!p0 [sflag:s8], $0x0  }
0x24: {  	s3 =	sadd.s32 $0x88, s3;
	s6 =	simm.s32 @!p1 $0x1082;
	[sflag:s4] =	ssyncset.s32 $0xFFFFF086  }
0x25: {  	[simem:s6], [sflag:s4] =	dma.local [hbm:s3], $0xF7A  }
0x26: {  	[smem:$0x3F9D] =	sst s1;
	(tag) =	ssettag s2;
	_ =	strace s9  }
0x27: {  	s1 =	sld [smem:$0x3FAD]  }
0x28: {  	s2 =	sld [smem:$0x3FAE]  }
0x29: {  	s4 =	sld [smem:$0x3FB0]  }
0x2a: {  	p0 =	seq.s32 s5, $0x0;
	s5 =	sld [smem:$0x3FB1]  }
0x2b: {  	s6 =	sld [smem:$0x3FB2]  }
0x2c: {  	s7 =	sld [smem:$0x3FB3]  }
0x2d: {  	s3 =	simm.s32 $0x108;
	s8 =	sld [smem:$0x3FB4]  }
0x2e: {  	s3 =	simm.s32 @!p0 $0x1082;
	s9 =	sld [smem:$0x3FB5]  }
0x2f: {  	lr =	sadd.s32 s0, s3;
	s0 =	sld [smem:$0x3FAC]  }
0x30: {  	s3 =	sld [smem:$0x3FAF]  }
0x31: {  	[smem:$0x3FB8] =	sst s10  }
0x32: {  	s10 =	sld [smem:$0x3FB6];
	_ =	sdelay $0x3  }
0x33: {  	p0 =	seq.s32 s10, $0x1;
	s10 =	sld [smem:$0x3FB8];
	_ =	sdelay $0x3  }
0x34: {  	[smem:$0x3FB8] =	sst s10  }
0x35: {  	s10 =	sld [smem:$0x3FB7];
	_ =	sdelay $0x3  }
0x36: {  	p1 =	seq.s32 s10, $0x1;
	s10 =	sld [smem:$0x3FB8];
	_ =	sdelay $0x3  }
0x37: {  	[smem:$0x3FB8] =	sst s10  }
0x38: {  	s10 =	sld [smem:$0x3FB9]  }
0x39: {  	_ = 	snop;
	(pc) =	sbr.ind lr, $3  }
0x3a: {  	_ = 	snop  }
0x3b: {  	_ = 	snop  }
0x3c: {  	p2 =	seq.s32 s10, $0x1;
	s10 =	sld [smem:$0x3FB8]  }
0x3d: {  	_ =	shalt  }
0x3e: {  	_ =	shalt  }
0x3f: {  	_ =	shalt  }
0x40: {  	_ =	shalt  }
0x41: {  	_ =	shalt  }
0x42: {  	_ =	shalt  }
0x43: {  	_ =	shalt  }
0x44: {  	_ =	shalt  }
0x45: {  	_ =	shalt  }
0x46: {  	_ =	shalt  }
0x47: {  	_ =	shalt  }
0x48: {  	_ =	shalt  }
0x49: {  	_ =	shalt  }
0x4a: {  	_ =	shalt  }
0x4b: {  	_ =	shalt  }
0x4c: {  	_ =	shalt  }
0x4d: {  	_ =	shalt  }
0x4e: {  	_ =	shalt  }
0x4f: {  	_ =	shalt  }
0x50: {  	_ =	shalt  }
0x51: {  	_ =	shalt  }
0x52: {  	_ =	shalt  }
0x53: {  	_ =	shalt  }
0x54: {  	_ =	shalt  }
0x55: {  	_ =	shalt  }
0x56: {  	_ =	shalt  }
0x57: {  	_ =	shalt  }
0x58: {  	_ =	shalt  }
0x59: {  	_ =	shalt  }
0x5a: {  	_ =	shalt  }
0x5b: {  	_ =	shalt  }
0x5c: {  	_ =	shalt  }
0x5d: {  	_ =	shalt  }
0x5e: {  	_ =	shalt  }
0x5f: {  	_ =	shalt  }
0x60: {  	_ =	shalt  }
0x61: {  	_ =	shalt  }
0x62: {  	_ =	shalt  }
0x63: {  	_ =	shalt  }
0x64: {  	_ =	shalt  }
0x65: {  	_ =	shalt  }
0x66: {  	_ =	shalt  }
0x67: {  	_ =	shalt  }
0x68: {  	_ =	shalt  }
0x69: {  	_ =	shalt  }
0x6a: {  	_ =	shalt  }
0x6b: {  	_ =	shalt  }
0x6c: {  	_ =	shalt  }
0x6d: {  	_ =	shalt  }
0x6e: {  	_ =	shalt  }
0x6f: {  	_ =	shalt  }
0x70: {  	_ =	shalt  }
0x71: {  	_ =	shalt  }
0x72: {  	_ =	shalt  }
0x73: {  	_ =	shalt  }
0x74: {  	_ =	shalt  }
0x75: {  	_ =	shalt  }
0x76: {  	_ =	shalt  }
0x77: {  	_ =	shalt  }
0x78: {  	_ =	shalt  }
0x79: {  	_ =	shalt  }
0x7a: {  	_ =	shalt  }
0x7b: {  	_ =	shalt  }
0x7c: {  	_ =	shalt  }
0x7d: {  	_ =	shalt  }
0x7e: {  	_ =	shalt  }
0x7f: {  	_ =	shalt  }
0x80: {  	_ =	shalt  }
0x81: {  	_ =	shalt  }
0x82: {  	_ =	shalt  }
0x83: {  	_ =	shalt  }
0x84: {  	_ =	shalt  }
0x85: {  	_ =	shalt  }
0x86: {  	_ =	shalt  }
0x87: {  	_ =	shalt  }
.Lfunc_end0:
.L_simem_size_0:
called_computation.2_lowered:
.L_overlay_start_0:
0x88: {  	s2 =	sld [smem:$0x3FD9]  }
0x89: {  	s3 =	sld [smem:$0x3FFE];
	_ =	sdelay $0x1  }
0x8a: {  	s1 =	srdreg.scid  }
0x8b: {  	s0 =	sand.u32 $0x1, s1  }
0x8c: {  	s17 =	sshll.u32 s0, $0xA;
	s2 =	sadd.s32 s3, s2  }
0x8d: {  	s2 =	sadd.s32 s2, s17  }
0x8e: {  	[smem:$0x3FC4] =	sst s2  }
0x8f: {  	_ = 	snop  }
0x90: {  	s18 =	sld [smem:$0x3FD0];
	(tm) =	ssettm $0x1  }
0x91: {  	s19 =	sld [smem:$0x3FFB];
	_ =	sdelay $0x3  }
0x92: {  	_ =	strace s19  }
0x93: {  	s2 =	sld [smem:$0x3FFC];
	_ =	sdelay $0x3  }
0x94: {  	_ =	strace s2  }
0x95: {  	s2 =	sld [smem:$0x3FFD];
	_ =	sdelay $0x3  }
0x96: {  	_ =	strace s2  }
0x97: {  	_ =	strace $0x8FFFFFFF  }
0x98: {  	s20 =	sld [smem:$0x3FDB];
	_ =	sdelay $0x1  }
0x99: {  	s4 =	simm.s32 $_scs_section_size  }
0x9a: {  	s5 =	simm.s32 $_size__tile_overlayer_lowered;
	s6 =	simm.s32 $_tile_overlayer_lowered  }
0x9b: {  	s7 =	simm.s32 $0x1BFF;
	s21 =	sshll.u32 s6, $0x1;
	s4 =	sadd.s32 s4, s20  }
0x9c: {  	s22 =	simm.s32 $0x0;
	s5 =	sshll.u32 s5, $0x1;
	s6 =	sadd.s32 s21, s4  }
0x9d: {  	[timem:s22], [sflag:s7] =	dma.local [hbm:s6], s5  }
0x9e: {  	_ =	swait.ge [sflag:s7], s5  }
0x9f: {  	s5 =	ssub.s32 $0x0, s5;
	[sflag:s7] =	ssyncset.done $0x0  }
0xa0: {  	[sflag:s7] =	ssyncadd.s32 s5;
	_ =	sdelay $0x1  }
0xa1: {  	s23 =	simm.s32 $0x1B8B  }
0xa2: {  	_ =	swait.ge [sflag:s23], $0x1  }
0xa3: {  	[sflag:s23] =	ssyncset.done $0x0  }
0xa4: {  	[sflag:s23] =	ssyncadd.s32 $0xFFFFFFFF  }
0xa5: {  	s5 =	sld [smem:$0x0]  }
0xa6: {  	s6 =	sand.u32 $0xFFFFFFFE, s1  }
0xa7: {  	p0 =	sne.s32 s1, s6  }
0xa8: {  	s6 =	sshll.u32 @p0 s6, $0xE  }
0xa9: {  	s6 =	sadd.s32 @p0 $0x11B8D, s6;
	s7 =	sshll.u32 @p0 s5, $0x11  }
0xaa: {  	s6 =	sor.u32 @p0 s7, s6  }
0xab: {  	[sflag:s6] =	ssyncadd.remote.s32 @p0 $0x1;
	_ =	sdelay $0x1  }
0xac: {  	s6 =	simm.s32 @p0 $0x1B8D  }
0xad: {  	_ =	swait.eq @p0 [sflag:s6], $0x1  }
0xae: {  	[sflag:s6] =	ssyncadd.s32 @p0 $0xFFFFFFFF  }
0xaf: {  	s7 =	sshll.u32 @!p0 s1, $0xE  }
0xb0: {  	s7 =	sor.u32 @!p0 $0x4000, s7;
	s6 =	simm.s32 @!p0 $0x1B8D  }
0xb1: {  	s5 =	sshll.u32 @!p0 s5, $0x11;
	s7 =	sadd.s32 @!p0 $0x11B8D, s7;
	_ =	swait.eq @!p0 [sflag:s6], $0x1  }
0xb2: {  	s5 =	sor.u32 @!p0 s5, s7;
	[sflag:s6] =	ssyncadd.s32 @!p0 $0xFFFFFFFF  }
0xb3: {  	s25 =	simm.s32 $0x1B8E;
	s24 =	sld [smem:$0x3FFE];
	[sflag:s5] =	ssyncadd.remote.s32 @!p0 $0x1  }
0xb4: {  	s26 =	simm.s32 $execute0_lowered;
	[smem:$0x3FD2] =	sst s25  }
0xb5: {  	s6 =	sshll.u32 s26, $0x1;
	_ =	strace $0x80000055;
	[dreg:$0x1] =	wrdreg $0xFFFFFFFF  }
0xb6: {  	s28 =	simm.s32 $_size_execute0_lowered;
	s4 =	sadd.s32 s4, s6;
	[dreg:$0x0] =	wrdreg $0x0  }
0xb7: {  	s6 =	sshll.u32 s28, $0x1;
	[dreg:$0x2] =	wrdreg s4  }
0xb8: {  	[dreg:$0x3] =	wrdreg s6  }
0xb9: {  	[dreg:$0x4] =	wrdreg $0xC0  }
0xba: {  	_ =	task [dreg:s22], $0x5FFFF  }
0xbb: {  	[dreg:$0x1] =	wrdreg $0xFFFFFFFF  }
0xbc: {  	[dreg:$0x0] =	wrdreg $0x60  }
0xbd: {  	[dreg:$0x2] =	wrdreg s24  }
0xbe: {  	[dreg:$0x3] =	wrdreg s18  }
0xbf: {  	[dreg:$0x4] =	wrdreg $0x9  }
0xc0: {  	_ =	task.clear_ibuf [dreg:s22], $0x5FFFF;
	_ =	strace $0x90000055  }
0xc1: {  	s29 =	simm.s32 $0x9;
	_ =	strace $0x80000057  }
0xc2: {  	_ =	swait.ge [sflag:s29], $0x1  }
0xc3: {  	[sflag:s29] =	ssyncadd.s32 $0xFFFFFFFF  }
0xc4: {  	_ =	strace $0x90000057  }
0xc5: {  	_ =	sfence  }
0xc6: {  	s30 =	sld [smem:$0x0];
	_ =	sdelay $0x2  }
0xc7: {  	s31 =	sshll.u32 s1, $0xD;
	s1 =	sshrl.u32 s1, $0x2  }
0xc8: {  	s4 =	sand.u32 $0x4000, s31;
	s1 =	sadd.s32 s1, s30  }
0xc9: {  	s0 =	sor.u32 s4, s0;
	s1 =	sshll.u32 s1, $0x11  }
0xca: {  	s0 =	sor.u32 s1, s0  }
0xcb: {  	s0 =	sadd.s32 $0x8F2B, s0  }
0xcc: {  	[sflag:s0] =	ssyncadd.remote.s32 $0x1  }
0xcd: {  	_ =	sfence.sel $0xFFFF  }
0xce: {  	[dreg:$0x0] =	wrdreg $0xFFFFFFFF;
	(pc) =	sbr.abs _section_cstart, $3  }
0xcf: {  	[dreg:$0x1] =	wrdreg $0xFFFFFFFF  }
0xd0: {  	_ =	task.clear_ibuf [dreg:s22], $0x2FFFF;
	_ =	strace $0x9FFFFFFF  }
0xd1: {  	(tm) =	ssettm $0x7FFFFFFF  }
tec
execute0_lowered:
.L_overlay_start_1:
0x0: {  	(tag) =	ssettag $0x1  }
0x1: {  	s7 =	rddreg [dreg:$0x0]  }
0x2: {  	s2 =	rddreg [dreg:$0x1]  }
0x3: {  	s0 =	rddreg [dreg:$0x2]  }
0x4: {  	s1 =	srdreg.scid;
	_ =	strace $0x80000056;
	s4 =	simm.s32 $0x1  }
0x5: {  	s9 =	simm.s32 $0x3;
	s11 =	simm.s32 $0x0;
	s5 =	sshll.u32 s1, $0x4  }
.Ltmp0:
0x6: {  	s1 =	stileid.u32;
	s5 =	sand.u32 $0x10, s5;
	(pc) =	sbr.rel .LBB2_1-.Ltmp0, $4  }
0x7: {  	p0 =	por $0x0, $0x0;
	s3 =	sadd.s32 $0xB8C00, s7;
	s6 =	sor.u32 s1, s5  }
0x8: {  	[sflag:s4] =	ssyncpa.u1 $0x0;
	s5 =	simm.s32 $0x2;
	s6 =	sshll.u32 s6, $0x6  }
0x9: {  	s7 =	sadd.s32 $0xB8A00, s7;
	[sflag:s5] =	ssyncpa.u1 $0x0;
	s8 =	sadd.s32 $0x40, s6  }
0xa: {  	vm0 =	vmmov $0xff;
	vm1 =	vcmask $0x3F20;
	[sflag:s9] =	ssyncpa.u1 $0x0;
	s10 =	smov.u32 s6;
	s9 =	simm.s32 $0x0  }
.LBB2_9:
0xb: {  	p1 =	slt.u32 s9, $0x2;
	s11 =	sadd.s32 $0x20, s10  }
0xc: {  	s13 =	smov.u32 s6;
	s9 =	sadd.s32 $0x1, s9;
	p2 =	slt.s32 s11, s8  }
0xd: {  	s13 =	smov.u32 @p2 s11;
	p2 =	sne.s32 s9, $0x4  }
.Ltmp1:
0xe: {  	_ = 	snop;
	(pc) =	sbr.rel @!p2 .LBB2_10-.Ltmp1, $4  }
0xf: {  	s12 =	simm.s32 @!p1 $0x3  }
0x10: {  	_ =	swait.ge @!p1 [sflag:s12], $0x8000  }
0x11: {  	p0 =	por !p0, !p0;
	[sflag:s12] =	ssyncset.done @!p1 $0x0  }
0x12: {  	s11 =	smov.u32 s10;
	s10 =	smov.u32 s13;
	[sflag:s12] =	ssyncadd.s32 @!p1 $0xFFFF8000  }
.LBB2_1:
0x13: {  	p1 =	sgt.u32 s9, $0x1  }
0x14: {  	s12 =	sshll.u32 @!p1 s9, $0x5;
	s13 =	sshrl.u32 @!p1 s10, $0x3  }
0x15: {  	s14 =	sand.u32 @!p1 $0x7, s10;
	s12 =	sxor.u32 @!p1 $0x20, s12;
	s13 =	sadd.s32 @!p1 s7, s13  }
0x16: {  	[tilespmem:s12], [sflag:$0x2] =	stream.linear.gather @!p1 [hbm4b:s13+s14], $0x20, $0x38;
	[tilespmem:$0x10040] =	vst v63  }
0x17: {  	p1 =	seq.s32 s9, $0x0  }
0x18: {  	p2 =	seq.s32 @!p1 s9, $0x3  }
0x19: {  	p1 =	por p1, p2  }
.Ltmp2:
0x1a: {  	_ = 	snop;
	(pc) =	sbr.rel @p1 .LBB2_9-.Ltmp2, $1  }
0x1b: {  	_ =	sdelay $0x3  }
0x1c: {  	s12 =	simm.s32 $0x1  }
0x1d: {  	_ =	swait.ge [sflag:s5], $0x20;
	s13 =	sand.u32 $0x1, s9;
	s12 =	simm.s32 @!p0 $0x0  }
0x1e: {  	s15 =	simm.s32 $0x0;
	p2 =	por $0x1, $0x1;
	s12 =	sshll.u32 s12, $0x11  }
0x1f: {  	[sflag:s5] =	ssyncset.done $0x0;
	s13 =	sshll.u32 s13, $0x5;
	s14 =	sshrl.u32 s12, $0x2  }
0x20: {  	[sflag:s5] =	ssyncadd.s32 $0xFFFFFFE0;
	s12 =	sor.u32 $0x40, s14;
	s14 =	sadd.s32 $0x40, s14  }
.LBB2_3:
0x21: {  	s16 =	sshll.u32 s15, $0x4  }
0x22: {  	s16 =	sand.u32 $0x3FFFFFF0, s16  }
0x23: {  	s16 =	sadd.s32 s16, s13  }
0x24: {  	v0 =	vld.msk [tilespmem:s16+$0x0 ss:$0x1], $0xffff;
	_ =	sdelay $0x4  }
0x25: {  	vm2 =	vgt.s32 v0, $0x0  }
0x26: {  	v0 =	vnsel vm2, $0x0, v0  }
0x27: {  	v0 =	vmin.u32 v0, $0x16FF  }
0x28: {  	v1 =	vshll.u32 v0, $0x7;
	v0 =	vshll.u32 v0, $0x4  }
0x29: {  	v1 =	vand.u32 $0xFFC00, v1;
	v0 =	vand.u32 $0x70, v0  }
0x2a: {  	v0 =	vor.u32 v0, v1  }
0x2b: {  	s31 =	sshll.u32 s15, $0x10  }
0x2c: {  	s15 =	sshra.s32 s31, $0x2  }
0x2d: {  	s15 =	sadd.s32 s15, s14  }
0x2e: {  	s17 =	sadd.s32 $0x0, s15  }
0x2f: {  	[tilespmem:s17], [sflag:$0x1] =	stream.indirect_vreg.gather [hbm:s3], $0x80, v0, vm0, $0x38;
	[tilespmem:$0x10040] =	vst v63  }
0x30: {  	p1 =	por p2, p2;
	s16 =	simm.s32 $0x1000;
	v1 =	vadd.s32 $0x80, v0;
	s17 =	sadd.s32 $0x2000, s17  }
.LBB2_4:
0x31: {  	[tilespmem:s17], [sflag:$0x1] =	stream.indirect_vreg.gather [hbm:s3], $0x80, v0, vm1, $0x38;
	[tilespmem:$0x10040] =	vst v63  }
0x32: {  	v0 =	vmov v1;
	s17 =	smov.u32 s16;
	p2 =	sne.s32 s16, $0x7000  }
.Ltmp3:
0x33: {  	s16 =	sadd.s32 $0x1000, s16;
	(pc) =	sbr.rel @p2 .LBB2_4-.Ltmp3, $4  }
0x34: {  	s17 =	sshra.s32 s17, $0x2  }
0x35: {  	s17 =	sadd.s32 s17, s15  }
0x36: {  	[tilespmem:s17], [sflag:$0x1] =	stream.indirect_vreg.gather [hbm:s3], $0x80, v1, vm0, $0x38;
	[tilespmem:$0x10040] =	vst v63  }
0x37: {  	s17 =	sadd.s32 $0x2000, s17;
	v1 =	vadd.s32 $0x80, v1  }
0x38: {  	_ = 	snop  }
.Ltmp4:
0x39: {  	_ = 	snop;
	(pc) =	sbr.rel @p1 .LBB2_3-.Ltmp4, $3  }
0x3a: {  	_ =	sdelay $0x1  }
0x3b: {  	[tilespmem:s17], [sflag:$0x1] =	stream.indirect_vreg.gather [hbm:s3], $0x80, v0, vm1, $0x38;
	[tilespmem:$0x10040] =	vst v63  }
0x3c: {  	s15 =	simm.s32 $0x1;
	p2 =	por $0x0, $0x0  }
0x3d: {  	s13 =	sshll.u32 s11, $0x7  }
0x3e: {  	s31 =	sshll.u32 s11, $0x4;
	s13 =	sand.u32 $0xFFFFFC00, s13  }
0x3f: {  	_ =	swait.ge [sflag:s4], $0x8000;
	s11 =	sand.u32 $0x70, s31;
	s13 =	sadd.s32 s13, s2  }
0x40: {  	s14 =	sadd.s32 $0x2000, s12;
	[sflag:s4] =	ssyncset.done $0x0;
	s11 =	sadd.s32 s11, s13  }
0x41: {  	[sflag:s4] =	ssyncadd.s32 $0xFFFF8000;
	s13 =	simm.s32 $0x400;
	s15 =	sadd.s32 $0x0, s11  }
.LBB2_7:
0x42: {  	[hbm:s15] =	stream.linear.scatter [tilespmem:s12], [sflag:$0x3], $0x2000, $0x38;
	[tilespmem:$0x10040] =	vst v63  }
0x43: {  	s15 =	smov.u32 s13;
	s12 =	smov.u32 s14;
	p1 =	sne.s32 s13, $0xC00  }
.Ltmp5:
0x44: {  	s13 =	sadd.s32 $0x400, s13;
	(pc) =	sbr.rel @p1 .LBB2_7-.Ltmp5, $2  }
0x45: {  	_ =	sdelay $0x2  }
0x46: {  	s14 =	sadd.s32 $0x2000, s14;
	s15 =	sadd.s32 s15, s11  }
.Ltmp6:
0x47: {  	(pc) =	sbr.rel .LBB2_9-.Ltmp6, $2  }
0x48: {  	_ =	sdelay $0x2  }
0x49: {  	[hbm:s15] =	stream.linear.scatter [tilespmem:s12], [sflag:$0x3], $0x2000, $0x38;
	[tilespmem:$0x10040] =	vst v63  }
.LBB2_10:
0x4a: {  	_ =	sfence.sel $0x180000  }
0x4b: {  	s2 =	simm.s32 $0x2;
	[bflag:$0x0] =	sbarrier.arrive $0xFFFF  }
0x4c: {  	s30 =	simm.s32 $0x3;
	[sflag:s2] =	ssyncpa.u1 $0x1  }
0x4d: {  	s31 =	simm.s32 $0x1;
	[sflag:s30] =	ssyncpa.u1 $0x1  }
0x4e: {  	[sflag:s31] =	ssyncpa.u1 $0x1  }
0x4f: {  	p0 =	sne.s32 s1, $0x0;
	_ =	strace $0x90000056  }
0x50: {  	s0 =	sadd.s32 @!p0 $0x100000, s0;
	[bflag:$0x2] =	sbarrier.arrive $0xFFFF  }
0x51: {  	[sflag:s0] =	ssyncadd.tile.s32 @!p0 $0x1;
	_ =	shalt  }
.Lfunc_end2:
_tile_overlayer_lowered:
.L_overlay_start_2:
0x52: {  	(tag) =	ssettag $0x2  }
0x53: {  	s0 =	rddreg [dreg:$0x0];
	s2 =	stileid.u32  }
0x54: {  	s1 =	rddreg [dreg:$0x1];
	p0 =	sne.s32 s2, $0x0  }
0x55: {  	s3 =	rddreg [dreg:$0x2];
	[bflag:$0x3] =	sbarrier.arrive $0xFFFF;
	s2 =	simm.s32 @!p0 $0x1C01  }
0x56: {  	[timem:s3], [sflag:s2] =	dma.local @!p0 [hbm:s0], s1  }
0x57: {  	s0 =	simm.s32 @!p0 $0x1  }
0x58: {  	_ =	swait.ge @!p0 [sflag:s0], s1  }
0x59: {  	s1 =	ssub.s32 @!p0 $0x0, s1;
	[sflag:s0] =	ssyncset.done @!p0 $0x0  }
0x5a: {  	[sflag:s0] =	ssyncadd.s32 @!p0 s1  }
0x5b: {  	[bflag:$0x3] =	sbarrier.arrive $0xFFFF  }
0x5c: {  	_ =	shalt  }

// kernel: gather_offload_async_start.2
scs
__scs_entry_jumppad:
0x0: {  	(pc) =	sbr.rel $0x88, $3  }
0x1: {  	(tag) =	ssettag $0x0;
	lr =	simm.s32 $0x1  }
0x2: {  	[smem:$0x3F9D] =	sst lr;
	_ =	strace $0xD0000000  }
0x3: {  	_ = 	snop  }
0x4: {  	_ = 	snop  }
0x5: {  	_ = 	snop  }
0x6: {  	_ = 	snop  }
0x7: {  	_ = 	snop  }
__scs_overlays_trampoline_lowered:
0x8: {  	[smem:$0x3FAC] =	sst s0  }
0x9: {  	[smem:$0x3FAD] =	sst s1  }
0xa: {  	[smem:$0x3FAE] =	sst s2  }
0xb: {  	[smem:$0x3FAF] =	sst s3  }
0xc: {  	[smem:$0x3FB0] =	sst s4  }
0xd: {  	[smem:$0x3FB1] =	sst s5  }
0xe: {  	[smem:$0x3FB2] =	sst s6  }
0xf: {  	[smem:$0x3FB3] =	sst s7  }
0x10: {  	[smem:$0x3FB4] =	sst s8  }
0x11: {  	[smem:$0x3FB5] =	sst s9;
	s0 =	simm.s32 @!p0 $0x0  }
0x12: {  	s1 =	sld [smem:$0x3F9B];
	s0 =	simm.s32 @p0 $0x1  }
0x13: {  	[smem:$0x3FB6] =	sst s0;
	s0 =	simm.s32 @!p1 $0x0  }
0x14: {  	s2 =	sld [smem:$0x3F9A];
	s0 =	simm.s32 @p1 $0x1  }
0x15: {  	[smem:$0x3FB7] =	sst s0;
	s0 =	simm.s32 @!p2 $0x0  }
0x16: {  	s3 =	sld [smem:$0x3FDB];
	s0 =	simm.s32 @p2 $0x1  }
0x17: {  	s4 =	simm.s32 $0x1BF5;
	[smem:$0x3FB9] =	sst s0  }
0x18: {  	s0 =	sld [smem:$0x3F9C];
	_ =	swait.ge [sflag:s4], $0x0  }
0x19: {  	s7 =	sld [smem:$0x3F9D]  }
0x1a: {  	s8 =	sadd.s32 $0xFFFFE003, lr  }
0x1b: {  	s9 =	sadd.s32 $0xFFFFFEF7, lr;
	s5 =	simm.s32 $0xFFFFFFFF;
	p2 =	slt.u32 s8, $0xFFFFF086  }
0x1c: {  	p1 =	slt.u32 s9, $0xF7A;
	s5 =	simm.s32 @!p2 $0x0  }
0x1d: {  	s5 =	simm.s32 @p1 $0x1;
	p0 =	seq.s32 s7, s2  }
0x1e: {  	s7 =	smul.u32 @!p0 $0xF7A, s2;
	p2 =	seq.s32 @!p0 s5, $0x0  }
0x1f: {  	s9 =	smul.u32 $0xF7A, s1;
	s8 =	simm.s32 @!p0 $0x1BF5;
	p2 =	por !p2, p0  }
0x20: {  	[sflag:s8] =	ssyncset.s32 @!p0 $0xFFFFF086;
	s6 =	sadd.s32 @!p0 s3, s7;
	s7 =	simm.s32 @!p0 $0x108  }
0x21: {  	s3 =	sadd.s32 s3, s9;
	s6 =	sadd.s32 @!p0 $0x88, s6;
	s7 =	simm.s32 @p2 $0x1082  }
0x22: {  	[simem:s7], [sflag:s8] =	dma.local @!p0 [hbm:s6], $0xF7A  }
0x23: {  	s9 =	sor.u32 $0xD0000000, s2;
	s6 =	simm.s32 $0x108;
	_ =	swait.ge @!p0 [sflag:s8], $0x0  }
0x24: {  	s3 =	sadd.s32 $0x88, s3;
	s6 =	simm.s32 @!p1 $0x1082;
	[sflag:s4] =	ssyncset.s32 $0xFFFFF086  }
0x25: {  	[simem:s6], [sflag:s4] =	dma.local [hbm:s3], $0xF7A  }
0x26: {  	[smem:$0x3F9D] =	sst s1;
	(tag) =	ssettag s2;
	_ =	strace s9  }
0x27: {  	s1 =	sld [smem:$0x3FAD]  }
0x28: {  	s2 =	sld [smem:$0x3FAE]  }
0x29: {  	s4 =	sld [smem:$0x3FB0]  }
0x2a: {  	p0 =	seq.s32 s5, $0x0;
	s5 =	sld [smem:$0x3FB1]  }
0x2b: {  	s6 =	sld [smem:$0x3FB2]  }
0x2c: {  	s7 =	sld [smem:$0x3FB3]  }
0x2d: {  	s3 =	simm.s32 $0x108;
	s8 =	sld [smem:$0x3FB4]  }
0x2e: {  	s3 =	simm.s32 @!p0 $0x1082;
	s9 =	sld [smem:$0x3FB5]  }
0x2f: {  	lr =	sadd.s32 s0, s3;
	s0 =	sld [smem:$0x3FAC]  }
0x30: {  	s3 =	sld [smem:$0x3FAF]  }
0x31: {  	[smem:$0x3FB8] =	sst s10  }
0x32: {  	s10 =	sld [smem:$0x3FB6];
	_ =	sdelay $0x3  }
0x33: {  	p0 =	seq.s32 s10, $0x1;
	s10 =	sld [smem:$0x3FB8];
	_ =	sdelay $0x3  }
0x34: {  	[smem:$0x3FB8] =	sst s10  }
0x35: {  	s10 =	sld [smem:$0x3FB7];
	_ =	sdelay $0x3  }
0x36: {  	p1 =	seq.s32 s10, $0x1;
	s10 =	sld [smem:$0x3FB8];
	_ =	sdelay $0x3  }
0x37: {  	[smem:$0x3FB8] =	sst s10  }
0x38: {  	s10 =	sld [smem:$0x3FB9]  }
0x39: {  	_ = 	snop;
	(pc) =	sbr.ind lr, $3  }
0x3a: {  	_ = 	snop  }
0x3b: {  	_ = 	snop  }
0x3c: {  	p2 =	seq.s32 s10, $0x1;
	s10 =	sld [smem:$0x3FB8]  }
0x3d: {  	_ =	shalt  }
0x3e: {  	_ =	shalt  }
0x3f: {  	_ =	shalt  }
0x40: {  	_ =	shalt  }
0x41: {  	_ =	shalt  }
0x42: {  	_ =	shalt  }
0x43: {  	_ =	shalt  }
0x44: {  	_ =	shalt  }
0x45: {  	_ =	shalt  }
0x46: {  	_ =	shalt  }
0x47: {  	_ =	shalt  }
0x48: {  	_ =	shalt  }
0x49: {  	_ =	shalt  }
0x4a: {  	_ =	shalt  }
0x4b: {  	_ =	shalt  }
0x4c: {  	_ =	shalt  }
0x4d: {  	_ =	shalt  }
0x4e: {  	_ =	shalt  }
0x4f: {  	_ =	shalt  }
0x50: {  	_ =	shalt  }
0x51: {  	_ =	shalt  }
0x52: {  	_ =	shalt  }
0x53: {  	_ =	shalt  }
0x54: {  	_ =	shalt  }
0x55: {  	_ =	shalt  }
0x56: {  	_ =	shalt  }
0x57: {  	_ =	shalt  }
0x58: {  	_ =	shalt  }
0x59: {  	_ =	shalt  }
0x5a: {  	_ =	shalt  }
0x5b: {  	_ =	shalt  }
0x5c: {  	_ =	shalt  }
0x5d: {  	_ =	shalt  }
0x5e: {  	_ =	shalt  }
0x5f: {  	_ =	shalt  }
0x60: {  	_ =	shalt  }
0x61: {  	_ =	shalt  }
0x62: {  	_ =	shalt  }
0x63: {  	_ =	shalt  }
0x64: {  	_ =	shalt  }
0x65: {  	_ =	shalt  }
0x66: {  	_ =	shalt  }
0x67: {  	_ =	shalt  }
0x68: {  	_ =	shalt  }
0x69: {  	_ =	shalt  }
0x6a: {  	_ =	shalt  }
0x6b: {  	_ =	shalt  }
0x6c: {  	_ =	shalt  }
0x6d: {  	_ =	shalt  }
0x6e: {  	_ =	shalt  }
0x6f: {  	_ =	shalt  }
0x70: {  	_ =	shalt  }
0x71: {  	_ =	shalt  }
0x72: {  	_ =	shalt  }
0x73: {  	_ =	shalt  }
0x74: {  	_ =	shalt  }
0x75: {  	_ =	shalt  }
0x76: {  	_ =	shalt  }
0x77: {  	_ =	shalt  }
0x78: {  	_ =	shalt  }
0x79: {  	_ =	shalt  }
0x7a: {  	_ =	shalt  }
0x7b: {  	_ =	shalt  }
0x7c: {  	_ =	shalt  }
0x7d: {  	_ =	shalt  }
0x7e: {  	_ =	shalt  }
0x7f: {  	_ =	shalt  }
0x80: {  	_ =	shalt  }
0x81: {  	_ =	shalt  }
0x82: {  	_ =	shalt  }
0x83: {  	_ =	shalt  }
0x84: {  	_ =	shalt  }
0x85: {  	_ =	shalt  }
0x86: {  	_ =	shalt  }
0x87: {  	_ =	shalt  }
.Lfunc_end0:
.L_simem_size_0:
called_computation.3_lowered:
.L_overlay_start_0:
0x88: {  	s2 =	sld [smem:$0x3FD9]  }
0x89: {  	s3 =	sld [smem:$0x3FFE];
	_ =	sdelay $0x1  }
0x8a: {  	s1 =	srdreg.scid  }
0x8b: {  	s0 =	sand.u32 $0x1, s1  }
0x8c: {  	s16 =	sshll.u32 s0, $0xA;
	s2 =	sadd.s32 s3, s2  }
0x8d: {  	s2 =	sadd.s32 s2, s16  }
0x8e: {  	[smem:$0x3FC4] =	sst s2  }
0x8f: {  	_ = 	snop  }
0x90: {  	(tm) =	ssettm $0x1  }
0x91: {  	s17 =	sld [smem:$0x3FFB];
	_ =	sdelay $0x3  }
0x92: {  	_ =	strace s17  }
0x93: {  	s2 =	sld [smem:$0x3FFC];
	_ =	sdelay $0x3  }
0x94: {  	_ =	strace s2  }
0x95: {  	s2 =	sld [smem:$0x3FFD];
	_ =	sdelay $0x3  }
0x96: {  	_ =	strace s2  }
0x97: {  	_ =	strace $0x8FFFFFFF  }
0x98: {  	s18 =	sld [smem:$0x3FDB];
	_ =	sdelay $0x1  }
0x99: {  	s19 =	simm.s32 $_scs_section_size  }
0x9a: {  	s4 =	simm.s32 $_size__tile_overlayer_lowered;
	s5 =	simm.s32 $_tile_overlayer_lowered  }
0x9b: {  	s22 =	simm.s32 $0x1BFF;
	s21 =	sshll.u32 s5, $0x1;
	s2 =	sadd.s32 s19, s18  }
0x9c: {  	s6 =	simm.s32 $0x0;
	s20 =	sshll.u32 s4, $0x1;
	s4 =	sadd.s32 s21, s2  }
0x9d: {  	[timem:s6], [sflag:s22] =	dma.local [hbm:s4], s20  }
0x9e: {  	_ =	swait.ge [sflag:s22], s20  }
0x9f: {  	s3 =	ssub.s32 $0x0, s20;
	[sflag:s22] =	ssyncset.done $0x0  }
0xa0: {  	[sflag:s22] =	ssyncadd.s32 s3;
	_ =	sdelay $0x1  }
0xa1: {  	s23 =	simm.s32 $0x1B8B  }
0xa2: {  	_ =	swait.ge [sflag:s23], $0x1  }
0xa3: {  	[sflag:s23] =	ssyncset.done $0x0  }
0xa4: {  	s25 =	simm.s32 $0x1B8E;
	s24 =	sld [smem:$0x3FFE];
	[sflag:s23] =	ssyncadd.s32 $0xFFFFFFFF  }
0xa5: {  	s26 =	simm.s32 $execute0_lowered;
	[smem:$0x3FD2] =	sst s25  }
0xa6: {  	s4 =	sshll.u32 s26, $0x1;
	_ =	strace $0x80000052;
	[dreg:$0x1] =	wrdreg $0xFFFFFFFF  }
0xa7: {  	s28 =	simm.s32 $_size_execute0_lowered;
	s2 =	sadd.s32 s2, s4;
	[dreg:$0x0] =	wrdreg $0x0  }
0xa8: {  	s4 =	sshll.u32 s28, $0x1;
	[dreg:$0x2] =	wrdreg s2  }
0xa9: {  	[dreg:$0x3] =	wrdreg s4  }
0xaa: {  	[dreg:$0x4] =	wrdreg $0xC0  }
0xab: {  	_ =	task [dreg:s6], $0x5FFFF  }
0xac: {  	[dreg:$0x1] =	wrdreg $0xFFFFFFFF  }
0xad: {  	[dreg:$0x0] =	wrdreg $0x60  }
0xae: {  	[dreg:$0x2] =	wrdreg s24  }
0xaf: {  	[dreg:$0x3] =	wrdreg $0xA  }
0xb0: {  	_ =	task.clear_ibuf [dreg:s6], $0x4FFFF;
	_ =	strace $0x90000052  }
0xb1: {  	s29 =	simm.s32 $0xA;
	_ =	strace $0x80000054  }
0xb2: {  	_ =	swait.ge [sflag:s29], $0x1  }
0xb3: {  	[sflag:s29] =	ssyncadd.s32 $0xFFFFFFFF  }
0xb4: {  	_ =	strace $0x90000054  }
0xb5: {  	_ =	sfence  }
0xb6: {  	s30 =	sld [smem:$0x0];
	_ =	sdelay $0x2  }
0xb7: {  	s31 =	sshll.u32 s1, $0xD;
	s1 =	sshrl.u32 s1, $0x2  }
0xb8: {  	s3 =	sand.u32 $0x4000, s31;
	s1 =	sadd.s32 s1, s30  }
0xb9: {  	s0 =	sor.u32 s3, s0;
	s1 =	sshll.u32 s1, $0x11  }
0xba: {  	s0 =	sor.u32 s1, s0  }
0xbb: {  	s0 =	sadd.s32 $0x8F2B, s0  }
0xbc: {  	[sflag:s0] =	ssyncadd.remote.s32 $0x1  }
0xbd: {  	_ =	sfence.sel $0xFFFF  }
0xbe: {  	[dreg:$0x0] =	wrdreg $0xFFFFFFFF;
	(pc) =	sbr.abs _section_cstart, $3  }
0xbf: {  	[dreg:$0x1] =	wrdreg $0xFFFFFFFF  }
0xc0: {  	_ =	task.clear_ibuf [dreg:s6], $0x2FFFF;
	_ =	strace $0x9FFFFFFF  }
0xc1: {  	(tm) =	ssettm $0x7FFFFFFF  }
tec
execute0_lowered:
.L_overlay_start_1:
0x0: {  	(tag) =	ssettag $0x1  }
0x1: {  	s2 =	rddreg [dreg:$0x0]  }
0x2: {  	s0 =	rddreg [dreg:$0x1]  }
0x3: {  	s1 =	srdreg.scid;
	_ =	strace $0x80000053;
	s4 =	simm.s32 $0x1  }
0x4: {  	s9 =	simm.s32 $0x3;
	s11 =	simm.s32 $0x0;
	s5 =	sshll.u32 s1, $0x4  }
.Ltmp0:
0x5: {  	s1 =	stileid.u32;
	s5 =	sand.u32 $0x10, s5;
	(pc) =	sbr.rel .LBB2_1-.Ltmp0, $4  }
0x6: {  	p0 =	por $0x0, $0x0;
	s3 =	sadd.s32 $0xB8C00, s2;
	s6 =	sor.u32 s1, s5  }
0x7: {  	[sflag:s4] =	ssyncpa.u1 $0x0;
	s5 =	simm.s32 $0x2;
	s6 =	sshll.u32 s6, $0x6  }
0x8: {  	s7 =	sadd.s32 $0xB8800, s2;
	[sflag:s5] =	ssyncpa.u1 $0x0;
	s8 =	sadd.s32 $0x40, s6  }
0x9: {  	vm0 =	vmmov $0xff;
	vm1 =	vcmask $0x3F20;
	[sflag:s9] =	ssyncpa.u1 $0x0;
	s10 =	smov.u32 s6;
	s9 =	simm.s32 $0x0  }
.LBB2_9:
0xa: {  	p1 =	slt.u32 s9, $0x2;
	s11 =	sadd.s32 $0x20, s10  }
0xb: {  	s13 =	smov.u32 s6;
	s9 =	sadd.s32 $0x1, s9;
	p2 =	slt.s32 s11, s8  }
0xc: {  	s13 =	smov.u32 @p2 s11;
	p2 =	sne.s32 s9, $0x4  }
.Ltmp1:
0xd: {  	_ = 	snop;
	(pc) =	sbr.rel @!p2 .LBB2_10-.Ltmp1, $4  }
0xe: {  	s12 =	simm.s32 @!p1 $0x3  }
0xf: {  	_ =	swait.ge @!p1 [sflag:s12], $0x8000  }
0x10: {  	p0 =	por !p0, !p0;
	[sflag:s12] =	ssyncset.done @!p1 $0x0  }
0x11: {  	s11 =	smov.u32 s10;
	s10 =	smov.u32 s13;
	[sflag:s12] =	ssyncadd.s32 @!p1 $0xFFFF8000  }
.LBB2_1:
0x12: {  	p1 =	sgt.u32 s9, $0x1  }
0x13: {  	s12 =	sshll.u32 @!p1 s9, $0x5;
	s13 =	sshrl.u32 @!p1 s10, $0x3  }
0x14: {  	s14 =	sand.u32 @!p1 $0x7, s10;
	s12 =	sxor.u32 @!p1 $0x20, s12;
	s13 =	sadd.s32 @!p1 s7, s13  }
0x15: {  	[tilespmem:s12], [sflag:$0x2] =	stream.linear.gather @!p1 [hbm4b:s13+s14], $0x20, $0x38;
	[tilespmem:$0x10040] =	vst v63  }
0x16: {  	p1 =	seq.s32 s9, $0x0  }
0x17: {  	p2 =	seq.s32 @!p1 s9, $0x3  }
0x18: {  	p1 =	por p1, p2  }
.Ltmp2:
0x19: {  	_ = 	snop;
	(pc) =	sbr.rel @p1 .LBB2_9-.Ltmp2, $1  }
0x1a: {  	_ =	sdelay $0x3  }
0x1b: {  	s12 =	simm.s32 $0x1  }
0x1c: {  	_ =	swait.ge [sflag:s5], $0x20;
	s13 =	sand.u32 $0x1, s9;
	s12 =	simm.s32 @!p0 $0x0  }
0x1d: {  	s15 =	simm.s32 $0x0;
	p2 =	por $0x1, $0x1;
	s12 =	sshll.u32 s12, $0x11  }
0x1e: {  	[sflag:s5] =	ssyncset.done $0x0;
	s13 =	sshll.u32 s13, $0x5;
	s14 =	sshrl.u32 s12, $0x2  }
0x1f: {  	[sflag:s5] =	ssyncadd.s32 $0xFFFFFFE0;
	s12 =	sor.u32 $0x40, s14;
	s14 =	sadd.s32 $0x40, s14  }
.LBB2_3:
0x20: {  	s16 =	sshll.u32 s15, $0x4  }
0x21: {  	s16 =	sand.u32 $0x3FFFFFF0, s16  }
0x22: {  	s16 =	sadd.s32 s16, s13  }
0x23: {  	v0 =	vld.msk [tilespmem:s16+$0x0 ss:$0x1], $0xffff;
	_ =	sdelay $0x4  }
0x24: {  	vm2 =	vgt.s32 v0, $0x0  }
0x25: {  	v0 =	vnsel vm2, $0x0, v0  }
0x26: {  	v0 =	vmin.u32 v0, $0x16FF  }
0x27: {  	v1 =	vshll.u32 v0, $0x7;
	v0 =	vshll.u32 v0, $0x4  }
0x28: {  	v1 =	vand.u32 $0xFFC00, v1;
	v0 =	vand.u32 $0x70, v0  }
0x29: {  	v0 =	vor.u32 v0, v1  }
0x2a: {  	s31 =	sshll.u32 s15, $0x10  }
0x2b: {  	s15 =	sshra.s32 s31, $0x2  }
0x2c: {  	s15 =	sadd.s32 s15, s14  }
0x2d: {  	s17 =	sadd.s32 $0x0, s15  }
0x2e: {  	[tilespmem:s17], [sflag:$0x1] =	stream.indirect_vreg.gather [hbm:s3], $0x80, v0, vm0, $0x38;
	[tilespmem:$0x10040] =	vst v63  }
0x2f: {  	p1 =	por p2, p2;
	s16 =	simm.s32 $0x1000;
	v1 =	vadd.s32 $0x80, v0;
	s17 =	sadd.s32 $0x2000, s17  }
.LBB2_4:
0x30: {  	[tilespmem:s17], [sflag:$0x1] =	stream.indirect_vreg.gather [hbm:s3], $0x80, v0, vm1, $0x38;
	[tilespmem:$0x10040] =	vst v63  }
0x31: {  	v0 =	vmov v1;
	s17 =	smov.u32 s16;
	p2 =	sne.s32 s16, $0x7000  }
.Ltmp3:
0x32: {  	s16 =	sadd.s32 $0x1000, s16;
	(pc) =	sbr.rel @p2 .LBB2_4-.Ltmp3, $4  }
0x33: {  	s17 =	sshra.s32 s17, $0x2  }
0x34: {  	s17 =	sadd.s32 s17, s15  }
0x35: {  	[tilespmem:s17], [sflag:$0x1] =	stream.indirect_vreg.gather [hbm:s3], $0x80, v1, vm0, $0x38;
	[tilespmem:$0x10040] =	vst v63  }
0x36: {  	s17 =	sadd.s32 $0x2000, s17;
	v1 =	vadd.s32 $0x80, v1  }
0x37: {  	_ = 	snop  }
.Ltmp4:
0x38: {  	_ = 	snop;
	(pc) =	sbr.rel @p1 .LBB2_3-.Ltmp4, $3  }
0x39: {  	_ =	sdelay $0x1  }
0x3a: {  	[tilespmem:s17], [sflag:$0x1] =	stream.indirect_vreg.gather [hbm:s3], $0x80, v0, vm1, $0x38;
	[tilespmem:$0x10040] =	vst v63  }
0x3b: {  	s15 =	simm.s32 $0x1;
	p2 =	por $0x0, $0x0  }
0x3c: {  	s13 =	sshll.u32 s11, $0x7  }
0x3d: {  	s31 =	sshll.u32 s11, $0x4;
	s13 =	sand.u32 $0xFFFFFC00, s13  }
0x3e: {  	_ =	swait.ge [sflag:s4], $0x8000;
	s11 =	sand.u32 $0x70, s31;
	s13 =	sadd.s32 s13, s2  }
0x3f: {  	s14 =	sadd.s32 $0x2000, s12;
	[sflag:s4] =	ssyncset.done $0x0;
	s11 =	sadd.s32 s11, s13  }
0x40: {  	[sflag:s4] =	ssyncadd.s32 $0xFFFF8000;
	s13 =	simm.s32 $0x400;
	s15 =	sadd.s32 $0x0, s11  }
.LBB2_7:
0x41: {  	[hbm:s15] =	stream.linear.scatter [tilespmem:s12], [sflag:$0x3], $0x2000, $0x38;
	[tilespmem:$0x10040] =	vst v63  }
0x42: {  	s15 =	smov.u32 s13;
	s12 =	smov.u32 s14;
	p1 =	sne.s32 s13, $0xC00  }
.Ltmp5:
0x43: {  	s13 =	sadd.s32 $0x400, s13;
	(pc) =	sbr.rel @p1 .LBB2_7-.Ltmp5, $2  }
0x44: {  	_ =	sdelay $0x2  }
0x45: {  	s14 =	sadd.s32 $0x2000, s14;
	s15 =	sadd.s32 s15, s11  }
.Ltmp6:
0x46: {  	(pc) =	sbr.rel .LBB2_9-.Ltmp6, $2  }
0x47: {  	_ =	sdelay $0x2  }
0x48: {  	[hbm:s15] =	stream.linear.scatter [tilespmem:s12], [sflag:$0x3], $0x2000, $0x38;
	[tilespmem:$0x10040] =	vst v63  }
.LBB2_10:
0x49: {  	_ =	sfence.sel $0x180000  }
0x4a: {  	s2 =	simm.s32 $0x2;
	[bflag:$0x0] =	sbarrier.arrive $0xFFFF  }
0x4b: {  	s30 =	simm.s32 $0x3;
	[sflag:s2] =	ssyncpa.u1 $0x1  }
0x4c: {  	s31 =	simm.s32 $0x1;
	[sflag:s30] =	ssyncpa.u1 $0x1  }
0x4d: {  	[sflag:s31] =	ssyncpa.u1 $0x1  }
0x4e: {  	p0 =	sne.s32 s1, $0x0;
	_ =	strace $0x90000053  }
0x4f: {  	s0 =	sadd.s32 @!p0 $0x100000, s0;
	[bflag:$0x2] =	sbarrier.arrive $0xFFFF  }
0x50: {  	[sflag:s0] =	ssyncadd.tile.s32 @!p0 $0x1;
	_ =	shalt  }
.Lfunc_end2:
_tile_overlayer_lowered:
.L_overlay_start_2:
0x51: {  	(tag) =	ssettag $0x2  }
0x52: {  	s0 =	rddreg [dreg:$0x0];
	s2 =	stileid.u32  }
0x53: {  	s1 =	rddreg [dreg:$0x1];
	p0 =	sne.s32 s2, $0x0  }
0x54: {  	s3 =	rddreg [dreg:$0x2];
	[bflag:$0x3] =	sbarrier.arrive $0xFFFF;
	s2 =	simm.s32 @!p0 $0x1C01  }
0x55: {  	[timem:s3], [sflag:s2] =	dma.local @!p0 [hbm:s0], s1  }
0x56: {  	s0 =	simm.s32 @!p0 $0x1  }
0x57: {  	_ =	swait.ge @!p0 [sflag:s0], s1  }
0x58: {  	s1 =	ssub.s32 @!p0 $0x0, s1;
	[sflag:s0] =	ssyncset.done @!p0 $0x0  }
0x59: {  	[sflag:s0] =	ssyncadd.s32 @!p0 s1  }
0x5a: {  	[bflag:$0x3] =	sbarrier.arrive $0xFFFF  }
0x5b: {  	_ =	shalt  }

// kernel: gather_offload_async_start
scs
__scs_entry_jumppad:
0x0: {  	(pc) =	sbr.rel $0x88, $3  }
0x1: {  	(tag) =	ssettag $0x0;
	lr =	simm.s32 $0x1  }
0x2: {  	[smem:$0x3F9D] =	sst lr;
	_ =	strace $0xD0000000  }
0x3: {  	_ = 	snop  }
0x4: {  	_ = 	snop  }
0x5: {  	_ = 	snop  }
0x6: {  	_ = 	snop  }
0x7: {  	_ = 	snop  }
__scs_overlays_trampoline_lowered:
0x8: {  	[smem:$0x3FAC] =	sst s0  }
0x9: {  	[smem:$0x3FAD] =	sst s1  }
0xa: {  	[smem:$0x3FAE] =	sst s2  }
0xb: {  	[smem:$0x3FAF] =	sst s3  }
0xc: {  	[smem:$0x3FB0] =	sst s4  }
0xd: {  	[smem:$0x3FB1] =	sst s5  }
0xe: {  	[smem:$0x3FB2] =	sst s6  }
0xf: {  	[smem:$0x3FB3] =	sst s7  }
0x10: {  	[smem:$0x3FB4] =	sst s8  }
0x11: {  	[smem:$0x3FB5] =	sst s9;
	s0 =	simm.s32 @!p0 $0x0  }
0x12: {  	s1 =	sld [smem:$0x3F9B];
	s0 =	simm.s32 @p0 $0x1  }
0x13: {  	[smem:$0x3FB6] =	sst s0;
	s0 =	simm.s32 @!p1 $0x0  }
0x14: {  	s2 =	sld [smem:$0x3F9A];
	s0 =	simm.s32 @p1 $0x1  }
0x15: {  	[smem:$0x3FB7] =	sst s0;
	s0 =	simm.s32 @!p2 $0x0  }
0x16: {  	s3 =	sld [smem:$0x3FDB];
	s0 =	simm.s32 @p2 $0x1  }
0x17: {  	s4 =	simm.s32 $0x1BF5;
	[smem:$0x3FB9] =	sst s0  }
0x18: {  	s0 =	sld [smem:$0x3F9C];
	_ =	swait.ge [sflag:s4], $0x0  }
0x19: {  	s7 =	sld [smem:$0x3F9D]  }
0x1a: {  	s8 =	sadd.s32 $0xFFFFE003, lr  }
0x1b: {  	s9 =	sadd.s32 $0xFFFFFEF7, lr;
	s5 =	simm.s32 $0xFFFFFFFF;
	p2 =	slt.u32 s8, $0xFFFFF086  }
0x1c: {  	p1 =	slt.u32 s9, $0xF7A;
	s5 =	simm.s32 @!p2 $0x0  }
0x1d: {  	s5 =	simm.s32 @p1 $0x1;
	p0 =	seq.s32 s7, s2  }
0x1e: {  	s7 =	smul.u32 @!p0 $0xF7A, s2;
	p2 =	seq.s32 @!p0 s5, $0x0  }
0x1f: {  	s9 =	smul.u32 $0xF7A, s1;
	s8 =	simm.s32 @!p0 $0x1BF5;
	p2 =	por !p2, p0  }
0x20: {  	[sflag:s8] =	ssyncset.s32 @!p0 $0xFFFFF086;
	s6 =	sadd.s32 @!p0 s3, s7;
	s7 =	simm.s32 @!p0 $0x108  }
0x21: {  	s3 =	sadd.s32 s3, s9;
	s6 =	sadd.s32 @!p0 $0x88, s6;
	s7 =	simm.s32 @p2 $0x1082  }
0x22: {  	[simem:s7], [sflag:s8] =	dma.local @!p0 [hbm:s6], $0xF7A  }
0x23: {  	s9 =	sor.u32 $0xD0000000, s2;
	s6 =	simm.s32 $0x108;
	_ =	swait.ge @!p0 [sflag:s8], $0x0  }
0x24: {  	s3 =	sadd.s32 $0x88, s3;
	s6 =	simm.s32 @!p1 $0x1082;
	[sflag:s4] =	ssyncset.s32 $0xFFFFF086  }
0x25: {  	[simem:s6], [sflag:s4] =	dma.local [hbm:s3], $0xF7A  }
0x26: {  	[smem:$0x3F9D] =	sst s1;
	(tag) =	ssettag s2;
	_ =	strace s9  }
0x27: {  	s1 =	sld [smem:$0x3FAD]  }
0x28: {  	s2 =	sld [smem:$0x3FAE]  }
0x29: {  	s4 =	sld [smem:$0x3FB0]  }
0x2a: {  	p0 =	seq.s32 s5, $0x0;
	s5 =	sld [smem:$0x3FB1]  }
0x2b: {  	s6 =	sld [smem:$0x3FB2]  }
0x2c: {  	s7 =	sld [smem:$0x3FB3]  }
0x2d: {  	s3 =	simm.s32 $0x108;
	s8 =	sld [smem:$0x3FB4]  }
0x2e: {  	s3 =	simm.s32 @!p0 $0x1082;
	s9 =	sld [smem:$0x3FB5]  }
0x2f: {  	lr =	sadd.s32 s0, s3;
	s0 =	sld [smem:$0x3FAC]  }
0x30: {  	s3 =	sld [smem:$0x3FAF]  }
0x31: {  	[smem:$0x3FB8] =	sst s10  }
0x32: {  	s10 =	sld [smem:$0x3FB6];
	_ =	sdelay $0x3  }
0x33: {  	p0 =	seq.s32 s10, $0x1;
	s10 =	sld [smem:$0x3FB8];
	_ =	sdelay $0x3  }
0x34: {  	[smem:$0x3FB8] =	sst s10  }
0x35: {  	s10 =	sld [smem:$0x3FB7];
	_ =	sdelay $0x3  }
0x36: {  	p1 =	seq.s32 s10, $0x1;
	s10 =	sld [smem:$0x3FB8];
	_ =	sdelay $0x3  }
0x37: {  	[smem:$0x3FB8] =	sst s10  }
0x38: {  	s10 =	sld [smem:$0x3FB9]  }
0x39: {  	_ = 	snop;
	(pc) =	sbr.ind lr, $3  }
0x3a: {  	_ = 	snop  }
0x3b: {  	_ = 	snop  }
0x3c: {  	p2 =	seq.s32 s10, $0x1;
	s10 =	sld [smem:$0x3FB8]  }
0x3d: {  	_ =	shalt  }
0x3e: {  	_ =	shalt  }
0x3f: {  	_ =	shalt  }
0x40: {  	_ =	shalt  }
0x41: {  	_ =	shalt  }
0x42: {  	_ =	shalt  }
0x43: {  	_ =	shalt  }
0x44: {  	_ =	shalt  }
0x45: {  	_ =	shalt  }
0x46: {  	_ =	shalt  }
0x47: {  	_ =	shalt  }
0x48: {  	_ =	shalt  }
0x49: {  	_ =	shalt  }
0x4a: {  	_ =	shalt  }
0x4b: {  	_ =	shalt  }
0x4c: {  	_ =	shalt  }
0x4d: {  	_ =	shalt  }
0x4e: {  	_ =	shalt  }
0x4f: {  	_ =	shalt  }
0x50: {  	_ =	shalt  }
0x51: {  	_ =	shalt  }
0x52: {  	_ =	shalt  }
0x53: {  	_ =	shalt  }
0x54: {  	_ =	shalt  }
0x55: {  	_ =	shalt  }
0x56: {  	_ =	shalt  }
0x57: {  	_ =	shalt  }
0x58: {  	_ =	shalt  }
0x59: {  	_ =	shalt  }
0x5a: {  	_ =	shalt  }
0x5b: {  	_ =	shalt  }
0x5c: {  	_ =	shalt  }
0x5d: {  	_ =	shalt  }
0x5e: {  	_ =	shalt  }
0x5f: {  	_ =	shalt  }
0x60: {  	_ =	shalt  }
0x61: {  	_ =	shalt  }
0x62: {  	_ =	shalt  }
0x63: {  	_ =	shalt  }
0x64: {  	_ =	shalt  }
0x65: {  	_ =	shalt  }
0x66: {  	_ =	shalt  }
0x67: {  	_ =	shalt  }
0x68: {  	_ =	shalt  }
0x69: {  	_ =	shalt  }
0x6a: {  	_ =	shalt  }
0x6b: {  	_ =	shalt  }
0x6c: {  	_ =	shalt  }
0x6d: {  	_ =	shalt  }
0x6e: {  	_ =	shalt  }
0x6f: {  	_ =	shalt  }
0x70: {  	_ =	shalt  }
0x71: {  	_ =	shalt  }
0x72: {  	_ =	shalt  }
0x73: {  	_ =	shalt  }
0x74: {  	_ =	shalt  }
0x75: {  	_ =	shalt  }
0x76: {  	_ =	shalt  }
0x77: {  	_ =	shalt  }
0x78: {  	_ =	shalt  }
0x79: {  	_ =	shalt  }
0x7a: {  	_ =	shalt  }
0x7b: {  	_ =	shalt  }
0x7c: {  	_ =	shalt  }
0x7d: {  	_ =	shalt  }
0x7e: {  	_ =	shalt  }
0x7f: {  	_ =	shalt  }
0x80: {  	_ =	shalt  }
0x81: {  	_ =	shalt  }
0x82: {  	_ =	shalt  }
0x83: {  	_ =	shalt  }
0x84: {  	_ =	shalt  }
0x85: {  	_ =	shalt  }
0x86: {  	_ =	shalt  }
0x87: {  	_ =	shalt  }
.Lfunc_end0:
.L_simem_size_0:
called_computation.1_lowered:
.L_overlay_start_0:
0x88: {  	s2 =	sld [smem:$0x3FD9]  }
0x89: {  	s3 =	sld [smem:$0x3FFE];
	_ =	sdelay $0x1  }
0x8a: {  	s1 =	srdreg.scid  }
0x8b: {  	s0 =	sand.u32 $0x1, s1  }
0x8c: {  	s17 =	sshll.u32 s0, $0xA;
	s2 =	sadd.s32 s3, s2  }
0x8d: {  	s2 =	sadd.s32 s2, s17  }
0x8e: {  	[smem:$0x3FC4] =	sst s2  }
0x8f: {  	_ = 	snop  }
0x90: {  	s2 =	sld [smem:$0x3FD0];
	(tm) =	ssettm $0x1  }
0x91: {  	s18 =	sld [smem:$0x3FFB];
	_ =	sdelay $0x3  }
0x92: {  	_ =	strace s18  }
0x93: {  	s3 =	sld [smem:$0x3FFC];
	_ =	sdelay $0x3  }
0x94: {  	_ =	strace s3  }
0x95: {  	s3 =	sld [smem:$0x3FFD];
	_ =	sdelay $0x3  }
0x96: {  	_ =	strace s3  }
0x97: {  	_ =	strace $0x8FFFFFFF  }
0x98: {  	s19 =	sld [smem:$0x3FDB];
	_ =	sdelay $0x1  }
0x99: {  	s4 =	simm.s32 $_scs_section_size  }
0x9a: {  	s5 =	simm.s32 $_size__tile_overlayer_lowered;
	s6 =	simm.s32 $_tile_overlayer_lowered  }
0x9b: {  	s22 =	simm.s32 $0x1BFF;
	s21 =	sshll.u32 s6, $0x1;
	s3 =	sadd.s32 s4, s19  }
0x9c: {  	s7 =	simm.s32 $0x0;
	s20 =	sshll.u32 s5, $0x1;
	s5 =	sadd.s32 s21, s3  }
0x9d: {  	[timem:s7], [sflag:s22] =	dma.local [hbm:s5], s20  }
0x9e: {  	_ =	swait.ge [sflag:s22], s20  }
0x9f: {  	s4 =	ssub.s32 $0x0, s20;
	[sflag:s22] =	ssyncset.done $0x0  }
0xa0: {  	[sflag:s22] =	ssyncadd.s32 s4;
	_ =	sdelay $0x1  }
0xa1: {  	s23 =	simm.s32 $0x1B8B  }
0xa2: {  	_ =	swait.ge [sflag:s23], $0x1  }
0xa3: {  	[sflag:s23] =	ssyncset.done $0x0  }
0xa4: {  	s25 =	simm.s32 $0x1B8E;
	s24 =	sld [smem:$0x3FFE];
	[sflag:s23] =	ssyncadd.s32 $0xFFFFFFFF  }
0xa5: {  	s26 =	simm.s32 $execute0_lowered;
	[smem:$0x3FD2] =	sst s25  }
0xa6: {  	s5 =	sshll.u32 s26, $0x1;
	_ =	strace $0x8000004C;
	[dreg:$0x1] =	wrdreg $0xFFFFFFFF  }
0xa7: {  	s28 =	simm.s32 $_size_execute0_lowered;
	s3 =	sadd.s32 s3, s5;
	[dreg:$0x0] =	wrdreg $0x0  }
0xa8: {  	s5 =	sshll.u32 s28, $0x1;
	[dreg:$0x2] =	wrdreg s3  }
0xa9: {  	[dreg:$0x3] =	wrdreg s5  }
0xaa: {  	[dreg:$0x4] =	wrdreg $0xC0  }
0xab: {  	_ =	task [dreg:s7], $0x5FFFF  }
0xac: {  	[dreg:$0x1] =	wrdreg $0xFFFFFFFF  }
0xad: {  	[dreg:$0x0] =	wrdreg $0x60  }
0xae: {  	[dreg:$0x2] =	wrdreg s24  }
0xaf: {  	[dreg:$0x3] =	wrdreg s2  }
0xb0: {  	[dreg:$0x4] =	wrdreg $0x9  }
0xb1: {  	_ =	task.clear_ibuf [dreg:s7], $0x5FFFF;
	_ =	strace $0x9000004C  }
0xb2: {  	s29 =	simm.s32 $0x9;
	_ =	strace $0x8000004E  }
0xb3: {  	_ =	swait.ge [sflag:s29], $0x1  }
0xb4: {  	[sflag:s29] =	ssyncadd.s32 $0xFFFFFFFF  }
0xb5: {  	_ =	strace $0x9000004E  }
0xb6: {  	_ =	sfence  }
0xb7: {  	s30 =	sld [smem:$0x0];
	_ =	sdelay $0x2  }
0xb8: {  	s31 =	sshll.u32 s1, $0xD;
	s1 =	sshrl.u32 s1, $0x2  }
0xb9: {  	s3 =	sand.u32 $0x4000, s31;
	s1 =	sadd.s32 s1, s30  }
0xba: {  	s0 =	sor.u32 s3, s0;
	s1 =	sshll.u32 s1, $0x11  }
0xbb: {  	s0 =	sor.u32 s1, s0  }
0xbc: {  	s0 =	sadd.s32 $0x8F2B, s0  }
0xbd: {  	[sflag:s0] =	ssyncadd.remote.s32 $0x1  }
0xbe: {  	_ =	sfence.sel $0xFFFF  }
0xbf: {  	[dreg:$0x0] =	wrdreg $0xFFFFFFFF;
	(pc) =	sbr.abs _section_cstart, $3  }
0xc0: {  	[dreg:$0x1] =	wrdreg $0xFFFFFFFF  }
0xc1: {  	_ =	task.clear_ibuf [dreg:s7], $0x2FFFF;
	_ =	strace $0x9FFFFFFF  }
0xc2: {  	(tm) =	ssettm $0x7FFFFFFF  }
0xc3: {  	_ =	shalt  }
tec
execute0_lowered:
.L_overlay_start_1:
0x0: {  	(tag) =	ssettag $0x1  }
0x1: {  	s1 =	srdreg.scid;
	s2 =	rddreg [dreg:$0x0]  }
0x2: {  	s0 =	stileid.u32;
	s3 =	rddreg [dreg:$0x1]  }
0x3: {  	s6 =	simm.s32 $0x1;
	s9 =	simm.s32 $0x1;
	s1 =	sshll.u32 s1, $0x6  }
0x4: {  	s10 =	simm.s32 $0x3;
	s4 =	sshll.u32 s0, $0x7;
	s5 =	sand.u32 $0x40, s1  }
0x5: {  	s13 =	simm.s32 $0x0;
	s12 =	simm.s32 $0x0;
	s4 =	sor.u32 s4, s5  }
0x6: {  	s1 =	rddreg [dreg:$0x2];
	_ =	strace $0x8000004D;
	s8 =	ssub.s32 $0x1000, s4  }
.Ltmp0:
0x7: {  	s5 =	sadd.s32 $0x400, s2;
	s7 =	sand.u32 $0x7C0, s8;
	(pc) =	sbr.rel .LBB2_1-.Ltmp0, $4  }
0x8: {  	[sflag:s6] =	ssyncpa.u1 $0x0;
	s11 =	smov.u32 s4;
	p0 =	sne.s32 s7, $0x0  }
0x9: {  	s8 =	sshrl.u32 s8, $0xB;
	s7 =	simm.s32 $0x2;
	s9 =	simm.s32 @!p0 $0x0  }
0xa: {  	[sflag:s7] =	ssyncpa.u1 $0x0;
	p0 =	por $0x0, $0x0;
	s8 =	sadd.s32 s9, s8  }
0xb: {  	vm0 =	vmmov $0xffff;
	[sflag:s10] =	ssyncpa.u1 $0x0;
	s10 =	simm.s32 $0x0;
	s9 =	sadd.s32 $0x1, s8  }
.LBB2_4:
0xc: {  	v2 =	vnsel vm1, $0x0, v2  }
0xd: {  	vm1 =	vgt.s32 v0, $0x0;
	v2 =	vmin.u32 v2, $0xFFF  }
0xe: {  	v0 =	vnsel vm1, $0x0, v0  }
0xf: {  	v0 =	vmin.u32 v0, $0xFFF  }
0x10: {  	[tilespmem:s15], [sflag:$0x1] =	stream.indirect_vreg.gather [hbm4b:s2+s10], $0x1, v1, vm0, $0x4038;
	[tilespmem:$0x100] =	vst v63  }
0x11: {  	(ifvalue) =	ssetifvalue $0x7FFFFFFF  }
0x12: {  	[tilespmem:s16], [sflag:$0x1] =	stream.indirect_vreg.gather [hbm4b:s2+s10], $0x1, v2, vm0, $0x4038;
	[tilespmem:$0x100] =	vst v63  }
0x13: {  	s29 =	sadd.s32 $0x10, s16;
	(ifvalue) =	ssetifvalue $0x7FFFFFFF  }
0x14: {  	[tilespmem:s29], [sflag:$0x1] =	stream.indirect_vreg.gather [hbm4b:s2+s10], $0x1, v0, vm0, $0x4038;
	[tilespmem:$0x100] =	vst v63  }
0x15: {  	_ =	swait.ge [sflag:s6], $0x40  }
0x16: {  	s30 =	sshrl.u32 s13, $0x3;
	[sflag:s6] =	ssyncset.done $0x0  }
0x17: {  	s31 =	sand.u32 $0x7, s13;
	s15 =	sadd.s32 s3, s30;
	[sflag:s6] =	ssyncadd.s32 $0xFFFFFFC0  }
0x18: {  	[hbm4b:s15+s31] =	stream.linear.scatter [tilespmem:s14], [sflag:$0x3], $0x40, $0x38;
	[tilespmem:$0x100] =	vst v63  }
.LBB2_5:
0x19: {  	s15 =	sadd.s32 $0x800, s11  }
0x1a: {  	p2 =	sgt.s32 s15, $0xFFF  }
0x1b: {  	s15 =	smov.u32 @p2 s4;
	p2 =	sne.s32 s12, s9  }
.Ltmp1:
0x1c: {  	p1 =	slt.u32 s12, $0x2;
	(pc) =	sbr.rel @!p2 .LBB2_6-.Ltmp1, $4  }
0x1d: {  	s14 =	simm.s32 @!p1 $0x3  }
0x1e: {  	s16 =	sadd.s32 $0x1, s12;
	_ =	swait.ge @!p1 [sflag:s14], $0x40  }
0x1f: {  	s13 =	smov.u32 s11;
	p0 =	por !p0, !p0;
	[sflag:s14] =	ssyncset.done @!p1 $0x0  }
0x20: {  	s12 =	smov.u32 s16;
	s11 =	smov.u32 s15;
	[sflag:s14] =	ssyncadd.s32 @!p1 $0xFFFFFFC0  }
.LBB2_1:
0x21: {  	p1 =	sge.u32 s12, s8  }
0x22: {  	s14 =	sxor.u32 @!p1 $0xFFFFFFFF, s12  }
0x23: {  	s31 =	sadd.s32 $0xFFFFFFFF, s12;
	s15 =	sshrl.u32 @!p1 s11, $0x3;
	s14 =	sshll.u32 @!p1 s14, $0x6  }
0x24: {  	s16 =	sand.u32 @!p1 $0x7, s11;
	s15 =	sadd.s32 @!p1 s5, s15;
	s14 =	sand.u32 @!p1 $0x40, s14  }
0x25: {  	[tilespmem:s14], [sflag:$0x2] =	stream.linear.gather @!p1 [hbm4b:s15+s16], $0x40, $0x38;
	[tilespmem:$0x100] =	vst v63  }
0x26: {  	p1 =	sge.u32 s31, s8  }
.Ltmp2:
0x27: {  	_ = 	snop;
	(pc) =	sbr.rel @p1 .LBB2_5-.Ltmp2, $1  }
0x28: {  	_ =	sdelay $0x3  }
0x29: {  	s14 =	simm.s32 $0x1  }
0x2a: {  	_ =	swait.ge [sflag:s7], $0x40;
	s14 =	simm.s32 @!p0 $0x0  }
0x2b: {  	[sflag:s7] =	ssyncset.done $0x0;
	s14 =	sshll.u32 s14, $0x6  }
0x2c: {  	[sflag:s7] =	ssyncadd.s32 $0xFFFFFFC0;
	(ifvalue) =	ssetifvalue $0x7FFFFFFF;
	v0 =	vld.msk [tilespmem:s14+$0x0 ss:$0x1], $0xffff;
	_ =	sdelay $0x4  }
0x2d: {  	s15 =	sadd.s32 $0x10, s14;
	vm1 =	vgt.s32 v0, $0x0  }
0x2e: {  	v2 =	vld.msk [tilespmem:s15+$0x0 ss:$0x1], $0xffff;
	v1 =	vnsel vm1, $0x0, v0  }
0x2f: {  	v1 =	vmin.u32 v1, $0xFFF;
	_ =	sdelay $0x1  }
0x30: {  	s16 =	sshll.u32 s12, $0x6;
	s18 =	simm.s32 $0x20  }
0x31: {  	s16 =	sand.u32 $0x40, s16;
	s17 =	sadd.s32 $0x10, s15;
	s15 =	sor.u32 $0x80, s14  }
0x32: {  	s14 =	sor.u32 $0x80, s16;
	s16 =	sadd.s32 $0x10, s15;
	v0 =	vld.msk [tilespmem:s17+$0x0 ss:$0x1], $0xffff;
	vm1 =	vgt.s32 v2, $0x0;
	(ifvalue) =	ssetifvalue $0x7FFFFFFF  }
.LBB2_3:
0x33: {  	[tilespmem:s15], [sflag:$0x1] =	stream.indirect_vreg.gather [hbm4b:s2+s10], $0x1, v1, vm0, $0x4038;
	[tilespmem:$0x100] =	vst v63  }
0x34: {  	s18 =	sadd.s32 $0x10, s18  }
0x35: {  	v2 =	vnsel vm1, $0x0, v2;
	p1 =	slt.u32 s18, $0x30  }
.Ltmp3:
0x36: {  	s15 =	smov.u32 s16;
	v1 =	vmin.u32 v2, $0xFFF;
	(pc) =	sbr.rel @p1 .LBB2_3-.Ltmp3, $3  }
0x37: {  	_ =	sdelay $0x1  }
0x38: {  	s17 =	sadd.s32 $0x10, s17  }
0x39: {  	vm1 =	vgt.s32 v0, $0x0;
	s16 =	sadd.s32 $0x10, s16;
	v2 =	vmov v0;
	(ifvalue) =	ssetifvalue $0x7FFFFFFF;
	v0 =	vld.msk [tilespmem:s17+$0x0 ss:$0x1], $0xffff  }
.Ltmp4:
0x3a: {  	_ = 	snop;
	(pc) =	sbr.rel .LBB2_4-.Ltmp4, $1  }
0x3b: {  	_ =	sdelay $0x3  }
.LBB2_6:
0x3c: {  	_ =	sfence.sel $0x180000  }
0x3d: {  	s2 =	simm.s32 $0x2;
	[bflag:$0x0] =	sbarrier.arrive $0xFFFF  }
0x3e: {  	s30 =	simm.s32 $0x3;
	[sflag:s2] =	ssyncpa.u1 $0x1  }
0x3f: {  	s31 =	simm.s32 $0x1;
	[sflag:s30] =	ssyncpa.u1 $0x1  }
0x40: {  	[sflag:s31] =	ssyncpa.u1 $0x1  }
0x41: {  	p0 =	sne.s32 s0, $0x0;
	_ =	strace $0x9000004D  }
0x42: {  	s0 =	sadd.s32 @!p0 $0x100000, s1;
	[bflag:$0x2] =	sbarrier.arrive $0xFFFF  }
0x43: {  	[sflag:s0] =	ssyncadd.tile.s32 @!p0 $0x1;
	_ =	shalt  }
.Lfunc_end2:
_tile_overlayer_lowered:
.L_overlay_start_2:
0x44: {  	(tag) =	ssettag $0x2  }
0x45: {  	s0 =	rddreg [dreg:$0x0];
	s2 =	stileid.u32  }
0x46: {  	s1 =	rddreg [dreg:$0x1];
	p0 =	sne.s32 s2, $0x0  }
0x47: {  	s3 =	rddreg [dreg:$0x2];
	[bflag:$0x3] =	sbarrier.arrive $0xFFFF;
	s2 =	simm.s32 @!p0 $0x1C01  }
0x48: {  	[timem:s3], [sflag:s2] =	dma.local @!p0 [hbm:s0], s1  }
0x49: {  	s0 =	simm.s32 @!p0 $0x1  }
0x4a: {  	_ =	swait.ge @!p0 [sflag:s0], s1  }
0x4b: {  	s1 =	ssub.s32 @!p0 $0x0, s1;
	[sflag:s0] =	ssyncset.done @!p0 $0x0  }
0x4c: {  	[sflag:s0] =	ssyncadd.s32 @!p0 s1  }
0x4d: {  	[bflag:$0x3] =	sbarrier.arrive $0xFFFF  }
0x4e: {  	_ =	shalt  }

// kernel: kernel.5.cloned.1.call-start
scs
__scs_entry_jumppad:
0x0: {  	(pc) =	sbr.rel $0x88, $3  }
0x1: {  	(tag) =	ssettag $0x0;
	lr =	simm.s32 $0x1  }
0x2: {  	[smem:$0x3F9D] =	sst lr;
	_ =	strace $0xD0000000  }
0x3: {  	_ = 	snop  }
0x4: {  	_ = 	snop  }
0x5: {  	_ = 	snop  }
0x6: {  	_ = 	snop  }
0x7: {  	_ = 	snop  }
__scs_overlays_trampoline_lowered:
0x8: {  	[smem:$0x3FAC] =	sst s0  }
0x9: {  	[smem:$0x3FAD] =	sst s1  }
0xa: {  	[smem:$0x3FAE] =	sst s2  }
0xb: {  	[smem:$0x3FAF] =	sst s3  }
0xc: {  	[smem:$0x3FB0] =	sst s4  }
0xd: {  	[smem:$0x3FB1] =	sst s5  }
0xe: {  	[smem:$0x3FB2] =	sst s6  }
0xf: {  	[smem:$0x3FB3] =	sst s7  }
0x10: {  	[smem:$0x3FB4] =	sst s8  }
0x11: {  	[smem:$0x3FB5] =	sst s9;
	s0 =	simm.s32 @!p0 $0x0  }
0x12: {  	s1 =	sld [smem:$0x3F9B];
	s0 =	simm.s32 @p0 $0x1  }
0x13: {  	[smem:$0x3FB6] =	sst s0;
	s0 =	simm.s32 @!p1 $0x0  }
0x14: {  	s2 =	sld [smem:$0x3F9A];
	s0 =	simm.s32 @p1 $0x1  }
0x15: {  	[smem:$0x3FB7] =	sst s0;
	s0 =	simm.s32 @!p2 $0x0  }
0x16: {  	s3 =	sld [smem:$0x3FDB];
	s0 =	simm.s32 @p2 $0x1  }
0x17: {  	s4 =	simm.s32 $0x1BF5;
	[smem:$0x3FB9] =	sst s0  }
0x18: {  	s0 =	sld [smem:$0x3F9C];
	_ =	swait.ge [sflag:s4], $0x0  }
0x19: {  	s7 =	sld [smem:$0x3F9D]  }
0x1a: {  	s8 =	sadd.s32 $0xFFFFE003, lr  }
0x1b: {  	s9 =	sadd.s32 $0xFFFFFEF7, lr;
	s5 =	simm.s32 $0xFFFFFFFF;
	p2 =	slt.u32 s8, $0xFFFFF086  }
0x1c: {  	p1 =	slt.u32 s9, $0xF7A;
	s5 =	simm.s32 @!p2 $0x0  }
0x1d: {  	s5 =	simm.s32 @p1 $0x1;
	p0 =	seq.s32 s7, s2  }
0x1e: {  	s7 =	smul.u32 @!p0 $0xF7A, s2;
	p2 =	seq.s32 @!p0 s5, $0x0  }
0x1f: {  	s9 =	smul.u32 $0xF7A, s1;
	s8 =	simm.s32 @!p0 $0x1BF5;
	p2 =	por !p2, p0  }
0x20: {  	[sflag:s8] =	ssyncset.s32 @!p0 $0xFFFFF086;
	s6 =	sadd.s32 @!p0 s3, s7;
	s7 =	simm.s32 @!p0 $0x108  }
0x21: {  	s3 =	sadd.s32 s3, s9;
	s6 =	sadd.s32 @!p0 $0x88, s6;
	s7 =	simm.s32 @p2 $0x1082  }
0x22: {  	[simem:s7], [sflag:s8] =	dma.local @!p0 [hbm:s6], $0xF7A  }
0x23: {  	s9 =	sor.u32 $0xD0000000, s2;
	s6 =	simm.s32 $0x108;
	_ =	swait.ge @!p0 [sflag:s8], $0x0  }
0x24: {  	s3 =	sadd.s32 $0x88, s3;
	s6 =	simm.s32 @!p1 $0x1082;
	[sflag:s4] =	ssyncset.s32 $0xFFFFF086  }
0x25: {  	[simem:s6], [sflag:s4] =	dma.local [hbm:s3], $0xF7A  }
0x26: {  	[smem:$0x3F9D] =	sst s1;
	(tag) =	ssettag s2;
	_ =	strace s9  }
0x27: {  	s1 =	sld [smem:$0x3FAD]  }
0x28: {  	s2 =	sld [smem:$0x3FAE]  }
0x29: {  	s4 =	sld [smem:$0x3FB0]  }
0x2a: {  	p0 =	seq.s32 s5, $0x0;
	s5 =	sld [smem:$0x3FB1]  }
0x2b: {  	s6 =	sld [smem:$0x3FB2]  }
0x2c: {  	s7 =	sld [smem:$0x3FB3]  }
0x2d: {  	s3 =	simm.s32 $0x108;
	s8 =	sld [smem:$0x3FB4]  }
0x2e: {  	s3 =	simm.s32 @!p0 $0x1082;
	s9 =	sld [smem:$0x3FB5]  }
0x2f: {  	lr =	sadd.s32 s0, s3;
	s0 =	sld [smem:$0x3FAC]  }
0x30: {  	s3 =	sld [smem:$0x3FAF]  }
0x31: {  	[smem:$0x3FB8] =	sst s10  }
0x32: {  	s10 =	sld [smem:$0x3FB6];
	_ =	sdelay $0x3  }
0x33: {  	p0 =	seq.s32 s10, $0x1;
	s10 =	sld [smem:$0x3FB8];
	_ =	sdelay $0x3  }
0x34: {  	[smem:$0x3FB8] =	sst s10  }
0x35: {  	s10 =	sld [smem:$0x3FB7];
	_ =	sdelay $0x3  }
0x36: {  	p1 =	seq.s32 s10, $0x1;
	s10 =	sld [smem:$0x3FB8];
	_ =	sdelay $0x3  }
0x37: {  	[smem:$0x3FB8] =	sst s10  }
0x38: {  	s10 =	sld [smem:$0x3FB9]  }
0x39: {  	_ = 	snop;
	(pc) =	sbr.ind lr, $3  }
0x3a: {  	_ = 	snop  }
0x3b: {  	_ = 	snop  }
0x3c: {  	p2 =	seq.s32 s10, $0x1;
	s10 =	sld [smem:$0x3FB8]  }
0x3d: {  	_ =	shalt  }
0x3e: {  	_ =	shalt  }
0x3f: {  	_ =	shalt  }
0x40: {  	_ =	shalt  }
0x41: {  	_ =	shalt  }
0x42: {  	_ =	shalt  }
0x43: {  	_ =	shalt  }
0x44: {  	_ =	shalt  }
0x45: {  	_ =	shalt  }
0x46: {  	_ =	shalt  }
0x47: {  	_ =	shalt  }
0x48: {  	_ =	shalt  }
0x49: {  	_ =	shalt  }
0x4a: {  	_ =	shalt  }
0x4b: {  	_ =	shalt  }
0x4c: {  	_ =	shalt  }
0x4d: {  	_ =	shalt  }
0x4e: {  	_ =	shalt  }
0x4f: {  	_ =	shalt  }
0x50: {  	_ =	shalt  }
0x51: {  	_ =	shalt  }
0x52: {  	_ =	shalt  }
0x53: {  	_ =	shalt  }
0x54: {  	_ =	shalt  }
0x55: {  	_ =	shalt  }
0x56: {  	_ =	shalt  }
0x57: {  	_ =	shalt  }
0x58: {  	_ =	shalt  }
0x59: {  	_ =	shalt  }
0x5a: {  	_ =	shalt  }
0x5b: {  	_ =	shalt  }
0x5c: {  	_ =	shalt  }
0x5d: {  	_ =	shalt  }
0x5e: {  	_ =	shalt  }
0x5f: {  	_ =	shalt  }
0x60: {  	_ =	shalt  }
0x61: {  	_ =	shalt  }
0x62: {  	_ =	shalt  }
0x63: {  	_ =	shalt  }
0x64: {  	_ =	shalt  }
0x65: {  	_ =	shalt  }
0x66: {  	_ =	shalt  }
0x67: {  	_ =	shalt  }
0x68: {  	_ =	shalt  }
0x69: {  	_ =	shalt  }
0x6a: {  	_ =	shalt  }
0x6b: {  	_ =	shalt  }
0x6c: {  	_ =	shalt  }
0x6d: {  	_ =	shalt  }
0x6e: {  	_ =	shalt  }
0x6f: {  	_ =	shalt  }
0x70: {  	_ =	shalt  }
0x71: {  	_ =	shalt  }
0x72: {  	_ =	shalt  }
0x73: {  	_ =	shalt  }
0x74: {  	_ =	shalt  }
0x75: {  	_ =	shalt  }
0x76: {  	_ =	shalt  }
0x77: {  	_ =	shalt  }
0x78: {  	_ =	shalt  }
0x79: {  	_ =	shalt  }
0x7a: {  	_ =	shalt  }
0x7b: {  	_ =	shalt  }
0x7c: {  	_ =	shalt  }
0x7d: {  	_ =	shalt  }
0x7e: {  	_ =	shalt  }
0x7f: {  	_ =	shalt  }
0x80: {  	_ =	shalt  }
0x81: {  	_ =	shalt  }
0x82: {  	_ =	shalt  }
0x83: {  	_ =	shalt  }
0x84: {  	_ =	shalt  }
0x85: {  	_ =	shalt  }
0x86: {  	_ =	shalt  }
0x87: {  	_ =	shalt  }
.Lfunc_end0:
.L_simem_size_0:
called_computation.4_lowered:
.L_overlay_start_0:
0x88: {  	s2 =	sld [smem:$0x3FD9]  }
0x89: {  	s3 =	sld [smem:$0x3FFE];
	_ =	sdelay $0x1  }
0x8a: {  	s1 =	srdreg.scid  }
0x8b: {  	s0 =	sand.u32 $0x1, s1  }
0x8c: {  	s17 =	sshll.u32 s0, $0xA;
	s2 =	sadd.s32 s3, s2  }
0x8d: {  	s2 =	sadd.s32 s2, s17  }
0x8e: {  	[smem:$0x3FC4] =	sst s2  }
0x8f: {  	_ = 	snop  }
0x90: {  	s2 =	sld [smem:$0x3FD0];
	(tm) =	ssettm $0x1  }
0x91: {  	s18 =	sld [smem:$0x3FFB];
	_ =	sdelay $0x3  }
0x92: {  	_ =	strace s18  }
0x93: {  	s3 =	sld [smem:$0x3FFC];
	_ =	sdelay $0x3  }
0x94: {  	_ =	strace s3  }
0x95: {  	s3 =	sld [smem:$0x3FFD];
	_ =	sdelay $0x3  }
0x96: {  	_ =	strace s3  }
0x97: {  	_ =	strace $0x8FFFFFFF  }
0x98: {  	s19 =	sld [smem:$0x3FDB];
	_ =	sdelay $0x1  }
0x99: {  	s4 =	simm.s32 $_scs_section_size  }
0x9a: {  	s5 =	simm.s32 $_size__tile_overlayer_lowered;
	s6 =	simm.s32 $_tile_overlayer_lowered  }
0x9b: {  	s22 =	simm.s32 $0x1BFF;
	s21 =	sshll.u32 s6, $0x1;
	s3 =	sadd.s32 s4, s19  }
0x9c: {  	s7 =	simm.s32 $0x0;
	s20 =	sshll.u32 s5, $0x1;
	s5 =	sadd.s32 s21, s3  }
0x9d: {  	[timem:s7], [sflag:s22] =	dma.local [hbm:s5], s20  }
0x9e: {  	_ =	swait.ge [sflag:s22], s20  }
0x9f: {  	s4 =	ssub.s32 $0x0, s20;
	[sflag:s22] =	ssyncset.done $0x0  }
0xa0: {  	[sflag:s22] =	ssyncadd.s32 s4;
	_ =	sdelay $0x1  }
0xa1: {  	s23 =	simm.s32 $0x1B8B  }
0xa2: {  	_ =	swait.ge [sflag:s23], $0x1  }
0xa3: {  	[sflag:s23] =	ssyncset.done $0x0  }
0xa4: {  	s25 =	simm.s32 $0x1B8E;
	s24 =	sld [smem:$0x3FFE];
	[sflag:s23] =	ssyncadd.s32 $0xFFFFFFFF  }
0xa5: {  	s26 =	simm.s32 $execute0_lowered;
	[smem:$0x3FD2] =	sst s25  }
0xa6: {  	s5 =	sshll.u32 s26, $0x1;
	_ =	strace $0x80000046;
	[dreg:$0x1] =	wrdreg $0xFFFFFFFF  }
0xa7: {  	s28 =	simm.s32 $_size_execute0_lowered;
	s3 =	sadd.s32 s3, s5;
	[dreg:$0x0] =	wrdreg $0x0  }
0xa8: {  	s5 =	sshll.u32 s28, $0x1;
	[dreg:$0x2] =	wrdreg s3  }
0xa9: {  	[dreg:$0x3] =	wrdreg s5  }
0xaa: {  	[dreg:$0x4] =	wrdreg $0xC0  }
0xab: {  	_ =	task [dreg:s7], $0x5FFFF  }
0xac: {  	[dreg:$0x1] =	wrdreg $0xFFFFFFFF  }
0xad: {  	[dreg:$0x0] =	wrdreg $0x60  }
0xae: {  	[dreg:$0x2] =	wrdreg s2  }
0xaf: {  	[dreg:$0x3] =	wrdreg s24  }
0xb0: {  	[dreg:$0x4] =	wrdreg $0x9  }
0xb1: {  	_ =	task.clear_ibuf [dreg:s7], $0x5FFFF;
	_ =	strace $0x90000046  }
0xb2: {  	s29 =	simm.s32 $0x9;
	_ =	strace $0x80000048  }
0xb3: {  	_ =	swait.ge [sflag:s29], $0x1  }
0xb4: {  	[sflag:s29] =	ssyncadd.s32 $0xFFFFFFFF  }
0xb5: {  	_ =	strace $0x90000048  }
0xb6: {  	_ =	sfence  }
0xb7: {  	s30 =	sld [smem:$0x0];
	_ =	sdelay $0x2  }
0xb8: {  	s31 =	sshll.u32 s1, $0xD;
	s1 =	sshrl.u32 s1, $0x2  }
0xb9: {  	s3 =	sand.u32 $0x4000, s31;
	s1 =	sadd.s32 s1, s30  }
0xba: {  	s0 =	sor.u32 s3, s0;
	s1 =	sshll.u32 s1, $0x11  }
0xbb: {  	s0 =	sor.u32 s1, s0  }
0xbc: {  	s0 =	sadd.s32 $0x8F2B, s0  }
0xbd: {  	[sflag:s0] =	ssyncadd.remote.s32 $0x1  }
0xbe: {  	_ =	sfence.sel $0xFFFF  }
0xbf: {  	[dreg:$0x0] =	wrdreg $0xFFFFFFFF;
	(pc) =	sbr.abs _section_cstart, $3  }
0xc0: {  	[dreg:$0x1] =	wrdreg $0xFFFFFFFF  }
0xc1: {  	_ =	task.clear_ibuf [dreg:s7], $0x2FFFF;
	_ =	strace $0x9FFFFFFF  }
0xc2: {  	(tm) =	ssettm $0x7FFFFFFF  }
0xc3: {  	_ =	shalt  }
tec
execute0_lowered:
.L_overlay_start_1:
0x0: {  	(tag) =	ssettag $0x1  }
0x1: {  	s4 =	rddreg [dreg:$0x0]  }
0x2: {  	s14 =	rddreg [dreg:$0x1]  }
0x3: {  	s0 =	rddreg [dreg:$0x2]  }
0x4: {  	s2 =	simm.s32 $0x0;
	s3 =	srdreg.scid;
	s1 =	stileid.u32  }
0x5: {  	s17 =	simm.s32 $0x40;
	s18 =	simm.s32 $0x80;
	s19 =	simm.s32 $0xC0  }
0x6: {  	s20 =	simm.s32 $0x100;
	s21 =	simm.s32 $0x140;
	s22 =	simm.s32 $0x180  }
0x7: {  	s23 =	simm.s32 $0x1C0;
	s24 =	simm.s32 $0x200;
	s25 =	simm.s32 $0x280  }
0x8: {  	s26 =	simm.s32 $0x300;
	s28 =	simm.s32 $0x380;
	s3 =	sand.u32 $0x1, s3  }
0x9: {  	[smem:$0x7FF] =	sst s2;
	s6 =	sshll.u32 s1, $0x4;
	s5 =	ssub.s32 $0x2, s3  }
0xa: {  	s12 =	sadd.s32 $0x200, s14;
	s3 =	sshll.u32 s3, $0x3;
	s7 =	sshrl.u32 s5, $0x1  }
0xb: {  	_ =	strace $0x80000047;
	s13 =	sor.u32 s3, s6;
	s15 =	ssub.s32 s5, s7  }
0xc: {  	s3 =	sadd.s32 s4, s13;
	s16 =	sor.u32 $0x100, s13;
	s11 =	sadd.s32 s12, s13  }
0xd: {  	s13 =	sadd.s32 s14, s13;
	s4 =	sadd.s32 s4, s16;
	s5 =	sadd.s32 $0x200, s3  }
0xe: {  	s6 =	sadd.s32 $0x300, s3;
	s7 =	sadd.s32 $0x400, s3;
	s8 =	sadd.s32 $0x500, s3  }
0xf: {  	s9 =	sadd.s32 $0x600, s3;
	s10 =	sadd.s32 $0x700, s3;
	s12 =	sadd.s32 s12, s16  }
0x10: {  	v0 =	vimm.s32 $0x0;
	s14 =	sadd.s32 s14, s16;
	s15 =	smax.u32 s15, $0x1;
	s16 =	simm.s32 $0x1  }
.LBB2_1:
0x11: {  	[tilespmem:s2], [sflag:$0x1] =	stream.linear.gather [hbm4b:s3+s2], $0x40, $0x38;
	[tilespmem:$0x400] =	vst v63  }
0x12: {  	_ =	swait.ge [sflag:s16], $0x40  }
0x13: {  	[sflag:s16] =	ssyncset.done $0x0  }
0x14: {  	[sflag:s16] =	ssyncadd.s32 $0xFFFFFFC0  }
0x15: {  	[tilespmem:s17], [sflag:$0x1] =	stream.linear.gather [hbm4b:s4+s2], $0x40, $0x38;
	[tilespmem:$0x400] =	vst v63  }
0x16: {  	_ =	swait.ge [sflag:s16], $0x40  }
0x17: {  	[sflag:s16] =	ssyncset.done $0x0  }
0x18: {  	[sflag:s16] =	ssyncadd.s32 $0xFFFFFFC0  }
0x19: {  	[tilespmem:s18], [sflag:$0x1] =	stream.linear.gather [hbm4b:s5+s2], $0x40, $0x38;
	[tilespmem:$0x400] =	vst v63  }
0x1a: {  	_ =	swait.ge [sflag:s16], $0x40  }
0x1b: {  	[sflag:s16] =	ssyncset.done $0x0  }
0x1c: {  	[sflag:s16] =	ssyncadd.s32 $0xFFFFFFC0  }
0x1d: {  	[tilespmem:s19], [sflag:$0x1] =	stream.linear.gather [hbm4b:s6+s2], $0x40, $0x38;
	[tilespmem:$0x400] =	vst v63  }
0x1e: {  	_ =	swait.ge [sflag:s16], $0x40  }
0x1f: {  	[sflag:s16] =	ssyncset.done $0x0  }
0x20: {  	[sflag:s16] =	ssyncadd.s32 $0xFFFFFFC0  }
0x21: {  	[tilespmem:s20], [sflag:$0x1] =	stream.linear.gather [hbm4b:s7+s2], $0x40, $0x38;
	[tilespmem:$0x400] =	vst v63  }
0x22: {  	_ =	swait.ge [sflag:s16], $0x40  }
0x23: {  	[sflag:s16] =	ssyncset.done $0x0  }
0x24: {  	[sflag:s16] =	ssyncadd.s32 $0xFFFFFFC0  }
0x25: {  	[tilespmem:s21], [sflag:$0x1] =	stream.linear.gather [hbm4b:s8+s2], $0x40, $0x38;
	[tilespmem:$0x400] =	vst v63  }
0x26: {  	_ =	swait.ge [sflag:s16], $0x40  }
0x27: {  	[sflag:s16] =	ssyncset.done $0x0  }
0x28: {  	[sflag:s16] =	ssyncadd.s32 $0xFFFFFFC0  }
0x29: {  	[tilespmem:s22], [sflag:$0x1] =	stream.linear.gather [hbm4b:s9+s2], $0x40, $0x38;
	[tilespmem:$0x400] =	vst v63  }
0x2a: {  	_ =	swait.ge [sflag:s16], $0x40  }
0x2b: {  	[sflag:s16] =	ssyncset.done $0x0  }
0x2c: {  	[sflag:s16] =	ssyncadd.s32 $0xFFFFFFC0  }
0x2d: {  	[tilespmem:s23], [sflag:$0x1] =	stream.linear.gather [hbm4b:s10+s2], $0x40, $0x38;
	[tilespmem:$0x400] =	vst v63  }
0x2e: {  	_ =	swait.ge [sflag:s16], $0x40  }
0x2f: {  	[sflag:s16] =	ssyncset.done $0x0  }
0x30: {  	[sflag:s16] =	ssyncadd.s32 $0xFFFFFFC0  }
0x31: {  	v1 =	vld [tilespmem:$0x0]  }
0x32: {  	v56 =	vimm.s32 $0x0;
	v7 =	vimm.s32 $0x0;
	v59 =	vimm.s32 $0x0;
	v2 =	vld [tilespmem:$0x40]  }
0x33: {  	v8 =	vimm.s32 $0x0;
	v9 =	vimm.s32 $0x0;
	v62 =	vimm.s32 $0x0  }
0x34: {  	v10 =	vimm.s32 $0x0;
	v12 =	vimm.s32 $0x0;
	v13 =	vimm.s32 $0x0  }
0x35: {  	v15 =	vimm.s32 $0x0;
	v16 =	vimm.s32 $0x0;
	v17 =	vimm.s32 $0x0;
	v3 =	vld [tilespmem:$0x80]  }
0x36: {  	v19 =	vimm.s32 $0x0;
	v20 =	vimm.s32 $0x0;
	v23 =	vimm.s32 $0x0  }
0x37: {  	v24 =	vimm.s32 $0x0;
	vm3 =	vgt.f32 v2, v1;
	vm4 =	vgt.f32 v2, $-3.000000010e+38  }
0x38: {  	v27 =	vimm.s32 $0x0;
	vm15 =	vmneg vm3;
	v4 =	vnsel vm4, $0xFF61B1E6, v2  }
0x39: {  	v29 =	vimm.s32 $0x0;
	v31 =	vimm.s32 $0x0;
	v4 =	vsel vm15, v4, v1  }
0x3a: {  	v1 =	vsel vm15, v1, v2;
	v2 =	vimm.s32 $0x0;
	vm1 =	vgt.f32 v3, v4  }
0x3b: {  	v32 =	vimm.s32 $0x0;
	v34 =	vimm.s32 $0x0;
	v5 =	vld [tilespmem:$0xC0];
	v2 =	vsel vm1, $0xFFFFFFFF, v2  }
0x3c: {  	v36 =	vimm.s32 $0x0;
	v6 =	vld [tilespmem:$0x10];
	vm0 =	vgt.f32 v3, v1;
	[tilespmem:$0x1FD60] =	vst v2;
	v2 =	vimm.s32 $0x0  }
0x3d: {  	v37 =	vimm.s32 $0x0;
	v39 =	vimm.s32 $0x0;
	v57 =	vld [tilespmem:$0x50];
	v2 =	vsel vm0, $0xFFFFFFFF, v2  }
0x3e: {  	v43 =	vimm.s32 $0x0;
	v46 =	vimm.s32 $0x0;
	[tilespmem:$0x1FD70] =	vst v2;
	v2 =	vsel vm1, v3, v4  }
0x3f: {  	v47 =	vimm.s32 $0x0;
	v48 =	vimm.s32 $0x0;
	v2 =	vsel vm0, v1, v2  }
0x40: {  	v55 =	vld [tilespmem:$0x100];
	v1 =	vsel vm0, v3, v1;
	v3 =	vimm.s32 $0x0;
	vm11 =	vgt.f32 v5, v2  }
0x41: {  	v51 =	vimm.s32 $0x0;
	v54 =	vimm.s32 $0x0;
	v3 =	vsel vm11, $0xFFFFFFFF, v3  }
0x42: {  	vm5 =	vgt.f32 v57, v6;
	vm0 =	vgt.f32 v5, v1;
	[tilespmem:$0x1FD80] =	vst v3;
	v3 =	vimm.s32 $0x0  }
0x43: {  	v60 =	vld [tilespmem:$0x90];
	vm2 =	vgt.f32 v57, $-3.000000010e+38;
	v2 =	vsel vm11, v5, v2;
	v3 =	vsel vm0, $0xFFFFFFFF, v3  }
0x44: {  	v9 =	vsel vm5, $0xFFFFFFFF, v9;
	vm6 =	vmneg vm5;
	v2 =	vsel vm0, v1, v2;
	[tilespmem:$0x1FD90] =	vst v3;
	v3 =	vld [tilespmem:$0x140]  }
0x45: {  	[tilespmem:$0x1FE20] =	vst v9;
	v9 =	vsel vm2, $0xFFFFFFFF, v62;
	v1 =	vsel vm0, v5, v1;
	vm12 =	vgt.f32 v55, v2  }
0x46: {  	vm0 =	vgt.f32 v55, v1;
	v5 =	vsel vm12, $0xFFFFFFFF, v56;
	v2 =	vsel vm12, v55, v2  }
0x47: {  	v58 =	vld [tilespmem:$0x180];
	v7 =	vsel vm0, $0xFFFFFFFF, v7;
	[tilespmem:$0x1FDA0] =	vst v5;
	v2 =	vsel vm0, v1, v2;
	v5 =	vsel vm6, v6, v57  }
0x48: {  	v63 =	vld [tilespmem:$0xD0];
	v1 =	vsel vm0, v55, v1;
	v55 =	vimm.s32 $0x0;
	vm9 =	vgt.f32 v60, v5  }
0x49: {  	[tilespmem:$0x1FDB0] =	vst v7;
	v7 =	vsel vm9, $0xFFFFFFFF, v15;
	v15 =	vimm.s32 $0x0;
	vm13 =	vgt.f32 v3, v2  }
0x4a: {  	v21 =	vld [tilespmem:$0x20];
	vm14 =	vgt.f32 v3, v1;
	v4 =	vsel vm13, $0xFFFFFFFF, v59;
	v2 =	vsel vm13, v3, v2  }
0x4b: {  	v22 =	vld [tilespmem:$0x60];
	v8 =	vsel vm14, $0xFFFFFFFF, v8;
	v2 =	vsel vm14, v1, v2;
	v1 =	vsel vm14, v3, v1  }
0x4c: {  	v61 =	vld [tilespmem:$0x1C0];
	[tilespmem:$0x1FDC0] =	vst v4;
	v3 =	vnsel vm2, $0xFF61B1E6, v57;
	v4 =	vsel vm9, v60, v5;
	vm7 =	vgt.f32 v58, v1  }
0x4d: {  	vm14 =	vgt.f32 v58, v2;
	v3 =	vsel vm6, v3, v6;
	vm13 =	vgt.f32 v63, v4  }
0x4e: {  	v10 =	vsel vm7, $0xFFFFFFFF, v10;
	v2 =	vsel vm14, v58, v2;
	vm8 =	vgt.f32 v60, v3  }
0x4f: {  	[tilespmem:$0x1FE00] =	vst v10;
	v10 =	vsel vm6, $0xFFFFFFFF, v12;
	v6 =	vsel vm8, $0xFFFFFFFF, v13;
	v2 =	vsel vm7, v1, v2  }
0x50: {  	v14 =	vld [tilespmem:$0x110];
	v3 =	vsel vm8, v60, v3;
	v1 =	vsel vm7, v58, v1;
	vm8 =	vgt.f32 v22, v21  }
0x51: {  	v12 =	vsel vm3, $0x1, v0;
	v3 =	vsel vm9, v5, v3;
	vm10 =	vgt.f32 v61, v2  }
0x52: {  	vm12 =	vgt.f32 v61, v1;
	v2 =	vsel vm10, v61, v2;
	vm11 =	vgt.f32 v63, v3  }
0x53: {  	v18 =	vld [tilespmem:$0x150];
	v3 =	vsel vm11, v63, v3;
	v2 =	vsel vm12, v1, v2;
	v1 =	vsel vm12, v61, v1  }
0x54: {  	vm9 =	vgt.f32 v22, $-3.000000010e+38;
	v3 =	vsel vm13, v4, v3;
	v1 =	vsub.f32 v2, v1  }
0x55: {  	[tilespmem:$0x1FE50] =	vst v7;
	v7 =	vsel vm10, $0xFFFFFFFF, v16;
	v2 =	vsel vm13, v63, v4;
	vm5 =	vgt.f32 v14, v3  }
0x56: {  	vm6 =	vgt.f32 v14, v2;
	v3 =	vsel vm5, v14, v3;
	v1 =	vmul.f32 $1.442695020e+00, v1  }
0x57: {  	vm1 =	vmneg vm8;
	[tilespmem:$0x1FE10] =	vst v7;
	v7 =	vsel vm12, $0xFFFFFFFF, v19;
	v3 =	vsel vm6, v2, v3  }
0x58: {  	[tilespmem:$0x1FDD0] =	vst v8;
	vm7 =	vgt.f32 v18, v3;
	(erf) = vpow2.f32 v1;
	v1 =	vsel vm6, v14, v2  }
0x59: {  	[tilespmem:$0x1FDF0] =	vst v10;
	v2 =	vsel vm7, v18, v3;
	vm0 =	vgt.f32 v18, v1;
	v3 =	vimm.s32 $0x0  }
0x5a: {  	v25 =	vld [tilespmem:$0x190];
	v5 =	vsel vm11, $0xFFFFFFFF, v17;
	v61 =	vimm.s32 $0x0;
	[tilespmem:$0x1FE40] =	vst v7;
	v3 =	vsel vm0, $0xFFFFFFFF, v3  }
0x5b: {  	v7 =	vsel vm13, $0xFFFFFFFF, v20;
	v8 =	vsel vm5, $0xFFFFFFFF, v23;
	[tilespmem:$0x1FF00] =	vst v3;
	v3 =	vimm.s32 $0x0  }
0x5c: {  	v26 =	vld [tilespmem:$0xA0];
	v4 =	vsel vm1, v21, v22;
	[tilespmem:$0x1FEA0] =	vst v8;
	v8 =	vsel vm6, $0xFFFFFFFF, v24;
	v3 =	vsel vm8, $0xFFFFFFFF, v3  }
0x5d: {  	v30 =	vld [tilespmem:$0x1D0];
	v10 =	vsel vm7, $0xFFFFFFFF, v27;
	v2 =	vsel vm0, v1, v2;
	[tilespmem:$0x1FEB0] =	vst v3;
	v3 =	vimm.s32 $0x0  }
0x5e: {  	[tilespmem:$0x1FEE0] =	vst v10;
	v10 =	vsel vm1, $0xFFFFFFFF, v29;
	v1 =	vsel vm0, v18, v1;
	v3 =	vsel vm9, $0xFFFFFFFF, v3  }
0x5f: {  	v28 =	vld [tilespmem:$0xE0];
	vm0 =	vmand vm15, vm4;
	vm10 =	vgt.f32 v25, v2;
	[tilespmem:$0x1FE70] =	vst v3;
	v3 =	vnsel vm9, $0xFF61B1E6, v22  }
0x60: {  	vm13 =	vgt.f32 v25, v1;
	v2 =	vsel vm10, v25, v2;
	v3 =	vsel vm1, v3, v21  }
0x61: {  	v33 =	vld [tilespmem:$0x120];
	[tilespmem:$0x1FE80] =	vst v10;
	v10 =	vsel vm10, $0xFFFFFFFF, v31;
	v2 =	vsel vm13, v1, v2;
	vm11 =	vgt.f32 v26, v3  }
0x62: {  	v40 =	vld [tilespmem:$0x30];
	vm5 =	vgt.f32 v30, v2;
	vm9 =	vgt.f32 v26, v4;
	v3 =	vsel vm11, v26, v3  }
0x63: {  	v41 =	vld [tilespmem:$0x70];
	[tilespmem:$0x1FDE0] =	vst v9;
	v1 =	vsel vm13, v25, v1;
	v9 =	vsel vm5, $0xFFFFFFFF, v36;
	v3 =	vsel vm9, v4, v3  }
0x64: {  	v2 =	vsel vm5, v30, v2;
	v4 =	vsel vm9, v26, v4;
	vm12 =	vgt.f32 v28, v3  }
0x65: {  	[tilespmem:$0x1FE90] =	vst v7;
	v7 =	vsel vm11, $0xFFFFFFFF, v32;
	vm8 =	vgt.f32 v28, v4;
	v3 =	vsel vm12, v28, v3  }
0x66: {  	v35 =	vld [tilespmem:$0x160];
	[tilespmem:$0x1FED0] =	vst v8;
	v8 =	vsel vm12, $0xFFFFFFFF, v34;
	vm12 =	vgt.f32 v30, v1;
	v3 =	vsel vm8, v4, v3  }
0x67: {  	[tilespmem:$0x1FF30] =	vst v9;
	v9 =	vsel vm12, $0xFFFFFFFF, v37;
	v2 =	vsel vm12, v1, v2;
	v4 =	vsel vm8, v28, v4  }
0x68: {  	[tilespmem:$0x1FE60] =	vst v5;
	v5 =	vsel vm12, v30, v1;
	vm12 =	vgt.f32 v41, v40;
	vm5 =	vgt.f32 v33, v3  }
0x69: {  	v38 =	vld [tilespmem:$0x1A0];
	v1 =	vpop (erf);
	vm7 =	vgt.f32 v33, v4;
	v2 =	vsub.f32 v2, v5;
	v3 =	vsel vm5, v33, v3  }
0x6a: {  	[tilespmem:$0x1FF80] =	vst v9;
	v42 =	vadd.f32 $1.000000000e+00, v1;
	v9 =	vsel vm5, $0xFFFFFFFF, v39;
	v3 =	vsel vm7, v4, v3  }
0x6b: {  	v4 =	vsel vm7, v33, v4;
	v2 =	vmul.f32 $1.442695020e+00, v2;
	vm6 =	vgt.f32 v35, v3  }
0x6c: {  	(erf) = vrcp.f32 v42;
	vm11 =	vgt.f32 v35, v4;
	v3 =	vsel vm6, v35, v3  }
0x6d: {  	v45 =	vld [tilespmem:$0x1E0];
	vm5 =	vgt.f32 v41, $-3.000000010e+38;
	(erf) = vpow2.f32 v2;
	v3 =	vsel vm11, v4, v3  }
0x6e: {  	[tilespmem:$0x1FEC0] =	vst v7;
	v49 =	vnsel vm5, $0xFF61B1E6, v41;
	v7 =	vsel vm6, $0xFFFFFFFF, v43;
	vm10 =	vgt.f32 v38, v3  }
0x6f: {  	v44 =	vld [tilespmem:$0xB0];
	[tilespmem:$0x1FEF0] =	vst v8;
	v2 =	vsel vm11, v35, v4;
	v8 =	vsel vm10, $0xFFFFFFFF, v46;
	v3 =	vsel vm10, v38, v3  }
0x70: {  	vm10 =	vgt.f32 v38, v2;
	[tilespmem:$0x1FFA0] =	vst v8;
	v8 =	vsel vm12, $0xFFFFFFFF, v47;
	vm12 =	vmneg vm12  }
0x71: {  	v3 =	vsel vm10, v2, v3;
	v2 =	vsel vm10, v38, v2;
	[tilespmem:$0x1FF60] =	vst v8;
	v8 =	vsel vm5, $0xFFFFFFFF, v48  }
0x72: {  	v50 =	vld [tilespmem:$0xF0];
	v5 =	vsel vm12, v40, v41;
	vm15 =	vgt.f32 v45, v3;
	[tilespmem:$0x1FF40] =	vst v8;
	v8 =	vsel vm12, v49, v40  }
0x73: {  	[tilespmem:$0x1FF20] =	vst v9;
	v9 =	vsel vm15, $0xFFFFFFFF, v54;
	v3 =	vsel vm15, v45, v3;
	vm15 =	vgt.f32 v45, v2  }
0x74: {  	vm6 =	vgt.f32 v44, v8;
	v3 =	vsel vm15, v2, v3;
	v2 =	vsel vm15, v45, v2  }
0x75: {  	v53 =	vld [tilespmem:$0x130];
	[tilespmem:$0x1FE30] =	vst v6;
	v56 =	vpop (erf);
	v6 =	vsel vm6, $0xFFFFFFFF, v51;
	v52 =	vsel vm6, v44, v8;
	vm6 =	vgt.f32 v44, v5  }
0x76: {  	v63 =	vimm.s32 $0x0;
	v2 =	vsub.f32 v3, v2;
	[tilespmem:$0x1FF70] =	vst v6;
	v6 =	vsel vm6, v5, v52;
	v11 =	vpop (erf)  }
0x77: {  	v58 =	vld [tilespmem:$0x170];
	v5 =	vsel vm6, v44, v5;
	vm5 =	vgt.f32 v50, v6;
	v60 =	vadd.f32 $1.000000000e+00, v11  }
0x78: {  	[tilespmem:$0x1FF50] =	vst v7;
	v8 =	vld [tilespmem:$0x1FD60];
	v7 =	vsel vm5, $0xFFFFFFFF, v55;
	v57 =	vsel vm5, v50, v6;
	vm5 =	vgt.f32 v50, v5  }
0x79: {  	v18 =	vimm.s32 $0x0;
	v2 =	vmul.f32 $1.442695020e+00, v2;
	v3 =	vsel vm5, v5, v57  }
0x7a: {  	v14 =	vld [tilespmem:$0x1FD70];
	v5 =	vsel vm5, v50, v5;
	(erf) = vrcp.f32 v60;
	vm4 =	vgt.f32 v53, v3  }
0x7b: {  	v62 =	vld [tilespmem:$0x1B0];
	[tilespmem:$0x1FF10] =	vst v10;
	v10 =	vsel vm4, $0xFFFFFFFF, v61;
	v3 =	vsel vm4, v53, v3;
	vm4 =	vgt.f32 v53, v5  }
0x7c: {  	v16 =	vld [tilespmem:$0x1FD80];
	v59 =	vsel vm0, $0x1, v0;
	(erf) = vpow2.f32 v2;
	v3 =	vsel vm4, v5, v3  }
0x7d: {  	v17 =	vld [tilespmem:$0x1FD90];
	vm0 =	vnez.u8 v8;
	v2 =	vsel vm4, v53, v5;
	vm1 =	vgt.f32 v58, v3  }
0x7e: {  	vm3 =	vgt.f32 v58, v2;
	v4 =	vsel vm1, $0xFFFFFFFF, v63;
	v3 =	vsel vm1, v58, v3  }
0x7f: {  	v13 =	vld [tilespmem:$0x1F0];
	[tilespmem:$0x1FFD0] =	vst v4;
	v4 =	vsel vm0, $0x2, v59;
	vm0 =	vnez.u8 v14;
	v3 =	vsel vm3, v2, v3  }
0x80: {  	v2 =	vsel vm3, v58, v2;
	v4 =	vsel vm0, v12, v4;
	v8 =	vsel vm0, $0x2, v12  }
0x81: {  	vm1 =	vgt.f32 v62, v3;
	vm0 =	vnez.u8 v16;
	vm2 =	vgt.f32 v62, v2  }
0x82: {  	v4 =	vsel vm0, $0x3, v4;
	v3 =	vsel vm1, v62, v3;
	vm0 =	vnez.u8 v17  }
0x83: {  	v19 =	vld [tilespmem:$0x1FDA0];
	v6 =	vsel vm1, $0xFFFFFFFF, v15;
	v4 =	vsel vm0, v8, v4;
	v3 =	vsel vm2, v2, v3  }
0x84: {  	v20 =	vld [tilespmem:$0x1FDB0];
	[tilespmem:$0x1FFE0] =	vst v6;
	v6 =	vsel vm0, $0x3, v8;
	v2 =	vsel vm2, v62, v2;
	vm1 =	vgt.f32 v13, v3  }
0x85: {  	v8 =	vsel vm1, $0xFFFFFFFF, v18;
	v3 =	vsel vm1, v13, v3;
	vm1 =	vgt.f32 v13, v2  }
0x86: {  	v22 =	vld [tilespmem:$0x1FDC0];
	v21 =	vpop (erf);
	v3 =	vsel vm1, v2, v3;
	v2 =	vsel vm1, v13, v2  }
0x87: {  	v23 =	vpop (erf);
	v2 =	vsub.f32 v3, v2;
	v3 =	vld [tilespmem:$0x1FDD0]  }
0x88: {  	v25 =	vld [tilespmem:$0x1FDE0];
	vm0 =	vnez.u8 v19;
	v24 =	vadd.f32 $1.000000000e+00, v23  }
0x89: {  	v26 =	vld [tilespmem:$0x1FDF0];
	v4 =	vsel vm0, $0x4, v4;
	vm0 =	vnez.u8 v20;
	v2 =	vmul.f32 $1.442695020e+00, v2  }
0x8a: {  	v27 =	vld [tilespmem:$0x1FE00];
	v4 =	vsel vm0, v6, v4;
	(erf) = vrcp.f32 v24  }
0x8b: {  	v6 =	vsel vm0, $0x4, v6;
	vm0 =	vnez.u8 v22;
	(erf) = vpow2.f32 v2;
	v2 =	vld [tilespmem:$0x1FE10]  }
0x8c: {  	v4 =	vsel vm0, $0x5, v4;
	vm0 =	vnez.u8 v3  }
0x8d: {  	v3 =	vsel vm0, v6, v4;
	v6 =	vsel vm0, $0x5, v6  }
0x8e: {  	vm0 =	vnez.u8 v25;
	v3 =	vsel vm14, $0x6, v3;
	vm14 =	vnez.u8 v26  }
0x8f: {  	v29 =	vld [tilespmem:$0x1FE30];
	vm0 =	vmand vm14, vm0;
	vm14 =	vnez.u8 v27  }
0x90: {  	v31 =	vld [tilespmem:$0x1FE50];
	v3 =	vsel vm14, v6, v3;
	v4 =	vsel vm14, $0x6, v6;
	vm14 =	vnez.u8 v2  }
0x91: {  	v2 =	vsel vm14, $0x7, v3;
	v3 =	vld [tilespmem:$0x1FE20]  }
0x92: {  	v32 =	vld [tilespmem:$0x1FE60]  }
0x93: {  	v30 =	vld [tilespmem:$0x1FE40]  }
0x94: {  	v34 =	vld [tilespmem:$0x1FE80]  }
0x95: {  	v37 =	vld [tilespmem:$0x1FEA0]  }
0x96: {  	v33 =	vld [tilespmem:$0x1FE70];
	vm14 =	vnez.u8 v3  }
0x97: {  	v35 =	vld [tilespmem:$0x1FE90];
	v28 =	vsel vm0, $0x1, v0;
	v3 =	vsel vm14, $0x1, v0;
	vm14 =	vnez.u8 v29  }
0x98: {  	v39 =	vld [tilespmem:$0x1FEC0];
	v6 =	vsel vm14, $0x2, v28;
	vm14 =	vnez.u8 v30  }
0x99: {  	v38 =	vld [tilespmem:$0x1FEB0];
	v2 =	vsel vm14, v4, v2;
	v4 =	vsel vm14, $0x7, v4;
	vm14 =	vnez.u8 v31  }
0x9a: {  	v42 =	vld [tilespmem:$0x1FEF0];
	v6 =	vsel vm14, v3, v6;
	v3 =	vsel vm14, $0x2, v3;
	vm14 =	vnez.u8 v32  }
0x9b: {  	v40 =	vld [tilespmem:$0x1FED0];
	vm0 =	vnez.u8 v33;
	v6 =	vsel vm14, $0x3, v6;
	vm14 =	vnez.u8 v34  }
0x9c: {  	v43 =	vld [tilespmem:$0x1FF00];
	v44 =	vpop (erf);
	vm0 =	vmand vm14, vm0;
	vm14 =	vnez.u8 v35  }
0x9d: {  	v41 =	vld [tilespmem:$0x1FEE0];
	v46 =	vpop (erf);
	v6 =	vsel vm14, v3, v6;
	v3 =	vsel vm14, $0x3, v3;
	vm14 =	vnez.u8 v37  }
0x9e: {  	v45 =	vld [tilespmem:$0x1FF20];
	v14 =	vadd.f32 $1.000000000e+00, v46;
	v6 =	vsel vm14, $0x4, v6;
	vm14 =	vnez.u8 v38  }
0x9f: {  	[tilespmem:$0x1FFB0] =	vst v10;
	v13 =	vld [tilespmem:$0x1FF10];
	v36 =	vsel vm0, $0x1, v0;
	v10 =	vsel vm14, $0x1, v0;
	vm14 =	vnez.u8 v39  }
0xa0: {  	[tilespmem:$0x1FFC0] =	vst v9;
	v49 =	vld [tilespmem:$0x1FF40];
	v1 =	vmul.f32 v56, v1;
	v9 =	vsel vm14, $0x2, v36;
	vm14 =	vnez.u8 v40  }
0xa1: {  	v15 =	vld [tilespmem:$0x1FF30];
	(erf) = vrcp.f32 v14;
	v6 =	vsel vm14, v3, v6;
	v3 =	vsel vm14, $0x4, v3  }
0xa2: {  	v51 =	vld [tilespmem:$0x1FF60];
	v9 =	vsel vm9, v10, v9;
	vm14 =	vnez.u8 v41;
	v10 =	vsel vm9, $0x2, v10  }
0xa3: {  	v52 =	vld [tilespmem:$0x1FF70];
	vm9 =	vnez.u8 v42;
	v6 =	vsel vm14, $0x5, v6;
	vm14 =	vnez.u8 v43  }
0xa4: {  	[tilespmem:$0x280] =	vst v1;
	v1 =	vld [tilespmem:$0x1FF50];
	v9 =	vsel vm9, $0x3, v9;
	vm9 =	vnez.u8 v13;
	v6 =	vsel vm14, v3, v6  }
0xa5: {  	[tilespmem:$0x380] =	vst v2;
	v2 =	vld [tilespmem:$0x1FF80];
	v3 =	vsel vm14, $0x5, v3;
	v9 =	vsel vm8, v10, v9;
	v10 =	vsel vm8, $0x3, v10  }
0xa6: {  	vm14 =	vnez.u8 v45;
	vm8 =	vnez.u8 v15;
	v6 =	vsel vm9, $0x6, v6  }
0xa7: {  	[tilespmem:$0x1FF90] =	vst v7;
	v57 =	vld [tilespmem:$0x1FFA0];
	v9 =	vsel vm14, $0x4, v9;
	v48 =	vsel vm7, $0x4, v10;
	vm9 =	vnez.u8 v49  }
0xa8: {  	[tilespmem:$0x200] =	vst v56;
	v56 =	vld [tilespmem:$0x1FF90];
	vm14 =	vnez.u8 v52;
	v6 =	vsel vm13, v3, v6;
	v3 =	vsel vm13, $0x6, v3  }
0xa9: {  	v47 =	vsel vm7, v10, v9;
	vm0 =	vmand vm12, vm9;
	vm12 =	vnez.u8 v1  }
0xaa: {  	v60 =	vld [tilespmem:$0x1FFC0];
	vm13 =	vnez.u8 v51;
	vm7 =	vnez.u8 v2;
	v6 =	vsel vm8, $0x7, v6  }
0xab: {  	v54 =	vsel vm11, $0x5, v48;
	v2 =	vsel vm7, v3, v6;
	v3 =	vsel vm7, $0x7, v3  }
0xac: {  	vm9 =	vnez.u8 v57;
	v1 =	vsel vm12, $0x5, v47;
	v50 =	vsel vm0, $0x1, v0;
	[tilespmem:$0x310] =	vst v3;
	v3 =	vld [tilespmem:$0x1FFB0]  }
0xad: {  	v10 =	vsel vm13, $0x1, v0;
	vm8 =	vnez.u8 v56;
	v1 =	vsel vm11, v48, v1  }
0xae: {  	v62 =	vld [tilespmem:$0x1FFD0];
	[tilespmem:$0x300] =	vst v4;
	v59 =	vsel vm10, $0x6, v54;
	v4 =	vsel vm14, $0x2, v50;
	v1 =	vsel vm9, $0x6, v1  }
0xaf: {  	vm12 =	vnez.u8 v60;
	v4 =	vsel vm6, v10, v4;
	v1 =	vsel vm10, v54, v1  }
0xb0: {  	v55 =	vsel vm6, $0x2, v10;
	v4 =	vsel vm8, $0x3, v4;
	v1 =	vsel vm12, $0x7, v1  }
0xb1: {  	v4 =	vsel vm5, v55, v4;
	v1 =	vsel vm15, v59, v1;
	vm11 =	vnez.u8 v3  }
0xb2: {  	v58 =	vsel vm5, $0x3, v55;
	[tilespmem:$0x3A0] =	vst v1;
	v1 =	vld [tilespmem:$0x1FFE0];
	v3 =	vsel vm11, $0x4, v4  }
0xb3: {  	vm13 =	vnez.u8 v62;
	v3 =	vsel vm4, v58, v3  }
0xb4: {  	[tilespmem:$0x390] =	vst v2;
	v2 =	vmul.f32 v44, v23;
	v3 =	vsel vm13, $0x5, v3  }
0xb5: {  	[tilespmem:$0x1FFF0] =	vst v8  }
0xb6: {  	v61 =	vsel vm4, $0x4, v58;
	[tilespmem:$0x2A0] =	vst v2;
	v2 =	vsel vm15, $0x7, v59  }
0xb7: {  	[tilespmem:$0x320] =	vst v2;
	v2 =	vsel vm3, v61, v3;
	vm14 =	vnez.u8 v1;
	v3 =	vpop (erf)  }
0xb8: {  	v1 =	vsel vm14, $0x6, v2;
	v2 =	vmul.f32 v3, v46;
	[tilespmem:$0x230] =	vst v3;
	v3 =	vld [tilespmem:$0x1FFF0];
	_ =	sdelay $0x1  }
0xb9: {  	v53 =	vmul.f32 v21, v11  }
0xba: {  	[tilespmem:$0x210] =	vst v21  }
0xbb: {  	[tilespmem:$0x290] =	vst v53;
	v63 =	vsel vm3, $0x5, v61  }
0xbc: {  	[tilespmem:$0x220] =	vst v44;
	v4 =	vsel vm2, $0x6, v63;
	v1 =	vsel vm2, v63, v1;
	vm15 =	vnez.u8 v3  }
0xbd: {  	[tilespmem:$0x2B0] =	vst v2;
	v3 =	vsel vm1, $0x7, v4;
	v1 =	vsel vm15, $0x7, v1  }
0xbe: {  	[tilespmem:$0x330] =	vst v3;
	v1 =	vsel vm1, v4, v1  }
0xbf: {  	[tilespmem:$0x3B0] =	vst v1  }
0xc0: {  	[hbm4b:s11+s2] =	stream.linear.scatter [tilespmem:s24], [sflag:$0x1], $0x40, $0x38;
	[tilespmem:$0x400] =	vst v63  }
0xc1: {  	_ =	swait.ge [sflag:s16], $0x40  }
0xc2: {  	[sflag:s16] =	ssyncset.done $0x0  }
0xc3: {  	[sflag:s16] =	ssyncadd.s32 $0xFFFFFFC0  }
0xc4: {  	[hbm4b:s12+s2] =	stream.linear.scatter [tilespmem:s25], [sflag:$0x1], $0x40, $0x38;
	[tilespmem:$0x400] =	vst v63  }
0xc5: {  	_ =	swait.ge [sflag:s16], $0x40  }
0xc6: {  	[sflag:s16] =	ssyncset.done $0x0  }
0xc7: {  	[sflag:s16] =	ssyncadd.s32 $0xFFFFFFC0  }
0xc8: {  	[hbm4b:s13+s2] =	stream.linear.scatter [tilespmem:s26], [sflag:$0x1], $0x40, $0x38;
	[tilespmem:$0x400] =	vst v63  }
0xc9: {  	_ =	swait.ge [sflag:s16], $0x40  }
0xca: {  	p0 =	sne.s32 s15, $0x1;
	[sflag:s16] =	ssyncset.done $0x0  }
.Ltmp0:
0xcb: {  	[sflag:s16] =	ssyncadd.s32 $0xFFFFFFC0;
	(pc) =	sbr.rel @p0 .LBB2_1-.Ltmp0, $4  }
0xcc: {  	[hbm4b:s14+s2] =	stream.linear.scatter [tilespmem:s28], [sflag:$0x1], $0x40, $0x38;
	[tilespmem:$0x400] =	vst v63  }
0xcd: {  	_ =	swait.ge [sflag:s16], $0x40  }
0xce: {  	[sflag:s16] =	ssyncset.done $0x0  }
0xcf: {  	s15 =	sadd.s32 $0xFFFFFFFF, s15;
	[sflag:s16] =	ssyncadd.s32 $0xFFFFFFC0  }
0xd0: {  	_ =	sfence.sel $0x180000  }
0xd1: {  	[bflag:$0x0] =	sbarrier.arrive $0xFFFF  }
0xd2: {  	p0 =	sne.s32 s1, $0x0;
	_ =	strace $0x90000047  }
0xd3: {  	s0 =	sadd.s32 @!p0 $0x100000, s0;
	[bflag:$0x2] =	sbarrier.arrive $0xFFFF  }
0xd4: {  	[sflag:s0] =	ssyncadd.tile.s32 @!p0 $0x1;
	_ =	shalt  }
.Lfunc_end2:
_tile_overlayer_lowered:
.L_overlay_start_2:
0xd5: {  	(tag) =	ssettag $0x2  }
0xd6: {  	s0 =	rddreg [dreg:$0x0];
	s2 =	stileid.u32  }
0xd7: {  	s1 =	rddreg [dreg:$0x1];
	p0 =	sne.s32 s2, $0x0  }
0xd8: {  	s3 =	rddreg [dreg:$0x2];
	[bflag:$0x3] =	sbarrier.arrive $0xFFFF;
	s2 =	simm.s32 @!p0 $0x1C01  }
0xd9: {  	[timem:s3], [sflag:s2] =	dma.local @!p0 [hbm:s0], s1  }
0xda: {  	s0 =	simm.s32 @!p0 $0x1  }
0xdb: {  	_ =	swait.ge @!p0 [sflag:s0], s1  }
0xdc: {  	s1 =	ssub.s32 @!p0 $0x0, s1;
	[sflag:s0] =	ssyncset.done @!p0 $0x0  }
0xdd: {  	[sflag:s0] =	ssyncadd.s32 @!p0 s1  }
0xde: {  	[bflag:$0x3] =	sbarrier.arrive $0xFFFF  }
0xdf: {  	_ =	shalt  }

// kernel: kernel.8.cloned.1.call-start
scs
__scs_entry_jumppad:
0x0: {  	(pc) =	sbr.rel $0x88, $3  }
0x1: {  	(tag) =	ssettag $0x0;
	lr =	simm.s32 $0x1  }
0x2: {  	[smem:$0x3F9D] =	sst lr;
	_ =	strace $0xD0000000  }
0x3: {  	_ = 	snop  }
0x4: {  	_ = 	snop  }
0x5: {  	_ = 	snop  }
0x6: {  	_ = 	snop  }
0x7: {  	_ = 	snop  }
__scs_overlays_trampoline_lowered:
0x8: {  	[smem:$0x3FAC] =	sst s0  }
0x9: {  	[smem:$0x3FAD] =	sst s1  }
0xa: {  	[smem:$0x3FAE] =	sst s2  }
0xb: {  	[smem:$0x3FAF] =	sst s3  }
0xc: {  	[smem:$0x3FB0] =	sst s4  }
0xd: {  	[smem:$0x3FB1] =	sst s5  }
0xe: {  	[smem:$0x3FB2] =	sst s6  }
0xf: {  	[smem:$0x3FB3] =	sst s7  }
0x10: {  	[smem:$0x3FB4] =	sst s8  }
0x11: {  	[smem:$0x3FB5] =	sst s9;
	s0 =	simm.s32 @!p0 $0x0  }
0x12: {  	s1 =	sld [smem:$0x3F9B];
	s0 =	simm.s32 @p0 $0x1  }
0x13: {  	[smem:$0x3FB6] =	sst s0;
	s0 =	simm.s32 @!p1 $0x0  }
0x14: {  	s2 =	sld [smem:$0x3F9A];
	s0 =	simm.s32 @p1 $0x1  }
0x15: {  	[smem:$0x3FB7] =	sst s0;
	s0 =	simm.s32 @!p2 $0x0  }
0x16: {  	s3 =	sld [smem:$0x3FDB];
	s0 =	simm.s32 @p2 $0x1  }
0x17: {  	s4 =	simm.s32 $0x1BF5;
	[smem:$0x3FB9] =	sst s0  }
0x18: {  	s0 =	sld [smem:$0x3F9C];
	_ =	swait.ge [sflag:s4], $0x0  }
0x19: {  	s7 =	sld [smem:$0x3F9D]  }
0x1a: {  	s8 =	sadd.s32 $0xFFFFE003, lr  }
0x1b: {  	s9 =	sadd.s32 $0xFFFFFEF7, lr;
	s5 =	simm.s32 $0xFFFFFFFF;
	p2 =	slt.u32 s8, $0xFFFFF086  }
0x1c: {  	p1 =	slt.u32 s9, $0xF7A;
	s5 =	simm.s32 @!p2 $0x0  }
0x1d: {  	s5 =	simm.s32 @p1 $0x1;
	p0 =	seq.s32 s7, s2  }
0x1e: {  	s7 =	smul.u32 @!p0 $0xF7A, s2;
	p2 =	seq.s32 @!p0 s5, $0x0  }
0x1f: {  	s9 =	smul.u32 $0xF7A, s1;
	s8 =	simm.s32 @!p0 $0x1BF5;
	p2 =	por !p2, p0  }
0x20: {  	[sflag:s8] =	ssyncset.s32 @!p0 $0xFFFFF086;
	s6 =	sadd.s32 @!p0 s3, s7;
	s7 =	simm.s32 @!p0 $0x108  }
0x21: {  	s3 =	sadd.s32 s3, s9;
	s6 =	sadd.s32 @!p0 $0x88, s6;
	s7 =	simm.s32 @p2 $0x1082  }
0x22: {  	[simem:s7], [sflag:s8] =	dma.local @!p0 [hbm:s6], $0xF7A  }
0x23: {  	s9 =	sor.u32 $0xD0000000, s2;
	s6 =	simm.s32 $0x108;
	_ =	swait.ge @!p0 [sflag:s8], $0x0  }
0x24: {  	s3 =	sadd.s32 $0x88, s3;
	s6 =	simm.s32 @!p1 $0x1082;
	[sflag:s4] =	ssyncset.s32 $0xFFFFF086  }
0x25: {  	[simem:s6], [sflag:s4] =	dma.local [hbm:s3], $0xF7A  }
0x26: {  	[smem:$0x3F9D] =	sst s1;
	(tag) =	ssettag s2;
	_ =	strace s9  }
0x27: {  	s1 =	sld [smem:$0x3FAD]  }
0x28: {  	s2 =	sld [smem:$0x3FAE]  }
0x29: {  	s4 =	sld [smem:$0x3FB0]  }
0x2a: {  	p0 =	seq.s32 s5, $0x0;
	s5 =	sld [smem:$0x3FB1]  }
0x2b: {  	s6 =	sld [smem:$0x3FB2]  }
0x2c: {  	s7 =	sld [smem:$0x3FB3]  }
0x2d: {  	s3 =	simm.s32 $0x108;
	s8 =	sld [smem:$0x3FB4]  }
0x2e: {  	s3 =	simm.s32 @!p0 $0x1082;
	s9 =	sld [smem:$0x3FB5]  }
0x2f: {  	lr =	sadd.s32 s0, s3;
	s0 =	sld [smem:$0x3FAC]  }
0x30: {  	s3 =	sld [smem:$0x3FAF]  }
0x31: {  	[smem:$0x3FB8] =	sst s10  }
0x32: {  	s10 =	sld [smem:$0x3FB6];
	_ =	sdelay $0x3  }
0x33: {  	p0 =	seq.s32 s10, $0x1;
	s10 =	sld [smem:$0x3FB8];
	_ =	sdelay $0x3  }
0x34: {  	[smem:$0x3FB8] =	sst s10  }
0x35: {  	s10 =	sld [smem:$0x3FB7];
	_ =	sdelay $0x3  }
0x36: {  	p1 =	seq.s32 s10, $0x1;
	s10 =	sld [smem:$0x3FB8];
	_ =	sdelay $0x3  }
0x37: {  	[smem:$0x3FB8] =	sst s10  }
0x38: {  	s10 =	sld [smem:$0x3FB9]  }
0x39: {  	_ = 	snop;
	(pc) =	sbr.ind lr, $3  }
0x3a: {  	_ = 	snop  }
0x3b: {  	_ = 	snop  }
0x3c: {  	p2 =	seq.s32 s10, $0x1;
	s10 =	sld [smem:$0x3FB8]  }
0x3d: {  	_ =	shalt  }
0x3e: {  	_ =	shalt  }
0x3f: {  	_ =	shalt  }
0x40: {  	_ =	shalt  }
0x41: {  	_ =	shalt  }
0x42: {  	_ =	shalt  }
0x43: {  	_ =	shalt  }
0x44: {  	_ =	shalt  }
0x45: {  	_ =	shalt  }
0x46: {  	_ =	shalt  }
0x47: {  	_ =	shalt  }
0x48: {  	_ =	shalt  }
0x49: {  	_ =	shalt  }
0x4a: {  	_ =	shalt  }
0x4b: {  	_ =	shalt  }
0x4c: {  	_ =	shalt  }
0x4d: {  	_ =	shalt  }
0x4e: {  	_ =	shalt  }
0x4f: {  	_ =	shalt  }
0x50: {  	_ =	shalt  }
0x51: {  	_ =	shalt  }
0x52: {  	_ =	shalt  }
0x53: {  	_ =	shalt  }
0x54: {  	_ =	shalt  }
0x55: {  	_ =	shalt  }
0x56: {  	_ =	shalt  }
0x57: {  	_ =	shalt  }
0x58: {  	_ =	shalt  }
0x59: {  	_ =	shalt  }
0x5a: {  	_ =	shalt  }
0x5b: {  	_ =	shalt  }
0x5c: {  	_ =	shalt  }
0x5d: {  	_ =	shalt  }
0x5e: {  	_ =	shalt  }
0x5f: {  	_ =	shalt  }
0x60: {  	_ =	shalt  }
0x61: {  	_ =	shalt  }
0x62: {  	_ =	shalt  }
0x63: {  	_ =	shalt  }
0x64: {  	_ =	shalt  }
0x65: {  	_ =	shalt  }
0x66: {  	_ =	shalt  }
0x67: {  	_ =	shalt  }
0x68: {  	_ =	shalt  }
0x69: {  	_ =	shalt  }
0x6a: {  	_ =	shalt  }
0x6b: {  	_ =	shalt  }
0x6c: {  	_ =	shalt  }
0x6d: {  	_ =	shalt  }
0x6e: {  	_ =	shalt  }
0x6f: {  	_ =	shalt  }
0x70: {  	_ =	shalt  }
0x71: {  	_ =	shalt  }
0x72: {  	_ =	shalt  }
0x73: {  	_ =	shalt  }
0x74: {  	_ =	shalt  }
0x75: {  	_ =	shalt  }
0x76: {  	_ =	shalt  }
0x77: {  	_ =	shalt  }
0x78: {  	_ =	shalt  }
0x79: {  	_ =	shalt  }
0x7a: {  	_ =	shalt  }
0x7b: {  	_ =	shalt  }
0x7c: {  	_ =	shalt  }
0x7d: {  	_ =	shalt  }
0x7e: {  	_ =	shalt  }
0x7f: {  	_ =	shalt  }
0x80: {  	_ =	shalt  }
0x81: {  	_ =	shalt  }
0x82: {  	_ =	shalt  }
0x83: {  	_ =	shalt  }
0x84: {  	_ =	shalt  }
0x85: {  	_ =	shalt  }
0x86: {  	_ =	shalt  }
0x87: {  	_ =	shalt  }
.Lfunc_end0:
.L_simem_size_0:
called_computation.5_lowered:
.L_overlay_start_0:
0x88: {  	s2 =	sld [smem:$0x3FD9]  }
0x89: {  	s3 =	sld [smem:$0x3FFE];
	_ =	sdelay $0x1  }
0x8a: {  	s1 =	srdreg.scid  }
0x8b: {  	s0 =	sand.u32 $0x1, s1  }
0x8c: {  	s17 =	sshll.u32 s0, $0xA;
	s2 =	sadd.s32 s3, s2  }
0x8d: {  	s2 =	sadd.s32 s2, s17  }
0x8e: {  	[smem:$0x3FC4] =	sst s2  }
0x8f: {  	_ = 	snop  }
0x90: {  	s2 =	sld [smem:$0x3FC9];
	(tm) =	ssettm $0x1  }
0x91: {  	s18 =	sld [smem:$0x3FFB];
	_ =	sdelay $0x3  }
0x92: {  	_ =	strace s18  }
0x93: {  	s3 =	sld [smem:$0x3FFC];
	_ =	sdelay $0x3  }
0x94: {  	_ =	strace s3  }
0x95: {  	s3 =	sld [smem:$0x3FFD];
	_ =	sdelay $0x3  }
0x96: {  	_ =	strace s3  }
0x97: {  	_ =	strace $0x8FFFFFFF  }
0x98: {  	s19 =	sld [smem:$0x3FDB];
	_ =	sdelay $0x1  }
0x99: {  	s4 =	simm.s32 $_scs_section_size  }
0x9a: {  	s5 =	simm.s32 $_size__tile_overlayer_lowered;
	s6 =	simm.s32 $_tile_overlayer_lowered  }
0x9b: {  	s22 =	simm.s32 $0x1BFF;
	s21 =	sshll.u32 s6, $0x1;
	s3 =	sadd.s32 s4, s19  }
0x9c: {  	s7 =	simm.s32 $0x0;
	s20 =	sshll.u32 s5, $0x1;
	s5 =	sadd.s32 s21, s3  }
0x9d: {  	[timem:s7], [sflag:s22] =	dma.local [hbm:s5], s20  }
0x9e: {  	_ =	swait.ge [sflag:s22], s20  }
0x9f: {  	s4 =	ssub.s32 $0x0, s20;
	[sflag:s22] =	ssyncset.done $0x0  }
0xa0: {  	[sflag:s22] =	ssyncadd.s32 s4;
	_ =	sdelay $0x1  }
0xa1: {  	s23 =	simm.s32 $0x1B8B  }
0xa2: {  	_ =	swait.ge [sflag:s23], $0x1  }
0xa3: {  	[sflag:s23] =	ssyncset.done $0x0  }
0xa4: {  	s25 =	simm.s32 $0x1B8E;
	s24 =	sld [smem:$0x3FFE];
	[sflag:s23] =	ssyncadd.s32 $0xFFFFFFFF  }
0xa5: {  	s26 =	simm.s32 $execute0_lowered;
	[smem:$0x3FD2] =	sst s25  }
0xa6: {  	s5 =	sshll.u32 s26, $0x1;
	_ =	strace $0x8000004F;
	[dreg:$0x1] =	wrdreg $0xFFFFFFFF  }
0xa7: {  	s28 =	simm.s32 $_size_execute0_lowered;
	s3 =	sadd.s32 s3, s5;
	[dreg:$0x0] =	wrdreg $0x0  }
0xa8: {  	s5 =	sshll.u32 s28, $0x1;
	[dreg:$0x2] =	wrdreg s3  }
0xa9: {  	[dreg:$0x3] =	wrdreg s5  }
0xaa: {  	[dreg:$0x4] =	wrdreg $0xC0  }
0xab: {  	_ =	task [dreg:s7], $0x5FFFF  }
0xac: {  	[dreg:$0x1] =	wrdreg $0xFFFFFFFF  }
0xad: {  	[dreg:$0x0] =	wrdreg $0x60  }
0xae: {  	[dreg:$0x2] =	wrdreg s2  }
0xaf: {  	[dreg:$0x3] =	wrdreg s24  }
0xb0: {  	[dreg:$0x4] =	wrdreg $0x9  }
0xb1: {  	_ =	task.clear_ibuf [dreg:s7], $0x5FFFF;
	_ =	strace $0x9000004F  }
0xb2: {  	s29 =	simm.s32 $0x9;
	_ =	strace $0x80000051  }
0xb3: {  	_ =	swait.ge [sflag:s29], $0x1  }
0xb4: {  	[sflag:s29] =	ssyncadd.s32 $0xFFFFFFFF  }
0xb5: {  	_ =	strace $0x90000051  }
0xb6: {  	_ =	sfence  }
0xb7: {  	s30 =	sld [smem:$0x0];
	_ =	sdelay $0x2  }
0xb8: {  	s31 =	sshll.u32 s1, $0xD;
	s1 =	sshrl.u32 s1, $0x2  }
0xb9: {  	s3 =	sand.u32 $0x4000, s31;
	s1 =	sadd.s32 s1, s30  }
0xba: {  	s0 =	sor.u32 s3, s0;
	s1 =	sshll.u32 s1, $0x11  }
0xbb: {  	s0 =	sor.u32 s1, s0  }
0xbc: {  	s0 =	sadd.s32 $0x8F2B, s0  }
0xbd: {  	[sflag:s0] =	ssyncadd.remote.s32 $0x1  }
0xbe: {  	_ =	sfence.sel $0xFFFF  }
0xbf: {  	[dreg:$0x0] =	wrdreg $0xFFFFFFFF;
	(pc) =	sbr.abs _section_cstart, $3  }
0xc0: {  	[dreg:$0x1] =	wrdreg $0xFFFFFFFF  }
0xc1: {  	_ =	task.clear_ibuf [dreg:s7], $0x2FFFF;
	_ =	strace $0x9FFFFFFF  }
0xc2: {  	(tm) =	ssettm $0x7FFFFFFF  }
0xc3: {  	_ =	shalt  }
tec
execute0_lowered:
.L_overlay_start_1:
0x0: {  	(tag) =	ssettag $0x1  }
0x1: {  	s0 =	srdreg.scid  }
0x2: {  	s1 =	stileid.u32;
	s2 =	rddreg [dreg:$0x0]  }
0x3: {  	s4 =	rddreg [dreg:$0x1];
	s3 =	simm.s32 $0x0;
	s8 =	simm.s32 $0x5  }
0x4: {  	s23 =	simm.s32 $0x16100;
	s24 =	simm.s32 $0x16900;
	s25 =	simm.s32 $0x17100  }
0x5: {  	s26 =	simm.s32 $0x17900;
	s28 =	simm.s32 $0x5900;
	s12 =	simm.s32 $0x6100  }
0x6: {  	s29 =	simm.s32 $0x6900;
	s30 =	simm.s32 $0x7100;
	[smem:$0x7FF] =	sst s3  }
0x7: {  	s31 =	simm.s32 $0x7900;
	_ =	strace $0x80000050;
	[dreg:$0xc] =	wrdreg s23  }
0x8: {  	s0 =	sand.u32 $0x1, s0;
	s1 =	sshll.u32 s1, $0x1;
	[dreg:$0xd] =	wrdreg s24  }
0x9: {  	s10 =	simm.s32 $0xC100;
	s1 =	sor.u32 s0, s1;
	[dreg:$0xe] =	wrdreg s25  }
0xa: {  	s0 =	ssub.s32 $0x2, s0;
	[dreg:$0xf] =	wrdreg s26;
	s5 =	smul.u32 $0x17, s1  }
0xb: {  	s24 =	simm.s32 $0x4100;
	s25 =	simm.s32 $0x4900;
	s6 =	smul.u32 $0x2E000, s1  }
0xc: {  	s26 =	simm.s32 $0x5100;
	s1 =	smul.u32 $0x5C00, s1;
	s5 =	sadd.s32 s5, s4  }
0xd: {  	s4 =	sadd.s32 $0x800, s4;
	s6 =	sshrl.u32 s6, $0x3;
	s5 =	sadd.s32 $0x400, s5  }
0xe: {  	s1 =	sadd.s32 s4, s1;
	s6 =	sadd.s32 s4, s6;
	[dreg:$0x3] =	wrdreg s5  }
0xf: {  	s23 =	simm.s32 $0x8900;
	[dreg:$0x4] =	wrdreg s1;
	s15 =	sadd.s32 $0xC00, s6  }
0x10: {  	s18 =	sshrl.u32 s0, $0x1;
	s16 =	sadd.s32 $0x1800, s6;
	[dreg:$0x5] =	wrdreg s15  }
0x11: {  	s0 =	ssub.s32 s0, s18;
	s17 =	sadd.s32 $0x2400, s6;
	[dreg:$0x6] =	wrdreg s16  }
0x12: {  	s18 =	simm.s32 $0x2100;
	s19 =	sadd.s32 $0x3000, s6;
	[dreg:$0x7] =	wrdreg s17  }
0x13: {  	s7 =	smax.u32 s0, $0x1;
	s20 =	sadd.s32 $0x3C00, s6;
	[dreg:$0x8] =	wrdreg s19  }
0x14: {  	s4 =	sadd.s32 $0x100, s2;
	s21 =	sadd.s32 $0x4800, s6;
	[dreg:$0x9] =	wrdreg s20  }
0x15: {  	s5 =	sadd.s32 $0x200, s2;
	s22 =	sadd.s32 $0x5400, s6;
	[dreg:$0xa] =	wrdreg s21  }
0x16: {  	v2 =	vlaneseq.u32;
	s6 =	sadd.s32 $0x300, s2;
	s1 =	simm.s32 $0x12100;
	[dreg:$0xb] =	wrdreg s22  }
0x17: {  	vm0 =	vmmov $0xffff;
	v1 =	vshrl.u32 v2, $0x3;
	s16 =	simm.s32 $0x1100;
	s17 =	simm.s32 $0x1900;
	s19 =	simm.s32 $0x2900  }
0x18: {  	v0 =	vand.u32 $0x7, v2;
	v2 =	vor.u32 $0x8, v2;
	v1 =	vmul.u32 $0x8, v1;
	s20 =	simm.s32 $0x3100;
	s22 =	simm.s32 $0x3900;
	s21 =	simm.s32 $0x9900  }
.LBB2_1:
0x19: {  	s13 =	rddreg [dreg:$0x3]  }
0x1a: {  	[tilespmem:s3], [sflag:$0x5] =	stream.linear.gather [hbm4b:s13+s3], $0xB8, $0x38;
	[tilespmem:$0x18100] =	vst v63  }
0x1b: {  	_ =	swait.ge [sflag:s8], $0xB8  }
0x1c: {  	[sflag:s8] =	ssyncset.done $0x0  }
0x1d: {  	[sflag:s8] =	ssyncadd.s32 $0xFFFFFF48  }
0x1e: {  	v3 =	vld [tilespmem:$0x0];
	_ =	sdelay $0x4  }
0x1f: {  	v4 =	vshll.u32 v3, $0x3  }
0x20: {  	v3 =	vand.u32 $0x7, v3;
	v4 =	vand.u32 $0xFFFFFFC0, v4  }
0x21: {  	v3 =	vor.u32 v3, v4  }
0x22: {  	v4 =	vperm.xlane v3, v0;
	_ =	sdelay $0x1  }
0x23: {  	v4 =	vadd.s32 v1, v4;
	_ =	sdelay $0x3  }
0x24: {  	s0 =	simm.s32 $0x100  }
0x25: {  	[tilespmem:s0], [sflag:$0x1] =	stream.indirect_vreg.gather [hbm4b:s2+s3], $0x80, v4, vm0, $0xb8;
	[tilespmem:$0x18100] =	vst v63  }
0x26: {  	s15 =	simm.s32 $0x900;
	v3 =	vperm.xlane v3, v2  }
0x27: {  	[tilespmem:s15], [sflag:$0x1] =	stream.indirect_vreg.gather [hbm4b:s4+s3], $0x80, v4, vm0, $0xb8;
	[tilespmem:$0x18100] =	vst v63  }
0x28: {  	v3 =	vadd.s32 v1, v3  }
0x29: {  	[tilespmem:s16], [sflag:$0x1] =	stream.indirect_vreg.gather [hbm4b:s5+s3], $0x80, v4, vm0, $0xb8;
	[tilespmem:$0x18100] =	vst v63  }
0x2a: {  	_ = 	snop  }
0x2b: {  	[tilespmem:s17], [sflag:$0x1] =	stream.indirect_vreg.gather [hbm4b:s6+s3], $0x80, v4, vm0, $0xb8;
	[tilespmem:$0x18100] =	vst v63  }
0x2c: {  	_ = 	snop  }
0x2d: {  	[tilespmem:s18], [sflag:$0x1] =	stream.indirect_vreg.gather [hbm4b:s2+s3], $0x80, v3, vm0, $0xb8;
	[tilespmem:$0x18100] =	vst v63  }
0x2e: {  	_ = 	snop  }
0x2f: {  	[tilespmem:s19], [sflag:$0x1] =	stream.indirect_vreg.gather [hbm4b:s4+s3], $0x80, v3, vm0, $0xb8;
	[tilespmem:$0x18100] =	vst v63  }
0x30: {  	_ = 	snop  }
0x31: {  	[tilespmem:s20], [sflag:$0x1] =	stream.indirect_vreg.gather [hbm4b:s5+s3], $0x80, v3, vm0, $0xb8;
	[tilespmem:$0x18100] =	vst v63  }
0x32: {  	_ = 	snop  }
0x33: {  	[tilespmem:s22], [sflag:$0x1] =	stream.indirect_vreg.gather [hbm4b:s6+s3], $0x80, v3, vm0, $0xb8;
	[tilespmem:$0x18100] =	vst v63  }
0x34: {  	v3 =	vld.msk [tilespmem:$0x10], $0xff;
	_ =	sdelay $0x4  }
0x35: {  	v50 =	vshll.u32 v3, $0x3  }
0x36: {  	v3 =	vand.u32 $0x7, v3;
	v4 =	vand.u32 $0xFFFFFFC0, v50  }
0x37: {  	v3 =	vor.u32 v3, v4  }
0x38: {  	v3 =	vperm.xlane v3, v0;
	_ =	sdelay $0x1  }
0x39: {  	v3 =	vadd.s32 v1, v3;
	_ =	sdelay $0x4  }
0x3a: {  	[tilespmem:s24], [sflag:$0x1] =	stream.indirect_vreg.gather [hbm4b:s2+s3], $0x80, v3, vm0, $0xb8;
	[tilespmem:$0x18100] =	vst v63  }
0x3b: {  	_ = 	snop  }
0x3c: {  	[tilespmem:s25], [sflag:$0x1] =	stream.indirect_vreg.gather [hbm4b:s4+s3], $0x80, v3, vm0, $0xb8;
	[tilespmem:$0x18100] =	vst v63  }
0x3d: {  	_ = 	snop  }
0x3e: {  	[tilespmem:s26], [sflag:$0x1] =	stream.indirect_vreg.gather [hbm4b:s5+s3], $0x80, v3, vm0, $0xb8;
	[tilespmem:$0x18100] =	vst v63  }
0x3f: {  	_ = 	snop  }
0x40: {  	[tilespmem:s28], [sflag:$0x1] =	stream.indirect_vreg.gather [hbm4b:s6+s3], $0x80, v3, vm0, $0xb8;
	[tilespmem:$0x18100] =	vst v63  }
0x41: {  	v3 =	vld [tilespmem:$0x18];
	_ =	sdelay $0x4  }
0x42: {  	v51 =	vshll.u32 v3, $0x3  }
0x43: {  	v3 =	vand.u32 $0x7, v3;
	v4 =	vand.u32 $0xFFFFFFC0, v51  }
0x44: {  	v3 =	vor.u32 v3, v4  }
0x45: {  	v4 =	vperm.xlane v3, v0;
	_ =	sdelay $0x1  }
0x46: {  	v4 =	vadd.s32 v1, v4;
	_ =	sdelay $0x4  }
0x47: {  	[tilespmem:s12], [sflag:$0x2] =	stream.indirect_vreg.gather [hbm4b:s2+s3], $0x80, v4, vm0, $0xb8;
	[tilespmem:$0x18100] =	vst v63  }
0x48: {  	v3 =	vperm.xlane v3, v2  }
0x49: {  	[tilespmem:s29], [sflag:$0x2] =	stream.indirect_vreg.gather [hbm4b:s4+s3], $0x80, v4, vm0, $0xb8;
	[tilespmem:$0x18100] =	vst v63  }
0x4a: {  	v3 =	vadd.s32 v1, v3  }
0x4b: {  	[tilespmem:s30], [sflag:$0x2] =	stream.indirect_vreg.gather [hbm4b:s5+s3], $0x80, v4, vm0, $0xb8;
	[tilespmem:$0x18100] =	vst v63  }
0x4c: {  	_ = 	snop  }
0x4d: {  	[tilespmem:s31], [sflag:$0x2] =	stream.indirect_vreg.gather [hbm4b:s6+s3], $0x80, v4, vm0, $0xb8;
	[tilespmem:$0x18100] =	vst v63  }
0x4e: {  	s9 =	simm.s32 $0x8100  }
0x4f: {  	[tilespmem:s9], [sflag:$0x2] =	stream.indirect_vreg.gather [hbm4b:s2+s3], $0x80, v3, vm0, $0xb8;
	[tilespmem:$0x18100] =	vst v63  }
0x50: {  	_ = 	snop  }
0x51: {  	[tilespmem:s23], [sflag:$0x2] =	stream.indirect_vreg.gather [hbm4b:s4+s3], $0x80, v3, vm0, $0xb8;
	[tilespmem:$0x18100] =	vst v63  }
0x52: {  	s14 =	simm.s32 $0x9100  }
0x53: {  	[tilespmem:s14], [sflag:$0x2] =	stream.indirect_vreg.gather [hbm4b:s5+s3], $0x80, v3, vm0, $0xb8;
	[tilespmem:$0x18100] =	vst v63  }
0x54: {  	_ = 	snop  }
0x55: {  	[tilespmem:s21], [sflag:$0x2] =	stream.indirect_vreg.gather [hbm4b:s6+s3], $0x80, v3, vm0, $0xb8;
	[tilespmem:$0x18100] =	vst v63  }
0x56: {  	v3 =	vld.msk [tilespmem:$0x28], $0xff;
	_ =	sdelay $0x4  }
0x57: {  	v52 =	vshll.u32 v3, $0x3  }
0x58: {  	v3 =	vand.u32 $0x7, v3;
	v4 =	vand.u32 $0xFFFFFFC0, v52  }
0x59: {  	v3 =	vor.u32 v3, v4  }
0x5a: {  	v3 =	vperm.xlane v3, v0;
	_ =	sdelay $0x1  }
0x5b: {  	v3 =	vadd.s32 v1, v3;
	_ =	sdelay $0x3  }
0x5c: {  	s11 =	simm.s32 $0xA100  }
0x5d: {  	[tilespmem:s11], [sflag:$0x2] =	stream.indirect_vreg.gather [hbm4b:s2+s3], $0x80, v3, vm0, $0xb8;
	[tilespmem:$0x18100] =	vst v63  }
0x5e: {  	s11 =	simm.s32 $0xA900  }
0x5f: {  	[tilespmem:s11], [sflag:$0x2] =	stream.indirect_vreg.gather [hbm4b:s4+s3], $0x80, v3, vm0, $0xb8;
	[tilespmem:$0x18100] =	vst v63  }
0x60: {  	s13 =	simm.s32 $0xB100  }
0x61: {  	[tilespmem:s13], [sflag:$0x2] =	stream.indirect_vreg.gather [hbm4b:s5+s3], $0x80, v3, vm0, $0xb8;
	[tilespmem:$0x18100] =	vst v63  }
0x62: {  	s14 =	simm.s32 $0xB900  }
0x63: {  	[tilespmem:s14], [sflag:$0x2] =	stream.indirect_vreg.gather [hbm4b:s6+s3], $0x80, v3, vm0, $0xb8;
	[tilespmem:$0x18100] =	vst v63  }
0x64: {  	v3 =	vld [tilespmem:$0x30];
	_ =	sdelay $0x4  }
0x65: {  	v53 =	vshll.u32 v3, $0x3  }
0x66: {  	v3 =	vand.u32 $0x7, v3;
	v4 =	vand.u32 $0xFFFFFFC0, v53  }
0x67: {  	v3 =	vor.u32 v3, v4  }
0x68: {  	v4 =	vperm.xlane v3, v0;
	_ =	sdelay $0x1  }
0x69: {  	v4 =	vadd.s32 v1, v4;
	_ =	sdelay $0x4  }
0x6a: {  	[tilespmem:s10], [sflag:$0x3] =	stream.indirect_vreg.gather [hbm4b:s2+s3], $0x80, v4, vm0, $0xb8;
	[tilespmem:$0x18100] =	vst v63  }
0x6b: {  	s13 =	simm.s32 $0xC900;
	v3 =	vperm.xlane v3, v2  }
0x6c: {  	[tilespmem:s13], [sflag:$0x3] =	stream.indirect_vreg.gather [hbm4b:s4+s3], $0x80, v4, vm0, $0xb8;
	[tilespmem:$0x18100] =	vst v63  }
0x6d: {  	s14 =	simm.s32 $0xD100;
	v3 =	vadd.s32 v1, v3  }
0x6e: {  	[tilespmem:s14], [sflag:$0x3] =	stream.indirect_vreg.gather [hbm4b:s5+s3], $0x80, v4, vm0, $0xb8;
	[tilespmem:$0x18100] =	vst v63  }
0x6f: {  	s13 =	simm.s32 $0xD900  }
0x70: {  	[tilespmem:s13], [sflag:$0x3] =	stream.indirect_vreg.gather [hbm4b:s6+s3], $0x80, v4, vm0, $0xb8;
	[tilespmem:$0x18100] =	vst v63  }
0x71: {  	s14 =	simm.s32 $0xE100  }
0x72: {  	[tilespmem:s14], [sflag:$0x3] =	stream.indirect_vreg.gather [hbm4b:s2+s3], $0x80, v3, vm0, $0xb8;
	[tilespmem:$0x18100] =	vst v63  }
0x73: {  	s13 =	simm.s32 $0xE900  }
0x74: {  	[tilespmem:s13], [sflag:$0x3] =	stream.indirect_vreg.gather [hbm4b:s4+s3], $0x80, v3, vm0, $0xb8;
	[tilespmem:$0x18100] =	vst v63  }
0x75: {  	s14 =	simm.s32 $0xF100  }
0x76: {  	[tilespmem:s14], [sflag:$0x3] =	stream.indirect_vreg.gather [hbm4b:s5+s3], $0x80, v3, vm0, $0xb8;
	[tilespmem:$0x18100] =	vst v63  }
0x77: {  	s13 =	simm.s32 $0xF900  }
0x78: {  	[tilespmem:s13], [sflag:$0x3] =	stream.indirect_vreg.gather [hbm4b:s6+s3], $0x80, v3, vm0, $0xb8;
	[tilespmem:$0x18100] =	vst v63  }
0x79: {  	v3 =	vld.msk [tilespmem:$0x40], $0xff;
	_ =	sdelay $0x4  }
0x7a: {  	v54 =	vshll.u32 v3, $0x3  }
0x7b: {  	v3 =	vand.u32 $0x7, v3;
	v4 =	vand.u32 $0xFFFFFFC0, v54  }
0x7c: {  	v3 =	vor.u32 v3, v4  }
0x7d: {  	v3 =	vperm.xlane v3, v0;
	_ =	sdelay $0x1  }
0x7e: {  	v3 =	vadd.s32 v1, v3;
	_ =	sdelay $0x3  }
0x7f: {  	s14 =	simm.s32 $0x10100  }
0x80: {  	[tilespmem:s14], [sflag:$0x3] =	stream.indirect_vreg.gather [hbm4b:s2+s3], $0x80, v3, vm0, $0xb8;
	[tilespmem:$0x18100] =	vst v63  }
0x81: {  	s13 =	simm.s32 $0x10900  }
0x82: {  	[tilespmem:s13], [sflag:$0x3] =	stream.indirect_vreg.gather [hbm4b:s4+s3], $0x80, v3, vm0, $0xb8;
	[tilespmem:$0x18100] =	vst v63  }
0x83: {  	s14 =	simm.s32 $0x11100  }
0x84: {  	[tilespmem:s14], [sflag:$0x3] =	stream.indirect_vreg.gather [hbm4b:s5+s3], $0x80, v3, vm0, $0xb8;
	[tilespmem:$0x18100] =	vst v63  }
0x85: {  	s13 =	simm.s32 $0x11900  }
0x86: {  	[tilespmem:s13], [sflag:$0x3] =	stream.indirect_vreg.gather [hbm4b:s6+s3], $0x80, v3, vm0, $0xb8;
	[tilespmem:$0x18100] =	vst v63  }
0x87: {  	v3 =	vld [tilespmem:$0x48];
	_ =	sdelay $0x4  }
0x88: {  	v55 =	vshll.u32 v3, $0x3  }
0x89: {  	v3 =	vand.u32 $0x7, v3;
	v4 =	vand.u32 $0xFFFFFFC0, v55  }
0x8a: {  	v3 =	vor.u32 v3, v4  }
0x8b: {  	v4 =	vperm.xlane v3, v0;
	_ =	sdelay $0x1  }
0x8c: {  	v4 =	vadd.s32 v1, v4;
	_ =	sdelay $0x4  }
0x8d: {  	[tilespmem:s1], [sflag:$0x4] =	stream.indirect_vreg.gather [hbm4b:s2+s3], $0x80, v4, vm0, $0xb8;
	[tilespmem:$0x18100] =	vst v63  }
0x8e: {  	s14 =	simm.s32 $0x12900;
	v3 =	vperm.xlane v3, v2  }
0x8f: {  	[tilespmem:s14], [sflag:$0x4] =	stream.indirect_vreg.gather [hbm4b:s4+s3], $0x80, v4, vm0, $0xb8;
	[tilespmem:$0x18100] =	vst v63  }
0x90: {  	s13 =	simm.s32 $0x13100;
	v3 =	vadd.s32 v1, v3  }
0x91: {  	[tilespmem:s13], [sflag:$0x4] =	stream.indirect_vreg.gather [hbm4b:s5+s3], $0x80, v4, vm0, $0xb8;
	[tilespmem:$0x18100] =	vst v63  }
0x92: {  	s14 =	simm.s32 $0x13900  }
0x93: {  	[tilespmem:s14], [sflag:$0x4] =	stream.indirect_vreg.gather [hbm4b:s6+s3], $0x80, v4, vm0, $0xb8;
	[tilespmem:$0x18100] =	vst v63  }
0x94: {  	s13 =	simm.s32 $0x14100  }
0x95: {  	[tilespmem:s13], [sflag:$0x4] =	stream.indirect_vreg.gather [hbm4b:s2+s3], $0x80, v3, vm0, $0xb8;
	[tilespmem:$0x18100] =	vst v63  }
0x96: {  	s14 =	simm.s32 $0x14900  }
0x97: {  	[tilespmem:s14], [sflag:$0x4] =	stream.indirect_vreg.gather [hbm4b:s4+s3], $0x80, v3, vm0, $0xb8;
	[tilespmem:$0x18100] =	vst v63  }
0x98: {  	s13 =	simm.s32 $0x15100  }
0x99: {  	[tilespmem:s13], [sflag:$0x4] =	stream.indirect_vreg.gather [hbm4b:s5+s3], $0x80, v3, vm0, $0xb8;
	[tilespmem:$0x18100] =	vst v63  }
0x9a: {  	s14 =	simm.s32 $0x15900  }
0x9b: {  	[tilespmem:s14], [sflag:$0x4] =	stream.indirect_vreg.gather [hbm4b:s6+s3], $0x80, v3, vm0, $0xb8;
	[tilespmem:$0x18100] =	vst v63  }
0x9c: {  	v3 =	vld.msk [tilespmem:$0x58], $0xff;
	_ =	sdelay $0x4  }
0x9d: {  	v56 =	vshll.u32 v3, $0x3  }
0x9e: {  	v3 =	vand.u32 $0x7, v3;
	v4 =	vand.u32 $0xFFFFFFC0, v56  }
0x9f: {  	v3 =	vor.u32 v3, v4  }
0xa0: {  	v3 =	vperm.xlane v3, v0;
	_ =	sdelay $0x1  }
0xa1: {  	v3 =	vadd.s32 v1, v3;
	_ =	sdelay $0x3  }
0xa2: {  	s0 =	rddreg [dreg:$0xc]  }
0xa3: {  	[tilespmem:s0], [sflag:$0x4] =	stream.indirect_vreg.gather [hbm4b:s2+s3], $0x80, v3, vm0, $0xb8;
	[tilespmem:$0x18100] =	vst v63  }
0xa4: {  	s14 =	rddreg [dreg:$0xd]  }
0xa5: {  	[tilespmem:s14], [sflag:$0x4] =	stream.indirect_vreg.gather [hbm4b:s4+s3], $0x80, v3, vm0, $0xb8;
	[tilespmem:$0x18100] =	vst v63  }
0xa6: {  	s13 =	rddreg [dreg:$0xe]  }
0xa7: {  	[tilespmem:s13], [sflag:$0x4] =	stream.indirect_vreg.gather [hbm4b:s5+s3], $0x80, v3, vm0, $0xb8;
	[tilespmem:$0x18100] =	vst v63  }
0xa8: {  	s0 =	rddreg [dreg:$0xf];
	s14 =	simm.s32 $0x1  }
0xa9: {  	[tilespmem:s0], [sflag:$0x4] =	stream.indirect_vreg.gather [hbm4b:s6+s3], $0x80, v3, vm0, $0xb8;
	[tilespmem:$0x18100] =	vst v63  }
0xaa: {  	_ =	swait.ge [sflag:s14], $0x6000  }
0xab: {  	[sflag:s14] =	ssyncset.done $0x0  }
0xac: {  	s0 =	simm.s32 $0x100;
	s13 =	rddreg [dreg:$0x4];
	[sflag:s14] =	ssyncadd.s32 $0xFFFFA000  }
0xad: {  	[hbm4b:s13+s3] =	stream.linear.scatter [tilespmem:s0], [sflag:$0x5], $0x6000, $0x38;
	[tilespmem:$0x18100] =	vst v63  }
0xae: {  	_ =	swait.ge [sflag:s8], $0x6000  }
0xaf: {  	[sflag:s8] =	ssyncset.done $0x0  }
0xb0: {  	[sflag:s8] =	ssyncadd.s32 $0xFFFFA000  }
0xb1: {  	v3 =	vld [tilespmem:$0x60];
	_ =	sdelay $0x4  }
0xb2: {  	v57 =	vshll.u32 v3, $0x3  }
0xb3: {  	v3 =	vand.u32 $0x7, v3;
	v4 =	vand.u32 $0xFFFFFFC0, v57  }
0xb4: {  	v3 =	vor.u32 v3, v4  }
0xb5: {  	v4 =	vperm.xlane v3, v0;
	_ =	sdelay $0x1  }
0xb6: {  	v4 =	vadd.s32 v1, v4;
	_ =	sdelay $0x4  }
0xb7: {  	[tilespmem:s0], [sflag:$0x1] =	stream.indirect_vreg.gather [hbm4b:s2+s3], $0x80, v4, vm0, $0xb8;
	[tilespmem:$0x18100] =	vst v63  }
0xb8: {  	v3 =	vperm.xlane v3, v2  }
0xb9: {  	[tilespmem:s15], [sflag:$0x1] =	stream.indirect_vreg.gather [hbm4b:s4+s3], $0x80, v4, vm0, $0xb8;
	[tilespmem:$0x18100] =	vst v63  }
0xba: {  	v3 =	vadd.s32 v1, v3  }
0xbb: {  	[tilespmem:s16], [sflag:$0x1] =	stream.indirect_vreg.gather [hbm4b:s5+s3], $0x80, v4, vm0, $0xb8;
	[tilespmem:$0x18100] =	vst v63  }
0xbc: {  	_ = 	snop  }
0xbd: {  	[tilespmem:s17], [sflag:$0x1] =	stream.indirect_vreg.gather [hbm4b:s6+s3], $0x80, v4, vm0, $0xb8;
	[tilespmem:$0x18100] =	vst v63  }
0xbe: {  	_ = 	snop  }
0xbf: {  	[tilespmem:s18], [sflag:$0x1] =	stream.indirect_vreg.gather [hbm4b:s2+s3], $0x80, v3, vm0, $0xb8;
	[tilespmem:$0x18100] =	vst v63  }
0xc0: {  	_ = 	snop  }
0xc1: {  	[tilespmem:s19], [sflag:$0x1] =	stream.indirect_vreg.gather [hbm4b:s4+s3], $0x80, v3, vm0, $0xb8;
	[tilespmem:$0x18100] =	vst v63  }
0xc2: {  	_ = 	snop  }
0xc3: {  	[tilespmem:s20], [sflag:$0x1] =	stream.indirect_vreg.gather [hbm4b:s5+s3], $0x80, v3, vm0, $0xb8;
	[tilespmem:$0x18100] =	vst v63  }
0xc4: {  	_ = 	snop  }
0xc5: {  	[tilespmem:s22], [sflag:$0x1] =	stream.indirect_vreg.gather [hbm4b:s6+s3], $0x80, v3, vm0, $0xb8;
	[tilespmem:$0x18100] =	vst v63  }
0xc6: {  	v3 =	vld.msk [tilespmem:$0x70], $0xff;
	_ =	sdelay $0x4  }
0xc7: {  	v58 =	vshll.u32 v3, $0x3  }
0xc8: {  	v3 =	vand.u32 $0x7, v3;
	v4 =	vand.u32 $0xFFFFFFC0, v58  }
0xc9: {  	v3 =	vor.u32 v3, v4  }
0xca: {  	v3 =	vperm.xlane v3, v0;
	_ =	sdelay $0x1  }
0xcb: {  	v3 =	vadd.s32 v1, v3;
	_ =	sdelay $0x4  }
0xcc: {  	[tilespmem:s24], [sflag:$0x1] =	stream.indirect_vreg.gather [hbm4b:s2+s3], $0x80, v3, vm0, $0xb8;
	[tilespmem:$0x18100] =	vst v63  }
0xcd: {  	_ = 	snop  }
0xce: {  	[tilespmem:s25], [sflag:$0x1] =	stream.indirect_vreg.gather [hbm4b:s4+s3], $0x80, v3, vm0, $0xb8;
	[tilespmem:$0x18100] =	vst v63  }
0xcf: {  	_ = 	snop  }
0xd0: {  	[tilespmem:s26], [sflag:$0x1] =	stream.indirect_vreg.gather [hbm4b:s5+s3], $0x80, v3, vm0, $0xb8;
	[tilespmem:$0x18100] =	vst v63  }
0xd1: {  	s15 =	simm.s32 $0x2  }
0xd2: {  	[tilespmem:s28], [sflag:$0x1] =	stream.indirect_vreg.gather [hbm4b:s6+s3], $0x80, v3, vm0, $0xb8;
	[tilespmem:$0x18100] =	vst v63  }
0xd3: {  	_ =	swait.ge [sflag:s15], $0x6000  }
0xd4: {  	[sflag:s15] =	ssyncset.done $0x0  }
0xd5: {  	s0 =	rddreg [dreg:$0x5];
	[sflag:s15] =	ssyncadd.s32 $0xFFFFA000  }
0xd6: {  	[hbm4b:s0+s3] =	stream.linear.scatter [tilespmem:s12], [sflag:$0x5], $0x6000, $0x38;
	[tilespmem:$0x18100] =	vst v63  }
0xd7: {  	_ =	swait.ge [sflag:s8], $0x6000  }
0xd8: {  	[sflag:s8] =	ssyncset.done $0x0  }
0xd9: {  	[sflag:s8] =	ssyncadd.s32 $0xFFFFA000  }
0xda: {  	v3 =	vld [tilespmem:$0x78];
	_ =	sdelay $0x4  }
0xdb: {  	v59 =	vshll.u32 v3, $0x3  }
0xdc: {  	v3 =	vand.u32 $0x7, v3;
	v4 =	vand.u32 $0xFFFFFFC0, v59  }
0xdd: {  	v3 =	vor.u32 v3, v4  }
0xde: {  	v4 =	vperm.xlane v3, v0;
	_ =	sdelay $0x1  }
0xdf: {  	v4 =	vadd.s32 v1, v4;
	_ =	sdelay $0x4  }
0xe0: {  	[tilespmem:s12], [sflag:$0x2] =	stream.indirect_vreg.gather [hbm4b:s2+s3], $0x80, v4, vm0, $0xb8;
	[tilespmem:$0x18100] =	vst v63  }
0xe1: {  	v3 =	vperm.xlane v3, v2  }
0xe2: {  	[tilespmem:s29], [sflag:$0x2] =	stream.indirect_vreg.gather [hbm4b:s4+s3], $0x80, v4, vm0, $0xb8;
	[tilespmem:$0x18100] =	vst v63  }
0xe3: {  	v3 =	vadd.s32 v1, v3  }
0xe4: {  	[tilespmem:s30], [sflag:$0x2] =	stream.indirect_vreg.gather [hbm4b:s5+s3], $0x80, v4, vm0, $0xb8;
	[tilespmem:$0x18100] =	vst v63  }
0xe5: {  	_ = 	snop  }
0xe6: {  	[tilespmem:s31], [sflag:$0x2] =	stream.indirect_vreg.gather [hbm4b:s6+s3], $0x80, v4, vm0, $0xb8;
	[tilespmem:$0x18100] =	vst v63  }
0xe7: {  	_ = 	snop  }
0xe8: {  	[tilespmem:s9], [sflag:$0x2] =	stream.indirect_vreg.gather [hbm4b:s2+s3], $0x80, v3, vm0, $0xb8;
	[tilespmem:$0x18100] =	vst v63  }
0xe9: {  	_ = 	snop  }
0xea: {  	[tilespmem:s23], [sflag:$0x2] =	stream.indirect_vreg.gather [hbm4b:s4+s3], $0x80, v3, vm0, $0xb8;
	[tilespmem:$0x18100] =	vst v63  }
0xeb: {  	s13 =	simm.s32 $0x9100  }
0xec: {  	[tilespmem:s13], [sflag:$0x2] =	stream.indirect_vreg.gather [hbm4b:s5+s3], $0x80, v3, vm0, $0xb8;
	[tilespmem:$0x18100] =	vst v63  }
0xed: {  	_ = 	snop  }
0xee: {  	[tilespmem:s21], [sflag:$0x2] =	stream.indirect_vreg.gather [hbm4b:s6+s3], $0x80, v3, vm0, $0xb8;
	[tilespmem:$0x18100] =	vst v63  }
0xef: {  	v3 =	vld.msk [tilespmem:$0x88], $0xff;
	_ =	sdelay $0x4  }
0xf0: {  	v60 =	vshll.u32 v3, $0x3  }
0xf1: {  	v3 =	vand.u32 $0x7, v3;
	v4 =	vand.u32 $0xFFFFFFC0, v60  }
0xf2: {  	v3 =	vor.u32 v3, v4  }
0xf3: {  	v3 =	vperm.xlane v3, v0;
	_ =	sdelay $0x1  }
0xf4: {  	v3 =	vadd.s32 v1, v3;
	_ =	sdelay $0x3  }
0xf5: {  	s9 =	simm.s32 $0xA100  }
0xf6: {  	[tilespmem:s9], [sflag:$0x2] =	stream.indirect_vreg.gather [hbm4b:s2+s3], $0x80, v3, vm0, $0xb8;
	[tilespmem:$0x18100] =	vst v63  }
0xf7: {  	_ = 	snop  }
0xf8: {  	[tilespmem:s11], [sflag:$0x2] =	stream.indirect_vreg.gather [hbm4b:s4+s3], $0x80, v3, vm0, $0xb8;
	[tilespmem:$0x18100] =	vst v63  }
0xf9: {  	s13 =	simm.s32 $0xB100  }
0xfa: {  	[tilespmem:s13], [sflag:$0x2] =	stream.indirect_vreg.gather [hbm4b:s5+s3], $0x80, v3, vm0, $0xb8;
	[tilespmem:$0x18100] =	vst v63  }
0xfb: {  	s9 =	simm.s32 $0xB900  }
0xfc: {  	[tilespmem:s9], [sflag:$0x2] =	stream.indirect_vreg.gather [hbm4b:s6+s3], $0x80, v3, vm0, $0xb8;
	[tilespmem:$0x18100] =	vst v63  }
0xfd: {  	s9 =	simm.s32 $0x3  }
0xfe: {  	_ =	swait.ge [sflag:s9], $0x6000  }
0xff: {  	[sflag:s9] =	ssyncset.done $0x0  }
0x100: {  	s11 =	rddreg [dreg:$0x6];
	[sflag:s9] =	ssyncadd.s32 $0xFFFFA000  }
0x101: {  	[hbm4b:s11+s3] =	stream.linear.scatter [tilespmem:s10], [sflag:$0x5], $0x6000, $0x38;
	[tilespmem:$0x18100] =	vst v63  }
0x102: {  	_ =	swait.ge [sflag:s8], $0x6000  }
0x103: {  	[sflag:s8] =	ssyncset.done $0x0  }
0x104: {  	[sflag:s8] =	ssyncadd.s32 $0xFFFFA000  }
0x105: {  	v3 =	vld [tilespmem:$0x90];
	_ =	sdelay $0x4  }
0x106: {  	v61 =	vshll.u32 v3, $0x3  }
0x107: {  	v3 =	vand.u32 $0x7, v3;
	v4 =	vand.u32 $0xFFFFFFC0, v61  }
0x108: {  	v3 =	vor.u32 v3, v4  }
0x109: {  	v4 =	vperm.xlane v3, v0;
	_ =	sdelay $0x1  }
0x10a: {  	v4 =	vadd.s32 v1, v4;
	_ =	sdelay $0x4  }
0x10b: {  	[tilespmem:s10], [sflag:$0x3] =	stream.indirect_vreg.gather [hbm4b:s2+s3], $0x80, v4, vm0, $0xb8;
	[tilespmem:$0x18100] =	vst v63  }
0x10c: {  	s13 =	simm.s32 $0xC900;
	v3 =	vperm.xlane v3, v2  }
0x10d: {  	[tilespmem:s13], [sflag:$0x3] =	stream.indirect_vreg.gather [hbm4b:s4+s3], $0x80, v4, vm0, $0xb8;
	[tilespmem:$0x18100] =	vst v63  }
0x10e: {  	s11 =	simm.s32 $0xD100;
	v3 =	vadd.s32 v1, v3  }
0x10f: {  	[tilespmem:s11], [sflag:$0x3] =	stream.indirect_vreg.gather [hbm4b:s5+s3], $0x80, v4, vm0, $0xb8;
	[tilespmem:$0x18100] =	vst v63  }
0x110: {  	s13 =	simm.s32 $0xD900  }
0x111: {  	[tilespmem:s13], [sflag:$0x3] =	stream.indirect_vreg.gather [hbm4b:s6+s3], $0x80, v4, vm0, $0xb8;
	[tilespmem:$0x18100] =	vst v63  }
0x112: {  	s11 =	simm.s32 $0xE100  }
0x113: {  	[tilespmem:s11], [sflag:$0x3] =	stream.indirect_vreg.gather [hbm4b:s2+s3], $0x80, v3, vm0, $0xb8;
	[tilespmem:$0x18100] =	vst v63  }
0x114: {  	s13 =	simm.s32 $0xE900  }
0x115: {  	[tilespmem:s13], [sflag:$0x3] =	stream.indirect_vreg.gather [hbm4b:s4+s3], $0x80, v3, vm0, $0xb8;
	[tilespmem:$0x18100] =	vst v63  }
0x116: {  	s11 =	simm.s32 $0xF100  }
0x117: {  	[tilespmem:s11], [sflag:$0x3] =	stream.indirect_vreg.gather [hbm4b:s5+s3], $0x80, v3, vm0, $0xb8;
	[tilespmem:$0x18100] =	vst v63  }
0x118: {  	s13 =	simm.s32 $0xF900  }
0x119: {  	[tilespmem:s13], [sflag:$0x3] =	stream.indirect_vreg.gather [hbm4b:s6+s3], $0x80, v3, vm0, $0xb8;
	[tilespmem:$0x18100] =	vst v63  }
0x11a: {  	v3 =	vld.msk [tilespmem:$0xA0], $0xff;
	_ =	sdelay $0x4  }
0x11b: {  	v62 =	vshll.u32 v3, $0x3  }
0x11c: {  	v3 =	vand.u32 $0x7, v3;
	v4 =	vand.u32 $0xFFFFFFC0, v62  }
0x11d: {  	v3 =	vor.u32 v3, v4  }
0x11e: {  	v3 =	vperm.xlane v3, v0;
	_ =	sdelay $0x1  }
0x11f: {  	v3 =	vadd.s32 v1, v3;
	_ =	sdelay $0x3  }
0x120: {  	s11 =	simm.s32 $0x10100  }
0x121: {  	[tilespmem:s11], [sflag:$0x3] =	stream.indirect_vreg.gather [hbm4b:s2+s3], $0x80, v3, vm0, $0xb8;
	[tilespmem:$0x18100] =	vst v63  }
0x122: {  	s13 =	simm.s32 $0x10900  }
0x123: {  	[tilespmem:s13], [sflag:$0x3] =	stream.indirect_vreg.gather [hbm4b:s4+s3], $0x80, v3, vm0, $0xb8;
	[tilespmem:$0x18100] =	vst v63  }
0x124: {  	s11 =	simm.s32 $0x11100  }
0x125: {  	[tilespmem:s11], [sflag:$0x3] =	stream.indirect_vreg.gather [hbm4b:s5+s3], $0x80, v3, vm0, $0xb8;
	[tilespmem:$0x18100] =	vst v63  }
0x126: {  	s13 =	simm.s32 $0x11900;
	s11 =	simm.s32 $0x4  }
0x127: {  	[tilespmem:s13], [sflag:$0x3] =	stream.indirect_vreg.gather [hbm4b:s6+s3], $0x80, v3, vm0, $0xb8;
	[tilespmem:$0x18100] =	vst v63  }
0x128: {  	_ =	swait.ge [sflag:s11], $0x6000  }
0x129: {  	[sflag:s11] =	ssyncset.done $0x0  }
0x12a: {  	s0 =	rddreg [dreg:$0x7];
	[sflag:s11] =	ssyncadd.s32 $0xFFFFA000  }
0x12b: {  	[hbm4b:s0+s3] =	stream.linear.scatter [tilespmem:s1], [sflag:$0x5], $0x6000, $0x38;
	[tilespmem:$0x18100] =	vst v63  }
0x12c: {  	_ =	swait.ge [sflag:s8], $0x6000  }
0x12d: {  	[sflag:s8] =	ssyncset.done $0x0  }
0x12e: {  	[sflag:s8] =	ssyncadd.s32 $0xFFFFA000  }
0x12f: {  	v3 =	vld [tilespmem:$0xA8];
	_ =	sdelay $0x4  }
0x130: {  	v63 =	vshll.u32 v3, $0x3  }
0x131: {  	v3 =	vand.u32 $0x7, v3;
	v4 =	vand.u32 $0xFFFFFFC0, v63  }
0x132: {  	v3 =	vor.u32 v3, v4  }
0x133: {  	v4 =	vperm.xlane v3, v0;
	_ =	sdelay $0x1  }
0x134: {  	v4 =	vadd.s32 v1, v4;
	_ =	sdelay $0x4  }
0x135: {  	[tilespmem:s1], [sflag:$0x4] =	stream.indirect_vreg.gather [hbm4b:s2+s3], $0x80, v4, vm0, $0xb8;
	[tilespmem:$0x18100] =	vst v63  }
0x136: {  	s13 =	simm.s32 $0x12900;
	v3 =	vperm.xlane v3, v2  }
0x137: {  	[tilespmem:s13], [sflag:$0x4] =	stream.indirect_vreg.gather [hbm4b:s4+s3], $0x80, v4, vm0, $0xb8;
	[tilespmem:$0x18100] =	vst v63  }
0x138: {  	v3 =	vadd.s32 v1, v3;
	s13 =	simm.s32 $0x13100  }
0x139: {  	[tilespmem:s13], [sflag:$0x4] =	stream.indirect_vreg.gather [hbm4b:s5+s3], $0x80, v4, vm0, $0xb8;
	[tilespmem:$0x18100] =	vst v63  }
0x13a: {  	s13 =	simm.s32 $0x13900  }
0x13b: {  	[tilespmem:s13], [sflag:$0x4] =	stream.indirect_vreg.gather [hbm4b:s6+s3], $0x80, v4, vm0, $0xb8;
	[tilespmem:$0x18100] =	vst v63  }
0x13c: {  	s13 =	simm.s32 $0x14100  }
0x13d: {  	[tilespmem:s13], [sflag:$0x4] =	stream.indirect_vreg.gather [hbm4b:s2+s3], $0x80, v3, vm0, $0xb8;
	[tilespmem:$0x18100] =	vst v63  }
0x13e: {  	s13 =	simm.s32 $0x14900  }
0x13f: {  	[tilespmem:s13], [sflag:$0x4] =	stream.indirect_vreg.gather [hbm4b:s4+s3], $0x80, v3, vm0, $0xb8;
	[tilespmem:$0x18100] =	vst v63  }
0x140: {  	s13 =	simm.s32 $0x15100  }
0x141: {  	[tilespmem:s13], [sflag:$0x4] =	stream.indirect_vreg.gather [hbm4b:s5+s3], $0x80, v3, vm0, $0xb8;
	[tilespmem:$0x18100] =	vst v63  }
0x142: {  	s13 =	simm.s32 $0x15900  }
0x143: {  	[tilespmem:s13], [sflag:$0x4] =	stream.indirect_vreg.gather [hbm4b:s6+s3], $0x80, v3, vm0, $0xb8;
	[tilespmem:$0x18100] =	vst v63  }
0x144: {  	_ =	swait.ge [sflag:s14], $0x6000  }
0x145: {  	[sflag:s14] =	ssyncset.done $0x0  }
0x146: {  	s0 =	rddreg [dreg:$0x8];
	[sflag:s14] =	ssyncadd.s32 $0xFFFFA000;
	s14 =	simm.s32 $0x100  }
0x147: {  	[hbm4b:s0+s3] =	stream.linear.scatter [tilespmem:s14], [sflag:$0x5], $0x6000, $0x38;
	[tilespmem:$0x18100] =	vst v63  }
0x148: {  	_ =	swait.ge [sflag:s8], $0x6000  }
0x149: {  	[sflag:s8] =	ssyncset.done $0x0  }
0x14a: {  	[sflag:s8] =	ssyncadd.s32 $0xFFFFA000  }
0x14b: {  	_ =	swait.ge [sflag:s15], $0x6000  }
0x14c: {  	[sflag:s15] =	ssyncset.done $0x0  }
0x14d: {  	s0 =	rddreg [dreg:$0x9];
	[sflag:s15] =	ssyncadd.s32 $0xFFFFA000  }
0x14e: {  	[hbm4b:s0+s3] =	stream.linear.scatter [tilespmem:s12], [sflag:$0x5], $0x6000, $0x38;
	[tilespmem:$0x18100] =	vst v63  }
0x14f: {  	_ =	swait.ge [sflag:s8], $0x6000  }
0x150: {  	[sflag:s8] =	ssyncset.done $0x0  }
0x151: {  	[sflag:s8] =	ssyncadd.s32 $0xFFFFA000  }
0x152: {  	_ =	swait.ge [sflag:s9], $0x6000  }
0x153: {  	[sflag:s9] =	ssyncset.done $0x0  }
0x154: {  	s14 =	rddreg [dreg:$0xa];
	[sflag:s9] =	ssyncadd.s32 $0xFFFFA000  }
0x155: {  	[hbm4b:s14+s3] =	stream.linear.scatter [tilespmem:s10], [sflag:$0x5], $0x6000, $0x38;
	[tilespmem:$0x18100] =	vst v63  }
0x156: {  	_ =	swait.ge [sflag:s8], $0x6000  }
0x157: {  	[sflag:s8] =	ssyncset.done $0x0  }
0x158: {  	[sflag:s8] =	ssyncadd.s32 $0xFFFFA000  }
0x159: {  	_ =	swait.ge [sflag:s11], $0x4000  }
0x15a: {  	p0 =	sne.s32 s7, $0x1;
	[sflag:s11] =	ssyncset.done $0x0  }
.Ltmp0:
0x15b: {  	s15 =	rddreg [dreg:$0xb];
	[sflag:s11] =	ssyncadd.s32 $0xFFFFC000;
	(pc) =	sbr.rel @p0 .LBB2_1-.Ltmp0, $4  }
0x15c: {  	[hbm4b:s15+s3] =	stream.linear.scatter [tilespmem:s1], [sflag:$0x5], $0x4000, $0x38;
	[tilespmem:$0x18100] =	vst v63  }
0x15d: {  	_ =	swait.ge [sflag:s8], $0x4000  }
0x15e: {  	[sflag:s8] =	ssyncset.done $0x0  }
0x15f: {  	s7 =	sadd.s32 $0xFFFFFFFF, s7;
	[sflag:s8] =	ssyncadd.s32 $0xFFFFC000  }
0x160: {  	_ =	sfence.sel $0x180000  }
0x161: {  	[bflag:$0x0] =	sbarrier.arrive $0xFFFF  }
0x162: {  	_ =	strace $0x90000050  }
0x163: {  	s0 =	stileid.u32;
	[bflag:$0x2] =	sbarrier.arrive $0xFFFF  }
0x164: {  	p0 =	sne.s32 s0, $0x0;
	s0 =	rddreg [dreg:$0x2]  }
0x165: {  	s0 =	sadd.s32 @!p0 $0x100000, s0  }
0x166: {  	[sflag:s0] =	ssyncadd.tile.s32 @!p0 $0x1;
	_ =	shalt  }
.Lfunc_end2:
_tile_overlayer_lowered:
.L_overlay_start_2:
0x167: {  	(tag) =	ssettag $0x2  }
0x168: {  	s0 =	rddreg [dreg:$0x0];
	s2 =	stileid.u32  }
0x169: {  	s1 =	rddreg [dreg:$0x1];
	p0 =	sne.s32 s2, $0x0  }
0x16a: {  	s3 =	rddreg [dreg:$0x2];
	[bflag:$0x3] =	sbarrier.arrive $0xFFFF;
	s2 =	simm.s32 @!p0 $0x1C05  }
0x16b: {  	[timem:s3], [sflag:s2] =	dma.local @!p0 [hbm:s0], s1  }
0x16c: {  	s0 =	simm.s32 @!p0 $0x5  }
0x16d: {  	_ =	swait.ge @!p0 [sflag:s0], s1  }
0x16e: {  	s1 =	ssub.s32 @!p0 $0x0, s1;
	[sflag:s0] =	ssyncset.done @!p0 $0x0  }
0x16f: {  	[sflag:s0] =	ssyncadd.s32 @!p0 s1  }
0x170: {  	[bflag:$0x3] =	sbarrier.arrive $0xFFFF  }
0x171: {  	_ =	shalt  }

// kernel: scatter_offload_async_start
scs
__scs_entry_jumppad:
0x0: {  	(pc) =	sbr.rel $0x88, $3  }
0x1: {  	(tag) =	ssettag $0x0;
	lr =	simm.s32 $0x1  }
0x2: {  	[smem:$0x3F9D] =	sst lr;
	_ =	strace $0xD0000000  }
0x3: {  	_ = 	snop  }
0x4: {  	_ = 	snop  }
0x5: {  	_ = 	snop  }
0x6: {  	_ = 	snop  }
0x7: {  	_ = 	snop  }
__scs_overlays_trampoline_lowered:
0x8: {  	[smem:$0x3FAC] =	sst s0  }
0x9: {  	[smem:$0x3FAD] =	sst s1  }
0xa: {  	[smem:$0x3FAE] =	sst s2  }
0xb: {  	[smem:$0x3FAF] =	sst s3  }
0xc: {  	[smem:$0x3FB0] =	sst s4  }
0xd: {  	[smem:$0x3FB1] =	sst s5  }
0xe: {  	[smem:$0x3FB2] =	sst s6  }
0xf: {  	[smem:$0x3FB3] =	sst s7  }
0x10: {  	[smem:$0x3FB4] =	sst s8  }
0x11: {  	[smem:$0x3FB5] =	sst s9;
	s0 =	simm.s32 @!p0 $0x0  }
0x12: {  	s1 =	sld [smem:$0x3F9B];
	s0 =	simm.s32 @p0 $0x1  }
0x13: {  	[smem:$0x3FB6] =	sst s0;
	s0 =	simm.s32 @!p1 $0x0  }
0x14: {  	s2 =	sld [smem:$0x3F9A];
	s0 =	simm.s32 @p1 $0x1  }
0x15: {  	[smem:$0x3FB7] =	sst s0;
	s0 =	simm.s32 @!p2 $0x0  }
0x16: {  	s3 =	sld [smem:$0x3FDB];
	s0 =	simm.s32 @p2 $0x1  }
0x17: {  	s4 =	simm.s32 $0x1BF5;
	[smem:$0x3FB9] =	sst s0  }
0x18: {  	s0 =	sld [smem:$0x3F9C];
	_ =	swait.ge [sflag:s4], $0x0  }
0x19: {  	s7 =	sld [smem:$0x3F9D]  }
0x1a: {  	s8 =	sadd.s32 $0xFFFFE003, lr  }
0x1b: {  	s9 =	sadd.s32 $0xFFFFFEF7, lr;
	s5 =	simm.s32 $0xFFFFFFFF;
	p2 =	slt.u32 s8, $0xFFFFF086  }
0x1c: {  	p1 =	slt.u32 s9, $0xF7A;
	s5 =	simm.s32 @!p2 $0x0  }
0x1d: {  	s5 =	simm.s32 @p1 $0x1;
	p0 =	seq.s32 s7, s2  }
0x1e: {  	s7 =	smul.u32 @!p0 $0xF7A, s2;
	p2 =	seq.s32 @!p0 s5, $0x0  }
0x1f: {  	s9 =	smul.u32 $0xF7A, s1;
	s8 =	simm.s32 @!p0 $0x1BF5;
	p2 =	por !p2, p0  }
0x20: {  	[sflag:s8] =	ssyncset.s32 @!p0 $0xFFFFF086;
	s6 =	sadd.s32 @!p0 s3, s7;
	s7 =	simm.s32 @!p0 $0x108  }
0x21: {  	s3 =	sadd.s32 s3, s9;
	s6 =	sadd.s32 @!p0 $0x88, s6;
	s7 =	simm.s32 @p2 $0x1082  }
0x22: {  	[simem:s7], [sflag:s8] =	dma.local @!p0 [hbm:s6], $0xF7A  }
0x23: {  	s9 =	sor.u32 $0xD0000000, s2;
	s6 =	simm.s32 $0x108;
	_ =	swait.ge @!p0 [sflag:s8], $0x0  }
0x24: {  	s3 =	sadd.s32 $0x88, s3;
	s6 =	simm.s32 @!p1 $0x1082;
	[sflag:s4] =	ssyncset.s32 $0xFFFFF086  }
0x25: {  	[simem:s6], [sflag:s4] =	dma.local [hbm:s3], $0xF7A  }
0x26: {  	[smem:$0x3F9D] =	sst s1;
	(tag) =	ssettag s2;
	_ =	strace s9  }
0x27: {  	s1 =	sld [smem:$0x3FAD]  }
0x28: {  	s2 =	sld [smem:$0x3FAE]  }
0x29: {  	s4 =	sld [smem:$0x3FB0]  }
0x2a: {  	p0 =	seq.s32 s5, $0x0;
	s5 =	sld [smem:$0x3FB1]  }
0x2b: {  	s6 =	sld [smem:$0x3FB2]  }
0x2c: {  	s7 =	sld [smem:$0x3FB3]  }
0x2d: {  	s3 =	simm.s32 $0x108;
	s8 =	sld [smem:$0x3FB4]  }
0x2e: {  	s3 =	simm.s32 @!p0 $0x1082;
	s9 =	sld [smem:$0x3FB5]  }
0x2f: {  	lr =	sadd.s32 s0, s3;
	s0 =	sld [smem:$0x3FAC]  }
0x30: {  	s3 =	sld [smem:$0x3FAF]  }
0x31: {  	[smem:$0x3FB8] =	sst s10  }
0x32: {  	s10 =	sld [smem:$0x3FB6];
	_ =	sdelay $0x3  }
0x33: {  	p0 =	seq.s32 s10, $0x1;
	s10 =	sld [smem:$0x3FB8];
	_ =	sdelay $0x3  }
0x34: {  	[smem:$0x3FB8] =	sst s10  }
0x35: {  	s10 =	sld [smem:$0x3FB7];
	_ =	sdelay $0x3  }
0x36: {  	p1 =	seq.s32 s10, $0x1;
	s10 =	sld [smem:$0x3FB8];
	_ =	sdelay $0x3  }
0x37: {  	[smem:$0x3FB8] =	sst s10  }
0x38: {  	s10 =	sld [smem:$0x3FB9]  }
0x39: {  	_ = 	snop;
	(pc) =	sbr.ind lr, $3  }
0x3a: {  	_ = 	snop  }
0x3b: {  	_ = 	snop  }
0x3c: {  	p2 =	seq.s32 s10, $0x1;
	s10 =	sld [smem:$0x3FB8]  }
0x3d: {  	_ =	shalt  }
0x3e: {  	_ =	shalt  }
0x3f: {  	_ =	shalt  }
0x40: {  	_ =	shalt  }
0x41: {  	_ =	shalt  }
0x42: {  	_ =	shalt  }
0x43: {  	_ =	shalt  }
0x44: {  	_ =	shalt  }
0x45: {  	_ =	shalt  }
0x46: {  	_ =	shalt  }
0x47: {  	_ =	shalt  }
0x48: {  	_ =	shalt  }
0x49: {  	_ =	shalt  }
0x4a: {  	_ =	shalt  }
0x4b: {  	_ =	shalt  }
0x4c: {  	_ =	shalt  }
0x4d: {  	_ =	shalt  }
0x4e: {  	_ =	shalt  }
0x4f: {  	_ =	shalt  }
0x50: {  	_ =	shalt  }
0x51: {  	_ =	shalt  }
0x52: {  	_ =	shalt  }
0x53: {  	_ =	shalt  }
0x54: {  	_ =	shalt  }
0x55: {  	_ =	shalt  }
0x56: {  	_ =	shalt  }
0x57: {  	_ =	shalt  }
0x58: {  	_ =	shalt  }
0x59: {  	_ =	shalt  }
0x5a: {  	_ =	shalt  }
0x5b: {  	_ =	shalt  }
0x5c: {  	_ =	shalt  }
0x5d: {  	_ =	shalt  }
0x5e: {  	_ =	shalt  }
0x5f: {  	_ =	shalt  }
0x60: {  	_ =	shalt  }
0x61: {  	_ =	shalt  }
0x62: {  	_ =	shalt  }
0x63: {  	_ =	shalt  }
0x64: {  	_ =	shalt  }
0x65: {  	_ =	shalt  }
0x66: {  	_ =	shalt  }
0x67: {  	_ =	shalt  }
0x68: {  	_ =	shalt  }
0x69: {  	_ =	shalt  }
0x6a: {  	_ =	shalt  }
0x6b: {  	_ =	shalt  }
0x6c: {  	_ =	shalt  }
0x6d: {  	_ =	shalt  }
0x6e: {  	_ =	shalt  }
0x6f: {  	_ =	shalt  }
0x70: {  	_ =	shalt  }
0x71: {  	_ =	shalt  }
0x72: {  	_ =	shalt  }
0x73: {  	_ =	shalt  }
0x74: {  	_ =	shalt  }
0x75: {  	_ =	shalt  }
0x76: {  	_ =	shalt  }
0x77: {  	_ =	shalt  }
0x78: {  	_ =	shalt  }
0x79: {  	_ =	shalt  }
0x7a: {  	_ =	shalt  }
0x7b: {  	_ =	shalt  }
0x7c: {  	_ =	shalt  }
0x7d: {  	_ =	shalt  }
0x7e: {  	_ =	shalt  }
0x7f: {  	_ =	shalt  }
0x80: {  	_ =	shalt  }
0x81: {  	_ =	shalt  }
0x82: {  	_ =	shalt  }
0x83: {  	_ =	shalt  }
0x84: {  	_ =	shalt  }
0x85: {  	_ =	shalt  }
0x86: {  	_ =	shalt  }
0x87: {  	_ =	shalt  }
.Lfunc_end0:
.L_simem_size_0:
called_computation_lowered:
.L_overlay_start_0:
0x88: {  	s0 =	sld [smem:$0x3FD9]  }
0x89: {  	s1 =	sld [smem:$0x3FFE];
	_ =	sdelay $0x3  }
0x8a: {  	s0 =	sadd.s32 s1, s0  }
0x8b: {  	[smem:$0x3FC4] =	sst s0  }
0x8c: {  	_ = 	snop  }
0x8d: {  	s0 =	sld [smem:$0x3FD0];
	(tm) =	ssettm $0x1  }
0x8e: {  	s16 =	sld [smem:$0x3FFB];
	_ =	sdelay $0x3  }
0x8f: {  	_ =	strace s16  }
0x90: {  	s1 =	sld [smem:$0x3FFC];
	_ =	sdelay $0x3  }
0x91: {  	_ =	strace s1  }
0x92: {  	s1 =	sld [smem:$0x3FFD];
	_ =	sdelay $0x3  }
0x93: {  	_ =	strace s1  }
0x94: {  	_ =	strace $0x8FFFFFFF  }
0x95: {  	s17 =	sld [smem:$0x3FDB];
	_ =	sdelay $0x1  }
0x96: {  	s2 =	simm.s32 $_scs_section_size  }
0x97: {  	s3 =	simm.s32 $_size__tile_overlayer_lowered;
	s4 =	simm.s32 $_tile_overlayer_lowered  }
0x98: {  	s20 =	simm.s32 $0x1BFF;
	s19 =	sshll.u32 s4, $0x1;
	s1 =	sadd.s32 s2, s17  }
0x99: {  	s5 =	simm.s32 $0x0;
	s18 =	sshll.u32 s3, $0x1;
	s3 =	sadd.s32 s19, s1  }
0x9a: {  	[timem:s5], [sflag:s20] =	dma.local [hbm:s3], s18  }
0x9b: {  	_ =	swait.ge [sflag:s20], s18  }
0x9c: {  	s2 =	ssub.s32 $0x0, s18;
	[sflag:s20] =	ssyncset.done $0x0  }
0x9d: {  	[sflag:s20] =	ssyncadd.s32 s2;
	_ =	sdelay $0x1  }
0x9e: {  	s21 =	simm.s32 $0x1B8B  }
0x9f: {  	_ =	swait.ge [sflag:s21], $0x1  }
0xa0: {  	[sflag:s21] =	ssyncset.done $0x0  }
0xa1: {  	s23 =	simm.s32 $0x1B8E;
	s22 =	sld [smem:$0x3FFE];
	[sflag:s21] =	ssyncadd.s32 $0xFFFFFFFF  }
0xa2: {  	s24 =	simm.s32 $execute0_lowered;
	[smem:$0x3FD2] =	sst s23  }
0xa3: {  	s3 =	sshll.u32 s24, $0x1;
	_ =	strace $0x80000049;
	[dreg:$0x1] =	wrdreg $0xFFFFFFFF  }
0xa4: {  	s25 =	simm.s32 $_size_execute0_lowered;
	s1 =	sadd.s32 s1, s3;
	[dreg:$0x0] =	wrdreg $0x0  }
0xa5: {  	s3 =	sshll.u32 s25, $0x1;
	[dreg:$0x2] =	wrdreg s1  }
0xa6: {  	[dreg:$0x3] =	wrdreg s3  }
0xa7: {  	[dreg:$0x4] =	wrdreg $0xC0  }
0xa8: {  	_ =	task [dreg:s5], $0x5FFFF  }
0xa9: {  	[dreg:$0x1] =	wrdreg $0xFFFFFFFF  }
0xaa: {  	[dreg:$0x0] =	wrdreg $0x60  }
0xab: {  	[dreg:$0x2] =	wrdreg s22  }
0xac: {  	[dreg:$0x3] =	wrdreg s0  }
0xad: {  	[dreg:$0x4] =	wrdreg $0x9  }
0xae: {  	_ =	task.clear_ibuf [dreg:s5], $0x5FFFF;
	_ =	strace $0x90000049  }
0xaf: {  	s26 =	simm.s32 $0x9;
	_ =	strace $0x8000004B  }
0xb0: {  	_ =	swait.ge [sflag:s26], $0x1  }
0xb1: {  	[sflag:s26] =	ssyncadd.s32 $0xFFFFFFFF  }
0xb2: {  	_ =	strace $0x9000004B  }
0xb3: {  	_ =	sfence  }
0xb4: {  	s28 =	sld [smem:$0x0];
	_ =	sdelay $0x1  }
0xb5: {  	s29 =	srdreg.scid  }
0xb6: {  	s30 =	sshll.u32 s29, $0xD;
	s31 =	sshrl.u32 s29, $0x2  }
0xb7: {  	s2 =	sand.u32 $0x4000, s30;
	s1 =	sand.u32 $0x1, s29;
	s0 =	sadd.s32 s31, s28  }
0xb8: {  	s1 =	sor.u32 s2, s1;
	s0 =	sshll.u32 s0, $0x11  }
0xb9: {  	s0 =	sor.u32 s0, s1  }
0xba: {  	s0 =	sadd.s32 $0x8F2B, s0  }
0xbb: {  	[sflag:s0] =	ssyncadd.remote.s32 $0x1  }
0xbc: {  	_ =	sfence.sel $0xFFFF  }
0xbd: {  	[dreg:$0x0] =	wrdreg $0xFFFFFFFF;
	(pc) =	sbr.abs _section_cstart, $3  }
0xbe: {  	[dreg:$0x1] =	wrdreg $0xFFFFFFFF  }
0xbf: {  	_ =	task.clear_ibuf [dreg:s5], $0x2FFFF;
	_ =	strace $0x9FFFFFFF  }
0xc0: {  	(tm) =	ssettm $0x7FFFFFFF  }
0xc1: {  	_ =	shalt  }
tec
execute0_lowered:
.L_overlay_start_1:
0x0: {  	(tag) =	ssettag $0x1  }
0x1: {  	s5 =	rddreg [dreg:$0x0]  }
0x2: {  	s6 =	rddreg [dreg:$0x1]  }
0x3: {  	s0 =	rddreg [dreg:$0x2];
	_ =	strace $0x8000004A;
	s7 =	stileid.u32  }
0x4: {  	s3 =	simm.s32 $0x3E;
	s1 =	sadd.s32 $0x600, s5;
	p0 =	sne.s32 s7, $0x0  }
0x5: {  	[sflag:s3] =	ssyncpa.u1 $0x0;
	s4 =	simm.s32 @!p0 $0x1C3E;
	s2 =	simm.s32 @!p0 $0x0  }
0x6: {  	[spmem:s2], [sflag:s4] =	dma.local @!p0 [hbm:s1], $0x10  }
0x7: {  	s4 =	simm.s32 @!p0 $0x3E  }
0x8: {  	_ =	swait.ge @!p0 [sflag:s4], $0x10  }
0x9: {  	[sflag:s4] =	ssyncset.done @!p0 $0x0  }
0xa: {  	[sflag:s4] =	ssyncadd.s32 @!p0 $0xFFFFFFF0  }
0xb: {  	s9 =	simm.s32 $0x108;
	s8 =	sadd.s32 $0x800, s5;
	[bflag:$0x0] =	sbarrier.arrive $0xFFFF  }
0xc: {  	s7 =	sshll.u32 s7, $0x5;
	[sflag:s3] =	ssyncpa.u1 $0x1;
	s3 =	simm.s32 $0x1  }
0xd: {  	s5 =	simm.s32 $0x0;
	s4 =	simm.s32 $0x2;
	[sflag:s3] =	ssyncpa.u1 $0x0  }
0xe: {  	s6 =	sadd.s32 s6, s7;
	(ifvalue) =	ssetifvalue $0x80;
	[sflag:s4] =	ssyncpa.u1 $0x0  }
0xf: {  	[tilespmem:s9], [sflag:$0x2] =	stream.linear.gather [hbm4b:s6+s5], $0x100, $0x38;
	[tilespmem:$0x408] =	vst v63  }
0x10: {  	s23 =	simm.s32 $0x308;
	s22 =	sadd.s32 s8, s7  }
0x11: {  	[tilespmem:s23], [sflag:$0x2] =	stream.linear.gather [hbm4b:s22+s5], $0x100, $0x38;
	[tilespmem:$0x408] =	vst v63  }
0x12: {  	_ =	swait.ge [sflag:s4], $0x200  }
0x13: {  	[sflag:s4] =	ssyncset.done $0x0  }
0x14: {  	[sflag:s4] =	ssyncadd.s32 $0xFFFFFE00  }
0x15: {  	v0 =	vld.msk [tilespmem:s9+$0x0 ss:$0x1], $0xffff;
	_ =	sdelay $0x4  }
0x16: {  	v0 =	vmin.u32 v0, $0x80;
	_ =	sdelay $0x3  }
0x17: {  	vm0 =	vmmov $0xffff;
	s24 =	simm.s32 $0x118  }
0x18: {  	[spmem:s5] =	stream.indirect_vreg.scatter.add.s32 [tilespmem:s23], [sflag:$0x1], $0x1, v0, vm0, $0x4038;
	[tilespmem:$0x408] =	vst v63  }
0x19: {  	v0 =	vld.msk [tilespmem:s24+$0x0 ss:$0x1], $0xffff;
	_ =	sdelay $0x4  }
0x1a: {  	v0 =	vmin.u32 v0, $0x80;
	_ =	sdelay $0x3  }
0x1b: {  	s25 =	simm.s32 $0x318;
	s26 =	simm.s32 $0x128  }
0x1c: {  	[spmem:s5] =	stream.indirect_vreg.scatter.add.s32 [tilespmem:s25], [sflag:$0x1], $0x1, v0, vm0, $0x4038;
	[tilespmem:$0x408] =	vst v63  }
0x1d: {  	v0 =	vld.msk [tilespmem:s26+$0x0 ss:$0x1], $0xffff;
	_ =	sdelay $0x4  }
0x1e: {  	v0 =	vmin.u32 v0, $0x80;
	_ =	sdelay $0x3  }
0x1f: {  	s28 =	simm.s32 $0x328;
	s29 =	simm.s32 $0x138  }
0x20: {  	[spmem:s5] =	stream.indirect_vreg.scatter.add.s32 [tilespmem:s28], [sflag:$0x1], $0x1, v0, vm0, $0x4038;
	[tilespmem:$0x408] =	vst v63  }
0x21: {  	v0 =	vld.msk [tilespmem:s29+$0x0 ss:$0x1], $0xffff;
	_ =	sdelay $0x4  }
0x22: {  	v0 =	vmin.u32 v0, $0x80;
	_ =	sdelay $0x3  }
0x23: {  	s30 =	simm.s32 $0x338;
	s31 =	simm.s32 $0x148  }
0x24: {  	[spmem:s5] =	stream.indirect_vreg.scatter.add.s32 [tilespmem:s30], [sflag:$0x1], $0x1, v0, vm0, $0x4038;
	[tilespmem:$0x408] =	vst v63  }
0x25: {  	v0 =	vld.msk [tilespmem:s31+$0x0 ss:$0x1], $0xffff;
	_ =	sdelay $0x4  }
0x26: {  	v0 =	vmin.u32 v0, $0x80;
	_ =	sdelay $0x3  }
0x27: {  	s7 =	simm.s32 $0x348;
	s8 =	simm.s32 $0x158  }
0x28: {  	[spmem:s5] =	stream.indirect_vreg.scatter.add.s32 [tilespmem:s7], [sflag:$0x1], $0x1, v0, vm0, $0x4038;
	[tilespmem:$0x408] =	vst v63  }
0x29: {  	v0 =	vld.msk [tilespmem:s8+$0x0 ss:$0x1], $0xffff;
	_ =	sdelay $0x4  }
0x2a: {  	v0 =	vmin.u32 v0, $0x80;
	_ =	sdelay $0x3  }
0x2b: {  	s10 =	simm.s32 $0x168;
	s9 =	simm.s32 $0x358  }
0x2c: {  	[spmem:s5] =	stream.indirect_vreg.scatter.add.s32 [tilespmem:s9], [sflag:$0x1], $0x1, v0, vm0, $0x4038;
	[tilespmem:$0x408] =	vst v63  }
0x2d: {  	v0 =	vld.msk [tilespmem:s10+$0x0 ss:$0x1], $0xffff;
	_ =	sdelay $0x4  }
0x2e: {  	v0 =	vmin.u32 v0, $0x80;
	_ =	sdelay $0x3  }
0x2f: {  	s11 =	simm.s32 $0x368;
	s12 =	simm.s32 $0x178  }
0x30: {  	[spmem:s5] =	stream.indirect_vreg.scatter.add.s32 [tilespmem:s11], [sflag:$0x1], $0x1, v0, vm0, $0x4038;
	[tilespmem:$0x408] =	vst v63  }
0x31: {  	v0 =	vld.msk [tilespmem:s12+$0x0 ss:$0x1], $0xffff;
	_ =	sdelay $0x4  }
0x32: {  	v0 =	vmin.u32 v0, $0x80;
	_ =	sdelay $0x3  }
0x33: {  	s13 =	simm.s32 $0x378;
	s14 =	simm.s32 $0x188  }
0x34: {  	[spmem:s5] =	stream.indirect_vreg.scatter.add.s32 [tilespmem:s13], [sflag:$0x1], $0x1, v0, vm0, $0x4038;
	[tilespmem:$0x408] =	vst v63  }
0x35: {  	v0 =	vld.msk [tilespmem:s14+$0x0 ss:$0x1], $0xffff;
	_ =	sdelay $0x4  }
0x36: {  	v0 =	vmin.u32 v0, $0x80;
	_ =	sdelay $0x3  }
0x37: {  	s15 =	simm.s32 $0x388;
	s16 =	simm.s32 $0x198  }
0x38: {  	[spmem:s5] =	stream.indirect_vreg.scatter.add.s32 [tilespmem:s15], [sflag:$0x1], $0x1, v0, vm0, $0x4038;
	[tilespmem:$0x408] =	vst v63  }
0x39: {  	v0 =	vld.msk [tilespmem:s16+$0x0 ss:$0x1], $0xffff;
	_ =	sdelay $0x4  }
0x3a: {  	v0 =	vmin.u32 v0, $0x80;
	_ =	sdelay $0x3  }
0x3b: {  	s17 =	simm.s32 $0x398;
	s18 =	simm.s32 $0x1A8  }
0x3c: {  	[spmem:s5] =	stream.indirect_vreg.scatter.add.s32 [tilespmem:s17], [sflag:$0x1], $0x1, v0, vm0, $0x4038;
	[tilespmem:$0x408] =	vst v63  }
0x3d: {  	v0 =	vld.msk [tilespmem:s18+$0x0 ss:$0x1], $0xffff;
	_ =	sdelay $0x4  }
0x3e: {  	v0 =	vmin.u32 v0, $0x80;
	_ =	sdelay $0x3  }
0x3f: {  	s19 =	simm.s32 $0x3A8;
	s20 =	simm.s32 $0x1B8  }
0x40: {  	[spmem:s5] =	stream.indirect_vreg.scatter.add.s32 [tilespmem:s19], [sflag:$0x1], $0x1, v0, vm0, $0x4038;
	[tilespmem:$0x408] =	vst v63  }
0x41: {  	v0 =	vld.msk [tilespmem:s20+$0x0 ss:$0x1], $0xffff;
	_ =	sdelay $0x4  }
0x42: {  	v0 =	vmin.u32 v0, $0x80;
	_ =	sdelay $0x3  }
0x43: {  	s21 =	simm.s32 $0x3B8;
	s22 =	simm.s32 $0x1C8  }
0x44: {  	[spmem:s5] =	stream.indirect_vreg.scatter.add.s32 [tilespmem:s21], [sflag:$0x1], $0x1, v0, vm0, $0x4038;
	[tilespmem:$0x408] =	vst v63  }
0x45: {  	v0 =	vld.msk [tilespmem:s22+$0x0 ss:$0x1], $0xffff;
	_ =	sdelay $0x4  }
0x46: {  	v0 =	vmin.u32 v0, $0x80;
	_ =	sdelay $0x3  }
0x47: {  	s23 =	simm.s32 $0x3C8;
	s24 =	simm.s32 $0x1D8  }
0x48: {  	[spmem:s5] =	stream.indirect_vreg.scatter.add.s32 [tilespmem:s23], [sflag:$0x1], $0x1, v0, vm0, $0x4038;
	[tilespmem:$0x408] =	vst v63  }
0x49: {  	v0 =	vld.msk [tilespmem:s24+$0x0 ss:$0x1], $0xffff;
	_ =	sdelay $0x4  }
0x4a: {  	v0 =	vmin.u32 v0, $0x80;
	_ =	sdelay $0x3  }
0x4b: {  	s25 =	simm.s32 $0x3D8;
	s26 =	simm.s32 $0x1E8  }
0x4c: {  	[spmem:s5] =	stream.indirect_vreg.scatter.add.s32 [tilespmem:s25], [sflag:$0x1], $0x1, v0, vm0, $0x4038;
	[tilespmem:$0x408] =	vst v63  }
0x4d: {  	v0 =	vld.msk [tilespmem:s26+$0x0 ss:$0x1], $0xffff;
	_ =	sdelay $0x4  }
0x4e: {  	v0 =	vmin.u32 v0, $0x80;
	_ =	sdelay $0x3  }
0x4f: {  	s28 =	simm.s32 $0x3E8;
	s29 =	simm.s32 $0x1F8  }
0x50: {  	[spmem:s5] =	stream.indirect_vreg.scatter.add.s32 [tilespmem:s28], [sflag:$0x1], $0x1, v0, vm0, $0x4038;
	[tilespmem:$0x408] =	vst v63  }
0x51: {  	v0 =	vld.msk [tilespmem:s29+$0x0 ss:$0x1], $0xffff;
	_ =	sdelay $0x4  }
0x52: {  	v0 =	vmin.u32 v0, $0x80;
	_ =	sdelay $0x3  }
0x53: {  	s30 =	simm.s32 $0x3F8  }
0x54: {  	[spmem:s5] =	stream.indirect_vreg.scatter.add.s32 [tilespmem:s30], [sflag:$0x1], $0x1, v0, vm0, $0x4038;
	[tilespmem:$0x408] =	vst v63  }
0x55: {  	_ =	swait.ge [sflag:s3], $0x100  }
0x56: {  	[sflag:s3] =	ssyncset.done $0x0  }
0x57: {  	[sflag:s3] =	ssyncadd.s32 $0xFFFFFF00  }
0x58: {  	_ =	sfence.sel $0x180000  }
0x59: {  	[bflag:$0x0] =	sbarrier.arrive $0xFFFF  }
0x5a: {  	[sflag:s4] =	ssyncpa.u1 $0x1  }
0x5b: {  	[sflag:s3] =	ssyncpa.u1 $0x1  }
0x5c: {  	_ =	sfence.stream.spmem  }
0x5d: {  	s31 =	simm.s32 $0x3D;
	[bflag:$0x0] =	sbarrier.arrive $0xFFFF  }
0x5e: {  	s3 =	simm.s32 @p0 $0x3D;
	[sflag:s31] =	ssyncpa.u1 $0x0  }
0x5f: {  	[sflag:s3] =	ssyncpa.u1 @p0 $0x1  }
0x60: {  	[bflag:$0x0] =	sbarrier.arrive @p0 $0xFFFF  }
0x61: {  	_ =	strace @p0 $0x9000004A  }
0x62: {  	s3 =	simm.s32 @!p0 $0x1C3D;
	[bflag:$0x2] =	sbarrier.arrive @p0 $0xFFFF  }
0x63: {  	[hbm:s1], [sflag:s3] =	dma.local @!p0 [spmem:s2], $0x10  }
0x64: {  	s1 =	simm.s32 @!p0 $0x3D  }
0x65: {  	_ =	swait.ge @!p0 [sflag:s1], $0x10  }
0x66: {  	[sflag:s1] =	ssyncset.done @!p0 $0x0  }
0x67: {  	[sflag:s1] =	ssyncadd.s32 @!p0 $0xFFFFFFF0  }
0x68: {  	[sflag:s1] =	ssyncpa.u1 @!p0 $0x1  }
0x69: {  	[bflag:$0x0] =	sbarrier.arrive @!p0 $0xFFFF  }
0x6a: {  	_ =	strace @!p0 $0x9000004A  }
0x6b: {  	s0 =	sadd.s32 @!p0 $0x100000, s0;
	[bflag:$0x2] =	sbarrier.arrive @!p0 $0xFFFF  }
0x6c: {  	[sflag:s0] =	ssyncadd.tile.s32 @!p0 $0x1;
	_ =	shalt  }
.Lfunc_end2:
_tile_overlayer_lowered:
.L_overlay_start_2:
0x6d: {  	(tag) =	ssettag $0x2  }
0x6e: {  	s0 =	rddreg [dreg:$0x0];
	s2 =	stileid.u32  }
0x6f: {  	s1 =	rddreg [dreg:$0x1];
	p0 =	sne.s32 s2, $0x0  }
0x70: {  	s3 =	rddreg [dreg:$0x2];
	[bflag:$0x3] =	sbarrier.arrive $0xFFFF;
	s2 =	simm.s32 @!p0 $0x1C01  }
0x71: {  	[timem:s3], [sflag:s2] =	dma.local @!p0 [hbm:s0], s1  }
0x72: {  	s0 =	simm.s32 @!p0 $0x1  }
0x73: {  	_ =	swait.ge @!p0 [sflag:s0], s1  }
0x74: {  	s1 =	ssub.s32 @!p0 $0x0, s1;
	[sflag:s0] =	ssyncset.done @!p0 $0x0  }
0x75: {  	[sflag:s0] =	ssyncadd.s32 @!p0 s1  }
0x76: {  	[bflag:$0x3] =	sbarrier.arrive $0xFFFF  }
0x77: {  	_ =	shalt  }

</sc_bundles>
